<compile_context>
chip_gen: v7x
topology: tpu7x:2x2x1
jax: 0.10.2.dev20260603
libtpu: 0.0.44.dev20260713+nightly
codegen_flags: <defaults>
</compile_context>

<pallas_src>
import functools

import jax
import jax.numpy as jnp
import numpy as np
from jax import lax
from jax.experimental import pallas as pl
from jax.experimental.pallas import tpu as pltpu
from jax.experimental.pallas import tpu_sc as plsc

DIM = 64
NUM_CORES = 2
NUM_SUBCORES = 16
NW = NUM_CORES * NUM_SUBCORES
BLK = 512
NBUF = 3


def _pos_encoding(length, depth):
    pos = np.arange(length)[:, None].astype(np.float32)
    i = np.arange(depth)[None, :].astype(np.float32)
    angle_rates = 1.0 / np.power(10000.0, (2.0 * np.floor(i / 2.0)) / np.float32(depth))
    angle_rads = pos * angle_rates
    pe = np.zeros((length, depth), dtype=np.float32)
    pe[:, 0::2] = np.sin(angle_rads[:, 0::2])
    pe[:, 1::2] = np.cos(angle_rads[:, 1::2])
    return pe


_PE = _pos_encoding(5000, DIM)


def _sc_embed(tok_table, idx_flat, ci_flat, pe_seg8):
    n = idx_flat.shape[0]
    per_w = n // NW
    nblk = per_w // BLK
    assert nblk >= 7 and nblk * BLK == per_w
    mesh = plsc.VectorSubcoreMesh(core_axis_name="c", subcore_axis_name="s")

    @functools.partial(
        pl.kernel,
        mesh=mesh,
        compiler_params=pltpu.CompilerParams(use_tc_tiling_on_sc=False),
        out_type=jax.ShapeDtypeStruct((n, DIM), jnp.float32),
        scratch_types=[
            pltpu.VMEM((NBUF, BLK), jnp.int32),
            pltpu.VMEM((NBUF, BLK), jnp.int32),
            pltpu.VMEM((NBUF, BLK, DIM), jnp.float32),
            pltpu.SemaphoreType.DMA,
            pltpu.SemaphoreType.DMA,
            pltpu.SemaphoreType.DMA,
            pltpu.SemaphoreType.DMA,
            pltpu.SemaphoreType.DMA,
            pltpu.SemaphoreType.DMA,
            pltpu.SemaphoreType.DMA,
            pltpu.SemaphoreType.DMA,
            pltpu.SemaphoreType.DMA,
        ],
    )
    def k(table_hbm, idx_hbm, ci_hbm, ps_hbm, out_hbm,
          idx_v, ci_v, buf_v,
          si0, si1, si2, sg0, sg1, sg2, sw0, sw1, sw2):
        sem_i = (si0, si1, si2)
        sem_g = (sg0, sg1, sg2)
        sem_w = (sw0, sw1, sw2)
        wid = lax.axis_index("s") * NUM_CORES + lax.axis_index("c")
        base = wid * per_w

        def stage(g, b):
            off = base + g * BLK
            pltpu.async_copy(idx_hbm.at[pl.ds(off, BLK)], idx_v.at[b], sem_i[b])
            pltpu.async_copy(ci_hbm.at[pl.ds(off, BLK)], ci_v.at[b], sem_i[b])

        def wait_stage(g, b):
            off = base + g * BLK
            pltpu.make_async_copy(idx_hbm.at[pl.ds(off, BLK)], idx_v.at[b], sem_i[b]).wait()
            pltpu.make_async_copy(ci_hbm.at[pl.ds(off, BLK)], ci_v.at[b], sem_i[b]).wait()

        def fire_ps(b):
            pltpu.async_copy(ps_hbm.at[ci_v.at[b]], buf_v.at[b], sem_g[b])

        def wait_ps(b):
            pltpu.make_async_copy(ps_hbm.at[ci_v.at[b]], buf_v.at[b], sem_g[b]).wait()

        def fire_tok_add(b):
            pltpu.async_copy(table_hbm.at[idx_v.at[b]], buf_v.at[b], sem_g[b], add=True)

        def wait_tok_add(b):
            pltpu.make_async_copy(table_hbm.at[idx_v.at[b]], buf_v.at[b], sem_g[b]).wait()

        def fire_write(g, b):
            pltpu.async_copy(buf_v.at[b], out_hbm.at[pl.ds(base + g * BLK, BLK)], sem_w[b])

        def wait_write(g, b):
            pltpu.make_async_copy(
                buf_v.at[b], out_hbm.at[pl.ds(base + g * BLK, BLK)], sem_w[b]
            ).wait()

        def compute(b):
            bv = buf_v.at[b]

            def row_body(r, c2):
                for kk in range(DIM // 16):
                    sl = pl.ds(kk * 16, 16)
                    bv[r, sl] = bv[r, sl] * 8.0
                return c2

            lax.fori_loop(0, BLK, row_body, 0, unroll=2)

        def body(g, b, stage_next, wprev, ps_next, tok_next):
            bn, bp = (b + 1) % NBUF, (b + 2) % NBUF
            wait_tok_add(b)
            compute(b)
            fire_write(g, b)
            if stage_next:
                stage(g + NBUF, b)
            if wprev:
                wait_write(g - 1, bp)
            if ps_next:
                wait_stage(g + 2, bp)
                fire_ps(bp)
            if tok_next:
                wait_ps(bn)
                fire_tok_add(bn)

        stage(0, 0)
        wait_stage(0, 0)
        fire_ps(0)
        stage(1, 1)
        stage(2, 2)
        wait_ps(0)
        fire_tok_add(0)
        wait_stage(1, 1)
        fire_ps(1)

        body(0, 0, stage_next=True, wprev=False, ps_next=True, tok_next=True)

        ntrip = (nblk - 4) // NBUF

        def triple(i3, carry):
            for db in range(NBUF):
                g = 1 + i3 * NBUF + db
                body(g, (1 + db) % NBUF, True, True, True, True)
            return carry

        lax.fori_loop(0, ntrip, triple, 0)
        for g in range(1 + ntrip * NBUF, nblk - 3):
            body(g, g % NBUF, True, True, True, True)

        body(nblk - 3, (nblk - 3) % NBUF, False, True, True, True)
        body(nblk - 2, (nblk - 2) % NBUF, False, True, False, True)
        body(nblk - 1, (nblk - 1) % NBUF, False, True, False, False)
        wait_write(nblk - 1, (nblk - 1) % NBUF)

    return k(tok_table, idx_flat, ci_flat, pe_seg8)


def kernel(token_ids, segment_ids, tok_table, seg_table):
    b, s = token_ids.shape
    idx_flat = token_ids.astype(jnp.int32).reshape(-1)
    pos = jnp.arange(s, dtype=jnp.int32)
    ci_flat = (segment_ids.astype(jnp.int32) * s + pos[None, :]).reshape(-1)
    pe = jnp.asarray(_PE[:s], dtype=jnp.float32)
    pe_seg8 = ((seg_table[:, None, :] + pe[None, :, :]) * 0.125).reshape(-1, DIM)
    out = _sc_embed(tok_table, idx_flat, ci_flat, pe_seg8)
    return out.reshape(b, s, DIM)

# --- scband reference (transcript-rebuilt; emitter-appended) ---
"""Pipeline reference for scband-preprocessing-13554916786337 (READ-ONLY COPY).

The authoritative reference and input builder live on the scoring server;
editing this copy changes nothing except your own understanding.
"""

import jax, jax.numpy as jnp
import numpy as np

VOCAB = 1000000
DIM = 64
MAXLEN = 5000
B = 4096
S = 200


def positional_encoding(length, depth):
    pos = np.arange(length)[:, None].astype(np.float32)
    i = np.arange(depth)[None, :].astype(np.float32)
    angle_rates = 1.0 / np.power(10000.0, (2.0 * np.floor(i / 2.0)) / np.float32(depth))
    angle_rads = pos * angle_rates
    pe = np.zeros((length, depth), dtype=np.float32)
    pe[:, 0::2] = np.sin(angle_rads[:, 0::2])
    pe[:, 1::2] = np.cos(angle_rads[:, 1::2])
    return jnp.asarray(pe[None, :, :])


PE = positional_encoding(MAXLEN, DIM)


def setup_inputs(seed: int = 0):
    key = jax.random.key(seed)
    k1, k2, k3, k4 = jax.random.split(key, 4)
    token_ids = jax.random.randint(k1, (B, S), 0, VOCAB)
    segment_ids = jax.random.randint(k2, (B, S), 0, 2)
    tok_table = jax.random.normal(k3, (VOCAB, DIM), dtype=jnp.float32) * 0.02
    seg_table = jax.random.normal(k4, (2, DIM), dtype=jnp.float32) * 0.02
    return {"token_ids": token_ids, "segment_ids": segment_ids, "tok_table": tok_table, "seg_table": seg_table}


def reference(token_ids, segment_ids, tok_table, seg_table):
    seq_len = token_ids.shape[1]
    token_embedding = jnp.take(tok_table, token_ids, axis=0)
    token_embedding = token_embedding * jnp.sqrt(jnp.float32(DIM))
    segment_embedding = jnp.take(seg_table, segment_ids, axis=0)
    positions = PE[:, :seq_len, :]
    position_embeddings = jnp.broadcast_to(positions, (token_ids.shape[0], seq_len, DIM))
    return token_embedding + segment_embedding + position_embeddings

if __name__ == "__main__":
    import jax
    _d = setup_inputs()
    print(jax.jit(kernel)(*tuple(_d.values())))

</pallas_src>

<mosaic_0001>
#map = affine_map<(d0, d1) -> (0, 0)>
#map1 = affine_map<(d0, d1) -> (0)>
module attributes {stable_mosaic.version = 14 : i64} {
  func.func @k(%arg0: i32, %arg1: i32, %arg2: memref<1000000x64xf32, #tpu.memory_space<hbm>>, %arg3: memref<819200xi32, #tpu.memory_space<hbm>>, %arg4: memref<819200xi32, #tpu.memory_space<hbm>>, %arg5: memref<400x64xf32, #tpu.memory_space<hbm>>, %arg6: memref<819200x64xf32, #tpu.memory_space<hbm>>, %arg7: memref<3x512xi32, #tpu.memory_space<vmem>>, %arg8: memref<3x512xi32, #tpu.memory_space<vmem>>, %arg9: memref<3x512x64xf32, #tpu.memory_space<vmem>>, %arg10: memref<!tpu.dma_semaphore, #tpu.memory_space<semaphore_mem>>, %arg11: memref<!tpu.dma_semaphore, #tpu.memory_space<semaphore_mem>>, %arg12: memref<!tpu.dma_semaphore, #tpu.memory_space<semaphore_mem>>, %arg13: memref<!tpu.dma_semaphore, #tpu.memory_space<semaphore_mem>>, %arg14: memref<!tpu.dma_semaphore, #tpu.memory_space<semaphore_mem>>, %arg15: memref<!tpu.dma_semaphore, #tpu.memory_space<semaphore_mem>>, %arg16: memref<!tpu.dma_semaphore, #tpu.memory_space<semaphore_mem>>, %arg17: memref<!tpu.dma_semaphore, #tpu.memory_space<semaphore_mem>>, %arg18: memref<!tpu.dma_semaphore, #tpu.memory_space<semaphore_mem>>) attributes {dimension_semantics = [#tpu.dimension_semantics<core_parallel>, #tpu.dimension_semantics<subcore_parallel>], iteration_bounds = array<i64: 2, 16>, scalar_prefetch = 0 : i64, scratch_operands = 12 : i64, tpu.core_type = #tpu.core_type<sc_vector_subcore>, window_params = [{transform_indices = #map}, {transform_indices = #map1}, {transform_indices = #map1}, {transform_indices = #map}, {transform_indices = #map}]} {
    %mul3A = arith.constant 2 : i32
    %mul3A_0 = arith.muli %arg1, %mul3A : i32
    %add3A = arith.addi %mul3A_0, %arg0 : i32
    %mul3A_1 = arith.constant 25600 : i32
    %mul3A_2 = arith.muli %add3A, %mul3A_1 : i32
    %add3A_3 = arith.constant 0 : i32
    %add3A_4 = arith.addi %mul3A_2, %add3A_3 : i32
    %dma_start3A = arith.constant 0 : i32
    %dma_start3A_5 = arith.constant 0 : i32
    %dma_start3A_6 = tpu.memref_slice %arg7[%dma_start3A, %dma_start3A_5] : memref<3x512xi32, #tpu.memory_space<vmem>> -> memref<1x512xi32, #tpu.memory_space<vmem>>
    %dma_start3A_7 = tpu.memref_squeeze %dma_start3A_6 : memref<1x512xi32, #tpu.memory_space<vmem>> -> memref<512xi32, #tpu.memory_space<vmem>>
    %dma_start3A_8 = tpu.memref_slice %arg3[%add3A_4] : memref<819200xi32, #tpu.memory_space<hbm>> -> memref<512xi32, #tpu.memory_space<hbm>>
    %dma_start3A_9 = arith.constant 0 : i32
    %dma_start3A_10 = tpu.memref_slice %arg7[%dma_start3A, %dma_start3A_9] : memref<3x512xi32, #tpu.memory_space<vmem>> -> memref<1x512xi32, #tpu.memory_space<vmem>>
    %dma_start3A_11 = tpu.memref_squeeze %dma_start3A_10 : memref<1x512xi32, #tpu.memory_space<vmem>> -> memref<512xi32, #tpu.memory_space<vmem>>
    %dma_start3A_12 = tpu.memref_slice %arg3[%add3A_4] : memref<819200xi32, #tpu.memory_space<hbm>> -> memref<512xi32, #tpu.memory_space<hbm>>
    tpu.enqueue_dma source(%dma_start3A_12 : memref<512xi32, #tpu.memory_space<hbm>>) target(%dma_start3A_11 : memref<512xi32, #tpu.memory_space<vmem>>) target_semaphore(%arg10 : memref<!tpu.dma_semaphore, #tpu.memory_space<semaphore_mem>>)
    %dma_start3A_13 = arith.constant 0 : i32
    %dma_start3A_14 = arith.constant 0 : i32
    %dma_start3A_15 = tpu.memref_slice %arg8[%dma_start3A_13, %dma_start3A_14] : memref<3x512xi32, #tpu.memory_space<vmem>> -> memref<1x512xi32, #tpu.memory_space<vmem>>
    %dma_start3A_16 = tpu.memref_squeeze %dma_start3A_15 : memref<1x512xi32, #tpu.memory_space<vmem>> -> memref<512xi32, #tpu.memory_space<vmem>>
    %dma_start3A_17 = tpu.memref_slice %arg4[%add3A_4] : memref<819200xi32, #tpu.memory_space<hbm>> -> memref<512xi32, #tpu.memory_space<hbm>>
    %dma_start3A_18 = arith.constant 0 : i32
    %dma_start3A_19 = tpu.memref_slice %arg8[%dma_start3A_13, %dma_start3A_18] : memref<3x512xi32, #tpu.memory_space<vmem>> -> memref<1x512xi32, #tpu.memory_space<vmem>>
    %dma_start3A_20 = tpu.memref_squeeze %dma_start3A_19 : memref<1x512xi32, #tpu.memory_space<vmem>> -> memref<512xi32, #tpu.memory_space<vmem>>
    %dma_start3A_21 = tpu.memref_slice %arg4[%add3A_4] : memref<819200xi32, #tpu.memory_space<hbm>> -> memref<512xi32, #tpu.memory_space<hbm>>
    tpu.enqueue_dma source(%dma_start3A_21 : memref<512xi32, #tpu.memory_space<hbm>>) target(%dma_start3A_20 : memref<512xi32, #tpu.memory_space<vmem>>) target_semaphore(%arg10 : memref<!tpu.dma_semaphore, #tpu.memory_space<semaphore_mem>>)
    %add3A_22 = arith.constant 0 : i32
    %add3A_23 = arith.addi %mul3A_2, %add3A_22 : i32
    %dma_wait3A = arith.constant 0 : i32
    %dma_wait3A_24 = arith.constant 0 : i32
    %dma_wait3A_25 = tpu.memref_slice %arg7[%dma_wait3A, %dma_wait3A_24] : memref<3x512xi32, #tpu.memory_space<vmem>> -> memref<1x512xi32, #tpu.memory_space<vmem>>
    %dma_wait3A_26 = tpu.memref_squeeze %dma_wait3A_25 : memref<1x512xi32, #tpu.memory_space<vmem>> -> memref<512xi32, #tpu.memory_space<vmem>>
    %dma_wait3A_27 = tpu.memref_slice %arg3[%add3A_23] : memref<819200xi32, #tpu.memory_space<hbm>> -> memref<512xi32, #tpu.memory_space<hbm>>
    %dma_wait3A_28 = arith.constant 0 : i32
    %dma_wait3A_29 = tpu.memref_slice %arg7[%dma_wait3A, %dma_wait3A_28] : memref<3x512xi32, #tpu.memory_space<vmem>> -> memref<1x512xi32, #tpu.memory_space<vmem>>
    %dma_wait3A_30 = tpu.memref_squeeze %dma_wait3A_29 : memref<1x512xi32, #tpu.memory_space<vmem>> -> memref<512xi32, #tpu.memory_space<vmem>>
    %dma_wait3A_31 = tpu.memref_slice %arg3[%add3A_23] : memref<819200xi32, #tpu.memory_space<hbm>> -> memref<512xi32, #tpu.memory_space<hbm>>
    tpu.wait_dma2 semaphore(%arg10 : memref<!tpu.dma_semaphore, #tpu.memory_space<semaphore_mem>>) src(%dma_wait3A_31 : memref<512xi32, #tpu.memory_space<hbm>>) dst(%dma_wait3A_30 : memref<512xi32, #tpu.memory_space<vmem>>)
    %dma_wait3A_32 = arith.constant 0 : i32
    %dma_wait3A_33 = arith.constant 0 : i32
    %dma_wait3A_34 = tpu.memref_slice %arg8[%dma_wait3A_32, %dma_wait3A_33] : memref<3x512xi32, #tpu.memory_space<vmem>> -> memref<1x512xi32, #tpu.memory_space<vmem>>
    %dma_wait3A_35 = tpu.memref_squeeze %dma_wait3A_34 : memref<1x512xi32, #tpu.memory_space<vmem>> -> memref<512xi32, #tpu.memory_space<vmem>>
    %dma_wait3A_36 = tpu.memref_slice %arg4[%add3A_23] : memref<819200xi32, #tpu.memory_space<hbm>> -> memref<512xi32, #tpu.memory_space<hbm>>
    %dma_wait3A_37 = arith.constant 0 : i32
    %dma_wait3A_38 = tpu.memref_slice %arg8[%dma_wait3A_32, %dma_wait3A_37] : memref<3x512xi32, #tpu.memory_space<vmem>> -> memref<1x512xi32, #tpu.memory_space<vmem>>
    %dma_wait3A_39 = tpu.memref_squeeze %dma_wait3A_38 : memref<1x512xi32, #tpu.memory_space<vmem>> -> memref<512xi32, #tpu.memory_space<vmem>>
    %dma_wait3A_40 = tpu.memref_slice %arg4[%add3A_23] : memref<819200xi32, #tpu.memory_space<hbm>> -> memref<512xi32, #tpu.memory_space<hbm>>
    tpu.wait_dma2 semaphore(%arg10 : memref<!tpu.dma_semaphore, #tpu.memory_space<semaphore_mem>>) src(%dma_wait3A_40 : memref<512xi32, #tpu.memory_space<hbm>>) dst(%dma_wait3A_39 : memref<512xi32, #tpu.memory_space<vmem>>)
    %dma_start3A_41 = arith.constant 0 : i32
    %dma_start3A_42 = arith.constant 0 : i32
    %dma_start3A_43 = arith.constant 0 : i32
    %dma_start3A_44 = arith.constant 0 : i32
    %dma_start3A_45 = tpu.memref_slice %arg9[%dma_start3A_42, %dma_start3A_43, %dma_start3A_44] : memref<3x512x64xf32, #tpu.memory_space<vmem>> -> memref<1x512x64xf32, #tpu.memory_space<vmem>>
    %dma_start3A_46 = tpu.memref_squeeze %dma_start3A_45 : memref<1x512x64xf32, #tpu.memory_space<vmem>> -> memref<512x64xf32, #tpu.memory_space<vmem>>
    %dma_start3A_47 = arith.constant 0 : i32
    %dma_start3A_48 = tpu.memref_slice %arg8[%dma_start3A_41, %dma_start3A_47] : memref<3x512xi32, #tpu.memory_space<vmem>> -> memref<1x512xi32, #tpu.memory_space<vmem>>
    %dma_start3A_49 = tpu.memref_squeeze %dma_start3A_48 : memref<1x512xi32, #tpu.memory_space<vmem>> -> memref<512xi32, #tpu.memory_space<vmem>>
    %dma_start3A_50 = arith.constant 0 : i32
    %dma_start3A_51 = arith.constant 0 : i32
    %dma_start3A_52 = tpu.memref_slice %arg5[%dma_start3A_50, %dma_start3A_51] : memref<400x64xf32, #tpu.memory_space<hbm>> -> memref<400x64xf32, #tpu.memory_space<hbm>>
    tpu.enqueue_indirect_dma source(%dma_start3A_52 : memref<400x64xf32, #tpu.memory_space<hbm>>) target(%dma_start3A_46 : memref<512x64xf32, #tpu.memory_space<vmem>>) offsets(%dma_start3A_49 : memref<512xi32, #tpu.memory_space<vmem>>) semaphore(%arg13 : memref<!tpu.dma_semaphore, #tpu.memory_space<semaphore_mem>>)
    %add3A_53 = arith.constant 512 : i32
    %add3A_54 = arith.addi %mul3A_2, %add3A_53 : i32
    %dma_start3A_55 = arith.constant 1 : i32
    %dma_start3A_56 = arith.constant 0 : i32
    %dma_start3A_57 = tpu.memref_slice %arg7[%dma_start3A_55, %dma_start3A_56] : memref<3x512xi32, #tpu.memory_space<vmem>> -> memref<1x512xi32, #tpu.memory_space<vmem>>
    %dma_start3A_58 = tpu.memref_squeeze %dma_start3A_57 : memref<1x512xi32, #tpu.memory_space<vmem>> -> memref<512xi32, #tpu.memory_space<vmem>>
    %dma_start3A_59 = tpu.memref_slice %arg3[%add3A_54] : memref<819200xi32, #tpu.memory_space<hbm>> -> memref<512xi32, #tpu.memory_space<hbm>>
    %dma_start3A_60 = arith.constant 0 : i32
    %dma_start3A_61 = tpu.memref_slice %arg7[%dma_start3A_55, %dma_start3A_60] : memref<3x512xi32, #tpu.memory_space<vmem>> -> memref<1x512xi32, #tpu.memory_space<vmem>>
    %dma_start3A_62 = tpu.memref_squeeze %dma_start3A_61 : memref<1x512xi32, #tpu.memory_space<vmem>> -> memref<512xi32, #tpu.memory_space<vmem>>
    %dma_start3A_63 = tpu.memref_slice %arg3[%add3A_54] : memref<819200xi32, #tpu.memory_space<hbm>> -> memref<512xi32, #tpu.memory_space<hbm>>
    tpu.enqueue_dma source(%dma_start3A_63 : memref<512xi32, #tpu.memory_space<hbm>>) target(%dma_start3A_62 : memref<512xi32, #tpu.memory_space<vmem>>) target_semaphore(%arg11 : memref<!tpu.dma_semaphore, #tpu.memory_space<semaphore_mem>>)
    %dma_start3A_64 = arith.constant 1 : i32
    %dma_start3A_65 = arith.constant 0 : i32
    %dma_start3A_66 = tpu.memref_slice %arg8[%dma_start3A_64, %dma_start3A_65] : memref<3x512xi32, #tpu.memory_space<vmem>> -> memref<1x512xi32, #tpu.memory_space<vmem>>
    %dma_start3A_67 = tpu.memref_squeeze %dma_start3A_66 : memref<1x512xi32, #tpu.memory_space<vmem>> -> memref<512xi32, #tpu.memory_space<vmem>>
    %dma_start3A_68 = tpu.memref_slice %arg4[%add3A_54] : memref<819200xi32, #tpu.memory_space<hbm>> -> memref<512xi32, #tpu.memory_space<hbm>>
    %dma_start3A_69 = arith.constant 0 : i32
    %dma_start3A_70 = tpu.memref_slice %arg8[%dma_start3A_64, %dma_start3A_69] : memref<3x512xi32, #tpu.memory_space<vmem>> -> memref<1x512xi32, #tpu.memory_space<vmem>>
    %dma_start3A_71 = tpu.memref_squeeze %dma_start3A_70 : memref<1x512xi32, #tpu.memory_space<vmem>> -> memref<512xi32, #tpu.memory_space<vmem>>
    %dma_start3A_72 = tpu.memref_slice %arg4[%add3A_54] : memref<819200xi32, #tpu.memory_space<hbm>> -> memref<512xi32, #tpu.memory_space<hbm>>
    tpu.enqueue_dma source(%dma_start3A_72 : memref<512xi32, #tpu.memory_space<hbm>>) target(%dma_start3A_71 : memref<512xi32, #tpu.memory_space<vmem>>) target_semaphore(%arg11 : memref<!tpu.dma_semaphore, #tpu.memory_space<semaphore_mem>>)
    %add3A_73 = arith.constant 1024 : i32
    %add3A_74 = arith.addi %mul3A_2, %add3A_73 : i32
    %dma_start3A_75 = arith.constant 2 : i32
    %dma_start3A_76 = arith.constant 0 : i32
    %dma_start3A_77 = tpu.memref_slice %arg7[%dma_start3A_75, %dma_start3A_76] : memref<3x512xi32, #tpu.memory_space<vmem>> -> memref<1x512xi32, #tpu.memory_space<vmem>>
    %dma_start3A_78 = tpu.memref_squeeze %dma_start3A_77 : memref<1x512xi32, #tpu.memory_space<vmem>> -> memref<512xi32, #tpu.memory_space<vmem>>
    %dma_start3A_79 = tpu.memref_slice %arg3[%add3A_74] : memref<819200xi32, #tpu.memory_space<hbm>> -> memref<512xi32, #tpu.memory_space<hbm>>
    %dma_start3A_80 = arith.constant 0 : i32
    %dma_start3A_81 = tpu.memref_slice %arg7[%dma_start3A_75, %dma_start3A_80] : memref<3x512xi32, #tpu.memory_space<vmem>> -> memref<1x512xi32, #tpu.memory_space<vmem>>
    %dma_start3A_82 = tpu.memref_squeeze %dma_start3A_81 : memref<1x512xi32, #tpu.memory_space<vmem>> -> memref<512xi32, #tpu.memory_space<vmem>>
    %dma_start3A_83 = tpu.memref_slice %arg3[%add3A_74] : memref<819200xi32, #tpu.memory_space<hbm>> -> memref<512xi32, #tpu.memory_space<hbm>>
    tpu.enqueue_dma source(%dma_start3A_83 : memref<512xi32, #tpu.memory_space<hbm>>) target(%dma_start3A_82 : memref<512xi32, #tpu.memory_space<vmem>>) target_semaphore(%arg12 : memref<!tpu.dma_semaphore, #tpu.memory_space<semaphore_mem>>)
    %dma_start3A_84 = arith.constant 2 : i32
    %dma_start3A_85 = arith.constant 0 : i32
    %dma_start3A_86 = tpu.memref_slice %arg8[%dma_start3A_84, %dma_start3A_85] : memref<3x512xi32, #tpu.memory_space<vmem>> -> memref<1x512xi32, #tpu.memory_space<vmem>>
    %dma_start3A_87 = tpu.memref_squeeze %dma_start3A_86 : memref<1x512xi32, #tpu.memory_space<vmem>> -> memref<512xi32, #tpu.memory_space<vmem>>
    %dma_start3A_88 = tpu.memref_slice %arg4[%add3A_74] : memref<819200xi32, #tpu.memory_space<hbm>> -> memref<512xi32, #tpu.memory_space<hbm>>
    %dma_start3A_89 = arith.constant 0 : i32
    %dma_start3A_90 = tpu.memref_slice %arg8[%dma_start3A_84, %dma_start3A_89] : memref<3x512xi32, #tpu.memory_space<vmem>> -> memref<1x512xi32, #tpu.memory_space<vmem>>
    %dma_start3A_91 = tpu.memref_squeeze %dma_start3A_90 : memref<1x512xi32, #tpu.memory_space<vmem>> -> memref<512xi32, #tpu.memory_space<vmem>>
    %dma_start3A_92 = tpu.memref_slice %arg4[%add3A_74] : memref<819200xi32, #tpu.memory_space<hbm>> -> memref<512xi32, #tpu.memory_space<hbm>>
    tpu.enqueue_dma source(%dma_start3A_92 : memref<512xi32, #tpu.memory_space<hbm>>) target(%dma_start3A_91 : memref<512xi32, #tpu.memory_space<vmem>>) target_semaphore(%arg12 : memref<!tpu.dma_semaphore, #tpu.memory_space<semaphore_mem>>)
    %dma_wait3A_93 = arith.constant 0 : i32
    %dma_wait3A_94 = arith.constant 0 : i32
    %dma_wait3A_95 = arith.constant 0 : i32
    %dma_wait3A_96 = arith.constant 0 : i32
    %dma_wait3A_97 = tpu.memref_slice %arg9[%dma_wait3A_94, %dma_wait3A_95, %dma_wait3A_96] : memref<3x512x64xf32, #tpu.memory_space<vmem>> -> memref<1x512x64xf32, #tpu.memory_space<vmem>>
    %dma_wait3A_98 = tpu.memref_squeeze %dma_wait3A_97 : memref<1x512x64xf32, #tpu.memory_space<vmem>> -> memref<512x64xf32, #tpu.memory_space<vmem>>
    %dma_wait3A_99 = arith.constant 0 : i32
    %dma_wait3A_100 = tpu.memref_slice %arg8[%dma_wait3A_93, %dma_wait3A_99] : memref<3x512xi32, #tpu.memory_space<vmem>> -> memref<1x512xi32, #tpu.memory_space<vmem>>
    %dma_wait3A_101 = tpu.memref_squeeze %dma_wait3A_100 : memref<1x512xi32, #tpu.memory_space<vmem>> -> memref<512xi32, #tpu.memory_space<vmem>>
    %dma_wait3A_102 = arith.constant 0 : i32
    %dma_wait3A_103 = arith.constant 0 : i32
    %dma_wait3A_104 = tpu.memref_slice %arg5[%dma_wait3A_102, %dma_wait3A_103] : memref<400x64xf32, #tpu.memory_space<hbm>> -> memref<400x64xf32, #tpu.memory_space<hbm>>
    tpu.wait_indirect_dma semaphore(%arg13 : memref<!tpu.dma_semaphore, #tpu.memory_space<semaphore_mem>>) src(%dma_wait3A_104 : memref<400x64xf32, #tpu.memory_space<hbm>>) dst(%dma_wait3A_98 : memref<512x64xf32, #tpu.memory_space<vmem>>)
    %dma_start3A_105 = arith.constant 0 : i32
    %dma_start3A_106 = arith.constant 0 : i32
    %dma_start3A_107 = arith.constant 0 : i32
    %dma_start3A_108 = arith.constant 0 : i32
    %dma_start3A_109 = tpu.memref_slice %arg9[%dma_start3A_106, %dma_start3A_107, %dma_start3A_108] : memref<3x512x64xf32, #tpu.memory_space<vmem>> -> memref<1x512x64xf32, #tpu.memory_space<vmem>>
    %dma_start3A_110 = tpu.memref_squeeze %dma_start3A_109 : memref<1x512x64xf32, #tpu.memory_space<vmem>> -> memref<512x64xf32, #tpu.memory_space<vmem>>
    %dma_start3A_111 = arith.constant 0 : i32
    %dma_start3A_112 = tpu.memref_slice %arg7[%dma_start3A_105, %dma_start3A_111] : memref<3x512xi32, #tpu.memory_space<vmem>> -> memref<1x512xi32, #tpu.memory_space<vmem>>
    %dma_start3A_113 = tpu.memref_squeeze %dma_start3A_112 : memref<1x512xi32, #tpu.memory_space<vmem>> -> memref<512xi32, #tpu.memory_space<vmem>>
    %dma_start3A_114 = arith.constant 0 : i32
    %dma_start3A_115 = arith.constant 0 : i32
    %dma_start3A_116 = tpu.memref_slice %arg2[%dma_start3A_114, %dma_start3A_115] : memref<1000000x64xf32, #tpu.memory_space<hbm>> -> memref<1000000x64xf32, #tpu.memory_space<hbm>>
    tpu.enqueue_indirect_dma source(%dma_start3A_116 : memref<1000000x64xf32, #tpu.memory_space<hbm>>) target(%dma_start3A_110 : memref<512x64xf32, #tpu.memory_space<vmem>>) offsets(%dma_start3A_113 : memref<512xi32, #tpu.memory_space<vmem>>) semaphore(%arg13 : memref<!tpu.dma_semaphore, #tpu.memory_space<semaphore_mem>>) {add = true}
    %add3A_117 = arith.constant 512 : i32
    %add3A_118 = arith.addi %mul3A_2, %add3A_117 : i32
    %dma_wait3A_119 = arith.constant 1 : i32
    %dma_wait3A_120 = arith.constant 0 : i32
    %dma_wait3A_121 = tpu.memref_slice %arg7[%dma_wait3A_119, %dma_wait3A_120] : memref<3x512xi32, #tpu.memory_space<vmem>> -> memref<1x512xi32, #tpu.memory_space<vmem>>
    %dma_wait3A_122 = tpu.memref_squeeze %dma_wait3A_121 : memref<1x512xi32, #tpu.memory_space<vmem>> -> memref<512xi32, #tpu.memory_space<vmem>>
    %dma_wait3A_123 = tpu.memref_slice %arg3[%add3A_118] : memref<819200xi32, #tpu.memory_space<hbm>> -> memref<512xi32, #tpu.memory_space<hbm>>
    %dma_wait3A_124 = arith.constant 0 : i32
    %dma_wait3A_125 = tpu.memref_slice %arg7[%dma_wait3A_119, %dma_wait3A_124] : memref<3x512xi32, #tpu.memory_space<vmem>> -> memref<1x512xi32, #tpu.memory_space<vmem>>
    %dma_wait3A_126 = tpu.memref_squeeze %dma_wait3A_125 : memref<1x512xi32, #tpu.memory_space<vmem>> -> memref<512xi32, #tpu.memory_space<vmem>>
    %dma_wait3A_127 = tpu.memref_slice %arg3[%add3A_118] : memref<819200xi32, #tpu.memory_space<hbm>> -> memref<512xi32, #tpu.memory_space<hbm>>
    tpu.wait_dma2 semaphore(%arg11 : memref<!tpu.dma_semaphore, #tpu.memory_space<semaphore_mem>>) src(%dma_wait3A_127 : memref<512xi32, #tpu.memory_space<hbm>>) dst(%dma_wait3A_126 : memref<512xi32, #tpu.memory_space<vmem>>)
    %dma_wait3A_128 = arith.constant 1 : i32
    %dma_wait3A_129 = arith.constant 0 : i32
    %dma_wait3A_130 = tpu.memref_slice %arg8[%dma_wait3A_128, %dma_wait3A_129] : memref<3x512xi32, #tpu.memory_space<vmem>> -> memref<1x512xi32, #tpu.memory_space<vmem>>
    %dma_wait3A_131 = tpu.memref_squeeze %dma_wait3A_130 : memref<1x512xi32, #tpu.memory_space<vmem>> -> memref<512xi32, #tpu.memory_space<vmem>>
    %dma_wait3A_132 = tpu.memref_slice %arg4[%add3A_118] : memref<819200xi32, #tpu.memory_space<hbm>> -> memref<512xi32, #tpu.memory_space<hbm>>
    %dma_wait3A_133 = arith.constant 0 : i32
    %dma_wait3A_134 = tpu.memref_slice %arg8[%dma_wait3A_128, %dma_wait3A_133] : memref<3x512xi32, #tpu.memory_space<vmem>> -> memref<1x512xi32, #tpu.memory_space<vmem>>
    %dma_wait3A_135 = tpu.memref_squeeze %dma_wait3A_134 : memref<1x512xi32, #tpu.memory_space<vmem>> -> memref<512xi32, #tpu.memory_space<vmem>>
    %dma_wait3A_136 = tpu.memref_slice %arg4[%add3A_118] : memref<819200xi32, #tpu.memory_space<hbm>> -> memref<512xi32, #tpu.memory_space<hbm>>
    tpu.wait_dma2 semaphore(%arg11 : memref<!tpu.dma_semaphore, #tpu.memory_space<semaphore_mem>>) src(%dma_wait3A_136 : memref<512xi32, #tpu.memory_space<hbm>>) dst(%dma_wait3A_135 : memref<512xi32, #tpu.memory_space<vmem>>)
    %dma_start3A_137 = arith.constant 1 : i32
    %dma_start3A_138 = arith.constant 1 : i32
    %dma_start3A_139 = arith.constant 0 : i32
    %dma_start3A_140 = arith.constant 0 : i32
    %dma_start3A_141 = tpu.memref_slice %arg9[%dma_start3A_138, %dma_start3A_139, %dma_start3A_140] : memref<3x512x64xf32, #tpu.memory_space<vmem>> -> memref<1x512x64xf32, #tpu.memory_space<vmem>>
    %dma_start3A_142 = tpu.memref_squeeze %dma_start3A_141 : memref<1x512x64xf32, #tpu.memory_space<vmem>> -> memref<512x64xf32, #tpu.memory_space<vmem>>
    %dma_start3A_143 = arith.constant 0 : i32
    %dma_start3A_144 = tpu.memref_slice %arg8[%dma_start3A_137, %dma_start3A_143] : memref<3x512xi32, #tpu.memory_space<vmem>> -> memref<1x512xi32, #tpu.memory_space<vmem>>
    %dma_start3A_145 = tpu.memref_squeeze %dma_start3A_144 : memref<1x512xi32, #tpu.memory_space<vmem>> -> memref<512xi32, #tpu.memory_space<vmem>>
    %dma_start3A_146 = arith.constant 0 : i32
    %dma_start3A_147 = arith.constant 0 : i32
    %dma_start3A_148 = tpu.memref_slice %arg5[%dma_start3A_146, %dma_start3A_147] : memref<400x64xf32, #tpu.memory_space<hbm>> -> memref<400x64xf32, #tpu.memory_space<hbm>>
    tpu.enqueue_indirect_dma source(%dma_start3A_148 : memref<400x64xf32, #tpu.memory_space<hbm>>) target(%dma_start3A_142 : memref<512x64xf32, #tpu.memory_space<vmem>>) offsets(%dma_start3A_145 : memref<512xi32, #tpu.memory_space<vmem>>) semaphore(%arg14 : memref<!tpu.dma_semaphore, #tpu.memory_space<semaphore_mem>>)
    %dma_wait3A_149 = arith.constant 0 : i32
    %dma_wait3A_150 = arith.constant 0 : i32
    %dma_wait3A_151 = arith.constant 0 : i32
    %dma_wait3A_152 = arith.constant 0 : i32
    %dma_wait3A_153 = tpu.memref_slice %arg9[%dma_wait3A_150, %dma_wait3A_151, %dma_wait3A_152] : memref<3x512x64xf32, #tpu.memory_space<vmem>> -> memref<1x512x64xf32, #tpu.memory_space<vmem>>
    %dma_wait3A_154 = tpu.memref_squeeze %dma_wait3A_153 : memref<1x512x64xf32, #tpu.memory_space<vmem>> -> memref<512x64xf32, #tpu.memory_space<vmem>>
    %dma_wait3A_155 = arith.constant 0 : i32
    %dma_wait3A_156 = tpu.memref_slice %arg7[%dma_wait3A_149, %dma_wait3A_155] : memref<3x512xi32, #tpu.memory_space<vmem>> -> memref<1x512xi32, #tpu.memory_space<vmem>>
    %dma_wait3A_157 = tpu.memref_squeeze %dma_wait3A_156 : memref<1x512xi32, #tpu.memory_space<vmem>> -> memref<512xi32, #tpu.memory_space<vmem>>
    %dma_wait3A_158 = arith.constant 0 : i32
    %dma_wait3A_159 = arith.constant 0 : i32
    %dma_wait3A_160 = tpu.memref_slice %arg2[%dma_wait3A_158, %dma_wait3A_159] : memref<1000000x64xf32, #tpu.memory_space<hbm>> -> memref<1000000x64xf32, #tpu.memory_space<hbm>>
    tpu.wait_indirect_dma semaphore(%arg13 : memref<!tpu.dma_semaphore, #tpu.memory_space<semaphore_mem>>) src(%dma_wait3A_160 : memref<1000000x64xf32, #tpu.memory_space<hbm>>) dst(%dma_wait3A_154 : memref<512x64xf32, #tpu.memory_space<vmem>>)
    %scan3A = arith.constant 0 : i32
    %scan3A_161 = arith.constant 0 : i32
    %scan3A_162 = arith.constant 0 : i32
    %scan3A_163 = arith.constant 512 : i32
    %scan3A_164 = arith.addi %scan3A_162, %scan3A_163 : i32
    %scan3A_165 = arith.constant 2 : i32
    scf.for %scan3A_631 = %scan3A_162 to %scan3A_164 step %scan3A_165  : i32 {
      %get3A = arith.constant 0 : i32
      %get3A_632 = arith.constant 0 : i32
      %get3A_633 = tpu.memref_slice %arg9[%scan3A_161, %get3A, %get3A_632] : memref<3x512x64xf32, #tpu.memory_space<vmem>> -> memref<1x512x64xf32, #tpu.memory_space<vmem>>
      %get3A_634 = tpu.memref_squeeze %get3A_633 : memref<1x512x64xf32, #tpu.memory_space<vmem>> -> memref<512x64xf32, #tpu.memory_space<vmem>>
      %get3A_635 = arith.index_cast %scan3A_631 : i32 to index
      %get3A_636 = arith.constant 0 : index
      %get3A_637 = tpu.vector_load %get3A_634[%get3A_635, %get3A_636] {strides = array<i32>} : memref<512x64xf32, #tpu.memory_space<vmem>>, vector<1x16xf32>,
      %get3A_638 = vector.shape_cast %get3A_637 : vector<1x16xf32> to vector<16xf32>
      %mul3A_639 = arith.constant 8.000000e+00 : f32
      %mul3A_640 = vector.broadcast %mul3A_639 : f32 to vector<16xf32>
      %mul3A_641 = arith.mulf %get3A_638, %mul3A_640 : vector<16xf32>
      %swap3A = arith.constant 0 : i32
      %swap3A_642 = arith.constant 0 : i32
      %swap3A_643 = tpu.memref_slice %arg9[%scan3A_161, %swap3A, %swap3A_642] : memref<3x512x64xf32, #tpu.memory_space<vmem>> -> memref<1x512x64xf32, #tpu.memory_space<vmem>>
      %swap3A_644 = tpu.memref_squeeze %swap3A_643 : memref<1x512x64xf32, #tpu.memory_space<vmem>> -> memref<512x64xf32, #tpu.memory_space<vmem>>
      %swap3A_645 = arith.index_cast %scan3A_631 : i32 to index
      %swap3A_646 = arith.constant 0 : index
      %swap3A_647 = tpu.vector_load %swap3A_644[%swap3A_645, %swap3A_646] {strides = array<i32>} : memref<512x64xf32, #tpu.memory_space<vmem>>, vector<1x16xf32>,
      %swap3A_648 = vector.shape_cast %swap3A_647 : vector<1x16xf32> to vector<16xf32>
      %swap3A_649 = vector.shape_cast %mul3A_641 : vector<16xf32> to vector<1x16xf32>
      tpu.vector_store %swap3A_644[%swap3A_645, %swap3A_646], %swap3A_649 {strides = array<i32>} : memref<512x64xf32, #tpu.memory_space<vmem>>, vector<1x16xf32>,
      %get3A_650 = arith.constant 0 : i32
      %get3A_651 = arith.constant 0 : i32
      %get3A_652 = tpu.memref_slice %arg9[%scan3A_161, %get3A_650, %get3A_651] : memref<3x512x64xf32, #tpu.memory_space<vmem>> -> memref<1x512x64xf32, #tpu.memory_space<vmem>>
      %get3A_653 = tpu.memref_squeeze %get3A_652 : memref<1x512x64xf32, #tpu.memory_space<vmem>> -> memref<512x64xf32, #tpu.memory_space<vmem>>
      %get3A_654 = arith.index_cast %scan3A_631 : i32 to index
      %get3A_655 = arith.constant 16 : index
      %get3A_656 = tpu.vector_load %get3A_653[%get3A_654, %get3A_655] {strides = array<i32>} : memref<512x64xf32, #tpu.memory_space<vmem>>, vector<1x16xf32>,
      %get3A_657 = vector.shape_cast %get3A_656 : vector<1x16xf32> to vector<16xf32>
      %mul3A_658 = arith.constant 8.000000e+00 : f32
      %mul3A_659 = vector.broadcast %mul3A_658 : f32 to vector<16xf32>
      %mul3A_660 = arith.mulf %get3A_657, %mul3A_659 : vector<16xf32>
      %swap3A_661 = arith.constant 0 : i32
      %swap3A_662 = arith.constant 0 : i32
      %swap3A_663 = tpu.memref_slice %arg9[%scan3A_161, %swap3A_661, %swap3A_662] : memref<3x512x64xf32, #tpu.memory_space<vmem>> -> memref<1x512x64xf32, #tpu.memory_space<vmem>>
      %swap3A_664 = tpu.memref_squeeze %swap3A_663 : memref<1x512x64xf32, #tpu.memory_space<vmem>> -> memref<512x64xf32, #tpu.memory_space<vmem>>
      %swap3A_665 = arith.index_cast %scan3A_631 : i32 to index
      %swap3A_666 = arith.constant 16 : index
      %swap3A_667 = tpu.vector_load %swap3A_664[%swap3A_665, %swap3A_666] {strides = array<i32>} : memref<512x64xf32, #tpu.memory_space<vmem>>, vector<1x16xf32>,
      %swap3A_668 = vector.shape_cast %swap3A_667 : vector<1x16xf32> to vector<16xf32>
      %swap3A_669 = vector.shape_cast %mul3A_660 : vector<16xf32> to vector<1x16xf32>
      tpu.vector_store %swap3A_664[%swap3A_665, %swap3A_666], %swap3A_669 {strides = array<i32>} : memref<512x64xf32, #tpu.memory_space<vmem>>, vector<1x16xf32>,
      %get3A_670 = arith.constant 0 : i32
      %get3A_671 = arith.constant 0 : i32
      %get3A_672 = tpu.memref_slice %arg9[%scan3A_161, %get3A_670, %get3A_671] : memref<3x512x64xf32, #tpu.memory_space<vmem>> -> memref<1x512x64xf32, #tpu.memory_space<vmem>>
      %get3A_673 = tpu.memref_squeeze %get3A_672 : memref<1x512x64xf32, #tpu.memory_space<vmem>> -> memref<512x64xf32, #tpu.memory_space<vmem>>
      %get3A_674 = arith.index_cast %scan3A_631 : i32 to index
      %get3A_675 = arith.constant 32 : index
      %get3A_676 = tpu.vector_load %get3A_673[%get3A_674, %get3A_675] {strides = array<i32>} : memref<512x64xf32, #tpu.memory_space<vmem>>, vector<1x16xf32>,
      %get3A_677 = vector.shape_cast %get3A_676 : vector<1x16xf32> to vector<16xf32>
      %mul3A_678 = arith.constant 8.000000e+00 : f32
      %mul3A_679 = vector.broadcast %mul3A_678 : f32 to vector<16xf32>
      %mul3A_680 = arith.mulf %get3A_677, %mul3A_679 : vector<16xf32>
      %swap3A_681 = arith.constant 0 : i32
      %swap3A_682 = arith.constant 0 : i32
      %swap3A_683 = tpu.memref_slice %arg9[%scan3A_161, %swap3A_681, %swap3A_682] : memref<3x512x64xf32, #tpu.memory_space<vmem>> -> memref<1x512x64xf32, #tpu.memory_space<vmem>>
      %swap3A_684 = tpu.memref_squeeze %swap3A_683 : memref<1x512x64xf32, #tpu.memory_space<vmem>> -> memref<512x64xf32, #tpu.memory_space<vmem>>
      %swap3A_685 = arith.index_cast %scan3A_631 : i32 to index
      %swap3A_686 = arith.constant 32 : index
      %swap3A_687 = tpu.vector_load %swap3A_684[%swap3A_685, %swap3A_686] {strides = array<i32>} : memref<512x64xf32, #tpu.memory_space<vmem>>, vector<1x16xf32>,
      %swap3A_688 = vector.shape_cast %swap3A_687 : vector<1x16xf32> to vector<16xf32>
      %swap3A_689 = vector.shape_cast %mul3A_680 : vector<16xf32> to vector<1x16xf32>
      tpu.vector_store %swap3A_684[%swap3A_685, %swap3A_686], %swap3A_689 {strides = array<i32>} : memref<512x64xf32, #tpu.memory_space<vmem>>, vector<1x16xf32>,
      %get3A_690 = arith.constant 0 : i32
      %get3A_691 = arith.constant 0 : i32
      %get3A_692 = tpu.memref_slice %arg9[%scan3A_161, %get3A_690, %get3A_691] : memref<3x512x64xf32, #tpu.memory_space<vmem>> -> memref<1x512x64xf32, #tpu.memory_space<vmem>>
      %get3A_693 = tpu.memref_squeeze %get3A_692 : memref<1x512x64xf32, #tpu.memory_space<vmem>> -> memref<512x64xf32, #tpu.memory_space<vmem>>
      %get3A_694 = arith.index_cast %scan3A_631 : i32 to index
      %get3A_695 = arith.constant 48 : index
      %get3A_696 = tpu.vector_load %get3A_693[%get3A_694, %get3A_695] {strides = array<i32>} : memref<512x64xf32, #tpu.memory_space<vmem>>, vector<1x16xf32>,
      %get3A_697 = vector.shape_cast %get3A_696 : vector<1x16xf32> to vector<16xf32>
      %mul3A_698 = arith.constant 8.000000e+00 : f32
      %mul3A_699 = vector.broadcast %mul3A_698 : f32 to vector<16xf32>
      %mul3A_700 = arith.mulf %get3A_697, %mul3A_699 : vector<16xf32>
      %swap3A_701 = arith.constant 0 : i32
      %swap3A_702 = arith.constant 0 : i32
      %swap3A_703 = tpu.memref_slice %arg9[%scan3A_161, %swap3A_701, %swap3A_702] : memref<3x512x64xf32, #tpu.memory_space<vmem>> -> memref<1x512x64xf32, #tpu.memory_space<vmem>>
      %swap3A_704 = tpu.memref_squeeze %swap3A_703 : memref<1x512x64xf32, #tpu.memory_space<vmem>> -> memref<512x64xf32, #tpu.memory_space<vmem>>
      %swap3A_705 = arith.index_cast %scan3A_631 : i32 to index
      %swap3A_706 = arith.constant 48 : index
      %swap3A_707 = tpu.vector_load %swap3A_704[%swap3A_705, %swap3A_706] {strides = array<i32>} : memref<512x64xf32, #tpu.memory_space<vmem>>, vector<1x16xf32>,
      %swap3A_708 = vector.shape_cast %swap3A_707 : vector<1x16xf32> to vector<16xf32>
      %swap3A_709 = vector.shape_cast %mul3A_700 : vector<16xf32> to vector<1x16xf32>
      tpu.vector_store %swap3A_704[%swap3A_705, %swap3A_706], %swap3A_709 {strides = array<i32>} : memref<512x64xf32, #tpu.memory_space<vmem>>, vector<1x16xf32>,
      %scan3A_710 = arith.constant 1 : i32
      %scan3A_711 = arith.addi %scan3A_631, %scan3A_710 : i32
      %get3A_712 = arith.constant 0 : i32
      %get3A_713 = arith.constant 0 : i32
      %get3A_714 = tpu.memref_slice %arg9[%scan3A_161, %get3A_712, %get3A_713] : memref<3x512x64xf32, #tpu.memory_space<vmem>> -> memref<1x512x64xf32, #tpu.memory_space<vmem>>
      %get3A_715 = tpu.memref_squeeze %get3A_714 : memref<1x512x64xf32, #tpu.memory_space<vmem>> -> memref<512x64xf32, #tpu.memory_space<vmem>>
      %get3A_716 = arith.index_cast %scan3A_711 : i32 to index
      %get3A_717 = arith.constant 0 : index
      %get3A_718 = tpu.vector_load %get3A_715[%get3A_716, %get3A_717] {strides = array<i32>} : memref<512x64xf32, #tpu.memory_space<vmem>>, vector<1x16xf32>,
      %get3A_719 = vector.shape_cast %get3A_718 : vector<1x16xf32> to vector<16xf32>
      %mul3A_720 = arith.constant 8.000000e+00 : f32
      %mul3A_721 = vector.broadcast %mul3A_720 : f32 to vector<16xf32>
      %mul3A_722 = arith.mulf %get3A_719, %mul3A_721 : vector<16xf32>
      %swap3A_723 = arith.constant 0 : i32
      %swap3A_724 = arith.constant 0 : i32
      %swap3A_725 = tpu.memref_slice %arg9[%scan3A_161, %swap3A_723, %swap3A_724] : memref<3x512x64xf32, #tpu.memory_space<vmem>> -> memref<1x512x64xf32, #tpu.memory_space<vmem>>
      %swap3A_726 = tpu.memref_squeeze %swap3A_725 : memref<1x512x64xf32, #tpu.memory_space<vmem>> -> memref<512x64xf32, #tpu.memory_space<vmem>>
      %swap3A_727 = arith.index_cast %scan3A_711 : i32 to index
      %swap3A_728 = arith.constant 0 : index
      %swap3A_729 = tpu.vector_load %swap3A_726[%swap3A_727, %swap3A_728] {strides = array<i32>} : memref<512x64xf32, #tpu.memory_space<vmem>>, vector<1x16xf32>,
      %swap3A_730 = vector.shape_cast %swap3A_729 : vector<1x16xf32> to vector<16xf32>
      %swap3A_731 = vector.shape_cast %mul3A_722 : vector<16xf32> to vector<1x16xf32>
      tpu.vector_store %swap3A_726[%swap3A_727, %swap3A_728], %swap3A_731 {strides = array<i32>} : memref<512x64xf32, #tpu.memory_space<vmem>>, vector<1x16xf32>,
      %get3A_732 = arith.constant 0 : i32
      %get3A_733 = arith.constant 0 : i32
      %get3A_734 = tpu.memref_slice %arg9[%scan3A_161, %get3A_732, %get3A_733] : memref<3x512x64xf32, #tpu.memory_space<vmem>> -> memref<1x512x64xf32, #tpu.memory_space<vmem>>
      %get3A_735 = tpu.memref_squeeze %get3A_734 : memref<1x512x64xf32, #tpu.memory_space<vmem>> -> memref<512x64xf32, #tpu.memory_space<vmem>>
      %get3A_736 = arith.index_cast %scan3A_711 : i32 to index
      %get3A_737 = arith.constant 16 : index
      %get3A_738 = tpu.vector_load %get3A_735[%get3A_736, %get3A_737] {strides = array<i32>} : memref<512x64xf32, #tpu.memory_space<vmem>>, vector<1x16xf32>,
      %get3A_739 = vector.shape_cast %get3A_738 : vector<1x16xf32> to vector<16xf32>
      %mul3A_740 = arith.constant 8.000000e+00 : f32
      %mul3A_741 = vector.broadcast %mul3A_740 : f32 to vector<16xf32>
      %mul3A_742 = arith.mulf %get3A_739, %mul3A_741 : vector<16xf32>
      %swap3A_743 = arith.constant 0 : i32
      %swap3A_744 = arith.constant 0 : i32
      %swap3A_745 = tpu.memref_slice %arg9[%scan3A_161, %swap3A_743, %swap3A_744] : memref<3x512x64xf32, #tpu.memory_space<vmem>> -> memref<1x512x64xf32, #tpu.memory_space<vmem>>
      %swap3A_746 = tpu.memref_squeeze %swap3A_745 : memref<1x512x64xf32, #tpu.memory_space<vmem>> -> memref<512x64xf32, #tpu.memory_space<vmem>>
      %swap3A_747 = arith.index_cast %scan3A_711 : i32 to index
      %swap3A_748 = arith.constant 16 : index
      %swap3A_749 = tpu.vector_load %swap3A_746[%swap3A_747, %swap3A_748] {strides = array<i32>} : memref<512x64xf32, #tpu.memory_space<vmem>>, vector<1x16xf32>,
      %swap3A_750 = vector.shape_cast %swap3A_749 : vector<1x16xf32> to vector<16xf32>
      %swap3A_751 = vector.shape_cast %mul3A_742 : vector<16xf32> to vector<1x16xf32>
      tpu.vector_store %swap3A_746[%swap3A_747, %swap3A_748], %swap3A_751 {strides = array<i32>} : memref<512x64xf32, #tpu.memory_space<vmem>>, vector<1x16xf32>,
      %get3A_752 = arith.constant 0 : i32
      %get3A_753 = arith.constant 0 : i32
      %get3A_754 = tpu.memref_slice %arg9[%scan3A_161, %get3A_752, %get3A_753] : memref<3x512x64xf32, #tpu.memory_space<vmem>> -> memref<1x512x64xf32, #tpu.memory_space<vmem>>
      %get3A_755 = tpu.memref_squeeze %get3A_754 : memref<1x512x64xf32, #tpu.memory_space<vmem>> -> memref<512x64xf32, #tpu.memory_space<vmem>>
      %get3A_756 = arith.index_cast %scan3A_711 : i32 to index
      %get3A_757 = arith.constant 32 : index
      %get3A_758 = tpu.vector_load %get3A_755[%get3A_756, %get3A_757] {strides = array<i32>} : memref<512x64xf32, #tpu.memory_space<vmem>>, vector<1x16xf32>,
      %get3A_759 = vector.shape_cast %get3A_758 : vector<1x16xf32> to vector<16xf32>
      %mul3A_760 = arith.constant 8.000000e+00 : f32
      %mul3A_761 = vector.broadcast %mul3A_760 : f32 to vector<16xf32>
      %mul3A_762 = arith.mulf %get3A_759, %mul3A_761 : vector<16xf32>
      %swap3A_763 = arith.constant 0 : i32
      %swap3A_764 = arith.constant 0 : i32
      %swap3A_765 = tpu.memref_slice %arg9[%scan3A_161, %swap3A_763, %swap3A_764] : memref<3x512x64xf32, #tpu.memory_space<vmem>> -> memref<1x512x64xf32, #tpu.memory_space<vmem>>
      %swap3A_766 = tpu.memref_squeeze %swap3A_765 : memref<1x512x64xf32, #tpu.memory_space<vmem>> -> memref<512x64xf32, #tpu.memory_space<vmem>>
      %swap3A_767 = arith.index_cast %scan3A_711 : i32 to index
      %swap3A_768 = arith.constant 32 : index
      %swap3A_769 = tpu.vector_load %swap3A_766[%swap3A_767, %swap3A_768] {strides = array<i32>} : memref<512x64xf32, #tpu.memory_space<vmem>>, vector<1x16xf32>,
      %swap3A_770 = vector.shape_cast %swap3A_769 : vector<1x16xf32> to vector<16xf32>
      %swap3A_771 = vector.shape_cast %mul3A_762 : vector<16xf32> to vector<1x16xf32>
      tpu.vector_store %swap3A_766[%swap3A_767, %swap3A_768], %swap3A_771 {strides = array<i32>} : memref<512x64xf32, #tpu.memory_space<vmem>>, vector<1x16xf32>,
      %get3A_772 = arith.constant 0 : i32
      %get3A_773 = arith.constant 0 : i32
      %get3A_774 = tpu.memref_slice %arg9[%scan3A_161, %get3A_772, %get3A_773] : memref<3x512x64xf32, #tpu.memory_space<vmem>> -> memref<1x512x64xf32, #tpu.memory_space<vmem>>
      %get3A_775 = tpu.memref_squeeze %get3A_774 : memref<1x512x64xf32, #tpu.memory_space<vmem>> -> memref<512x64xf32, #tpu.memory_space<vmem>>
      %get3A_776 = arith.index_cast %scan3A_711 : i32 to index
      %get3A_777 = arith.constant 48 : index
      %get3A_778 = tpu.vector_load %get3A_775[%get3A_776, %get3A_777] {strides = array<i32>} : memref<512x64xf32, #tpu.memory_space<vmem>>, vector<1x16xf32>,
      %get3A_779 = vector.shape_cast %get3A_778 : vector<1x16xf32> to vector<16xf32>
      %mul3A_780 = arith.constant 8.000000e+00 : f32
      %mul3A_781 = vector.broadcast %mul3A_780 : f32 to vector<16xf32>
      %mul3A_782 = arith.mulf %get3A_779, %mul3A_781 : vector<16xf32>
      %swap3A_783 = arith.constant 0 : i32
      %swap3A_784 = arith.constant 0 : i32
      %swap3A_785 = tpu.memref_slice %arg9[%scan3A_161, %swap3A_783, %swap3A_784] : memref<3x512x64xf32, #tpu.memory_space<vmem>> -> memref<1x512x64xf32, #tpu.memory_space<vmem>>
      %swap3A_786 = tpu.memref_squeeze %swap3A_785 : memref<1x512x64xf32, #tpu.memory_space<vmem>> -> memref<512x64xf32, #tpu.memory_space<vmem>>
      %swap3A_787 = arith.index_cast %scan3A_711 : i32 to index
      %swap3A_788 = arith.constant 48 : index
      %swap3A_789 = tpu.vector_load %swap3A_786[%swap3A_787, %swap3A_788] {strides = array<i32>} : memref<512x64xf32, #tpu.memory_space<vmem>>, vector<1x16xf32>,
      %swap3A_790 = vector.shape_cast %swap3A_789 : vector<1x16xf32> to vector<16xf32>
      %swap3A_791 = vector.shape_cast %mul3A_782 : vector<16xf32> to vector<1x16xf32>
      tpu.vector_store %swap3A_786[%swap3A_787, %swap3A_788], %swap3A_791 {strides = array<i32>} : memref<512x64xf32, #tpu.memory_space<vmem>>, vector<1x16xf32>,
    }
    %scan3A_166 = arith.constant 512 : i32
    %add3A_167 = arith.constant 0 : i32
    %add3A_168 = arith.addi %mul3A_2, %add3A_167 : i32
    %dma_start3A_169 = arith.constant 0 : i32
    %dma_start3A_170 = arith.constant 0 : i32
    %dma_start3A_171 = arith.constant 0 : i32
    %dma_start3A_172 = tpu.memref_slice %arg9[%dma_start3A_169, %dma_start3A_170, %dma_start3A_171] : memref<3x512x64xf32, #tpu.memory_space<vmem>> -> memref<1x512x64xf32, #tpu.memory_space<vmem>>
    %dma_start3A_173 = tpu.memref_squeeze %dma_start3A_172 : memref<1x512x64xf32, #tpu.memory_space<vmem>> -> memref<512x64xf32, #tpu.memory_space<vmem>>
    %dma_start3A_174 = arith.constant 0 : i32
    %dma_start3A_175 = tpu.memref_slice %arg6[%add3A_168, %dma_start3A_174] : memref<819200x64xf32, #tpu.memory_space<hbm>> -> memref<512x64xf32, #tpu.memory_space<hbm>>
    %dma_start3A_176 = arith.constant 0 : i32
    %dma_start3A_177 = tpu.memref_slice %arg6[%add3A_168, %dma_start3A_176] : memref<819200x64xf32, #tpu.memory_space<hbm>> -> memref<512x64xf32, #tpu.memory_space<hbm>>
    %dma_start3A_178 = arith.constant 0 : i32
    %dma_start3A_179 = arith.constant 0 : i32
    %dma_start3A_180 = tpu.memref_slice %arg9[%dma_start3A_169, %dma_start3A_178, %dma_start3A_179] : memref<3x512x64xf32, #tpu.memory_space<vmem>> -> memref<1x512x64xf32, #tpu.memory_space<vmem>>
    %dma_start3A_181 = tpu.memref_squeeze %dma_start3A_180 : memref<1x512x64xf32, #tpu.memory_space<vmem>> -> memref<512x64xf32, #tpu.memory_space<vmem>>
    tpu.enqueue_dma source(%dma_start3A_181 : memref<512x64xf32, #tpu.memory_space<vmem>>) target(%dma_start3A_177 : memref<512x64xf32, #tpu.memory_space<hbm>>) target_semaphore(%arg16 : memref<!tpu.dma_semaphore, #tpu.memory_space<semaphore_mem>>)
    %add3A_182 = arith.constant 1536 : i32
    %add3A_183 = arith.addi %mul3A_2, %add3A_182 : i32
    %dma_start3A_184 = arith.constant 0 : i32
    %dma_start3A_185 = arith.constant 0 : i32
    %dma_start3A_186 = tpu.memref_slice %arg7[%dma_start3A_184, %dma_start3A_185] : memref<3x512xi32, #tpu.memory_space<vmem>> -> memref<1x512xi32, #tpu.memory_space<vmem>>
    %dma_start3A_187 = tpu.memref_squeeze %dma_start3A_186 : memref<1x512xi32, #tpu.memory_space<vmem>> -> memref<512xi32, #tpu.memory_space<vmem>>
    %dma_start3A_188 = tpu.memref_slice %arg3[%add3A_183] : memref<819200xi32, #tpu.memory_space<hbm>> -> memref<512xi32, #tpu.memory_space<hbm>>
    %dma_start3A_189 = arith.constant 0 : i32
    %dma_start3A_190 = tpu.memref_slice %arg7[%dma_start3A_184, %dma_start3A_189] : memref<3x512xi32, #tpu.memory_space<vmem>> -> memref<1x512xi32, #tpu.memory_space<vmem>>
    %dma_start3A_191 = tpu.memref_squeeze %dma_start3A_190 : memref<1x512xi32, #tpu.memory_space<vmem>> -> memref<512xi32, #tpu.memory_space<vmem>>
    %dma_start3A_192 = tpu.memref_slice %arg3[%add3A_183] : memref<819200xi32, #tpu.memory_space<hbm>> -> memref<512xi32, #tpu.memory_space<hbm>>
    tpu.enqueue_dma source(%dma_start3A_192 : memref<512xi32, #tpu.memory_space<hbm>>) target(%dma_start3A_191 : memref<512xi32, #tpu.memory_space<vmem>>) target_semaphore(%arg10 : memref<!tpu.dma_semaphore, #tpu.memory_space<semaphore_mem>>)
    %dma_start3A_193 = arith.constant 0 : i32
    %dma_start3A_194 = arith.constant 0 : i32
    %dma_start3A_195 = tpu.memref_slice %arg8[%dma_start3A_193, %dma_start3A_194] : memref<3x512xi32, #tpu.memory_space<vmem>> -> memref<1x512xi32, #tpu.memory_space<vmem>>
    %dma_start3A_196 = tpu.memref_squeeze %dma_start3A_195 : memref<1x512xi32, #tpu.memory_space<vmem>> -> memref<512xi32, #tpu.memory_space<vmem>>
    %dma_start3A_197 = tpu.memref_slice %arg4[%add3A_183] : memref<819200xi32, #tpu.memory_space<hbm>> -> memref<512xi32, #tpu.memory_space<hbm>>
    %dma_start3A_198 = arith.constant 0 : i32
    %dma_start3A_199 = tpu.memref_slice %arg8[%dma_start3A_193, %dma_start3A_198] : memref<3x512xi32, #tpu.memory_space<vmem>> -> memref<1x512xi32, #tpu.memory_space<vmem>>
    %dma_start3A_200 = tpu.memref_squeeze %dma_start3A_199 : memref<1x512xi32, #tpu.memory_space<vmem>> -> memref<512xi32, #tpu.memory_space<vmem>>
    %dma_start3A_201 = tpu.memref_slice %arg4[%add3A_183] : memref<819200xi32, #tpu.memory_space<hbm>> -> memref<512xi32, #tpu.memory_space<hbm>>
    tpu.enqueue_dma source(%dma_start3A_201 : memref<512xi32, #tpu.memory_space<hbm>>) target(%dma_start3A_200 : memref<512xi32, #tpu.memory_space<vmem>>) target_semaphore(%arg10 : memref<!tpu.dma_semaphore, #tpu.memory_space<semaphore_mem>>)
    %add3A_202 = arith.constant 1024 : i32
    %add3A_203 = arith.addi %mul3A_2, %add3A_202 : i32
    %dma_wait3A_204 = arith.constant 2 : i32
    %dma_wait3A_205 = arith.constant 0 : i32
    %dma_wait3A_206 = tpu.memref_slice %arg7[%dma_wait3A_204, %dma_wait3A_205] : memref<3x512xi32, #tpu.memory_space<vmem>> -> memref<1x512xi32, #tpu.memory_space<vmem>>
    %dma_wait3A_207 = tpu.memref_squeeze %dma_wait3A_206 : memref<1x512xi32, #tpu.memory_space<vmem>> -> memref<512xi32, #tpu.memory_space<vmem>>
    %dma_wait3A_208 = tpu.memref_slice %arg3[%add3A_203] : memref<819200xi32, #tpu.memory_space<hbm>> -> memref<512xi32, #tpu.memory_space<hbm>>
    %dma_wait3A_209 = arith.constant 0 : i32
    %dma_wait3A_210 = tpu.memref_slice %arg7[%dma_wait3A_204, %dma_wait3A_209] : memref<3x512xi32, #tpu.memory_space<vmem>> -> memref<1x512xi32, #tpu.memory_space<vmem>>
    %dma_wait3A_211 = tpu.memref_squeeze %dma_wait3A_210 : memref<1x512xi32, #tpu.memory_space<vmem>> -> memref<512xi32, #tpu.memory_space<vmem>>
    %dma_wait3A_212 = tpu.memref_slice %arg3[%add3A_203] : memref<819200xi32, #tpu.memory_space<hbm>> -> memref<512xi32, #tpu.memory_space<hbm>>
    tpu.wait_dma2 semaphore(%arg12 : memref<!tpu.dma_semaphore, #tpu.memory_space<semaphore_mem>>) src(%dma_wait3A_212 : memref<512xi32, #tpu.memory_space<hbm>>) dst(%dma_wait3A_211 : memref<512xi32, #tpu.memory_space<vmem>>)
    %dma_wait3A_213 = arith.constant 2 : i32
    %dma_wait3A_214 = arith.constant 0 : i32
    %dma_wait3A_215 = tpu.memref_slice %arg8[%dma_wait3A_213, %dma_wait3A_214] : memref<3x512xi32, #tpu.memory_space<vmem>> -> memref<1x512xi32, #tpu.memory_space<vmem>>
    %dma_wait3A_216 = tpu.memref_squeeze %dma_wait3A_215 : memref<1x512xi32, #tpu.memory_space<vmem>> -> memref<512xi32, #tpu.memory_space<vmem>>
    %dma_wait3A_217 = tpu.memref_slice %arg4[%add3A_203] : memref<819200xi32, #tpu.memory_space<hbm>> -> memref<512xi32, #tpu.memory_space<hbm>>
    %dma_wait3A_218 = arith.constant 0 : i32
    %dma_wait3A_219 = tpu.memref_slice %arg8[%dma_wait3A_213, %dma_wait3A_218] : memref<3x512xi32, #tpu.memory_space<vmem>> -> memref<1x512xi32, #tpu.memory_space<vmem>>
    %dma_wait3A_220 = tpu.memref_squeeze %dma_wait3A_219 : memref<1x512xi32, #tpu.memory_space<vmem>> -> memref<512xi32, #tpu.memory_space<vmem>>
    %dma_wait3A_221 = tpu.memref_slice %arg4[%add3A_203] : memref<819200xi32, #tpu.memory_space<hbm>> -> memref<512xi32, #tpu.memory_space<hbm>>
    tpu.wait_dma2 semaphore(%arg12 : memref<!tpu.dma_semaphore, #tpu.memory_space<semaphore_mem>>) src(%dma_wait3A_221 : memref<512xi32, #tpu.memory_space<hbm>>) dst(%dma_wait3A_220 : memref<512xi32, #tpu.memory_space<vmem>>)
    %dma_start3A_222 = arith.constant 2 : i32
    %dma_start3A_223 = arith.constant 2 : i32
    %dma_start3A_224 = arith.constant 0 : i32
    %dma_start3A_225 = arith.constant 0 : i32
    %dma_start3A_226 = tpu.memref_slice %arg9[%dma_start3A_223, %dma_start3A_224, %dma_start3A_225] : memref<3x512x64xf32, #tpu.memory_space<vmem>> -> memref<1x512x64xf32, #tpu.memory_space<vmem>>
    %dma_start3A_227 = tpu.memref_squeeze %dma_start3A_226 : memref<1x512x64xf32, #tpu.memory_space<vmem>> -> memref<512x64xf32, #tpu.memory_space<vmem>>
    %dma_start3A_228 = arith.constant 0 : i32
    %dma_start3A_229 = tpu.memref_slice %arg8[%dma_start3A_222, %dma_start3A_228] : memref<3x512xi32, #tpu.memory_space<vmem>> -> memref<1x512xi32, #tpu.memory_space<vmem>>
    %dma_start3A_230 = tpu.memref_squeeze %dma_start3A_229 : memref<1x512xi32, #tpu.memory_space<vmem>> -> memref<512xi32, #tpu.memory_space<vmem>>
    %dma_start3A_231 = arith.constant 0 : i32
    %dma_start3A_232 = arith.constant 0 : i32
    %dma_start3A_233 = tpu.memref_slice %arg5[%dma_start3A_231, %dma_start3A_232] : memref<400x64xf32, #tpu.memory_space<hbm>> -> memref<400x64xf32, #tpu.memory_space<hbm>>
    tpu.enqueue_indirect_dma source(%dma_start3A_233 : memref<400x64xf32, #tpu.memory_space<hbm>>) target(%dma_start3A_227 : memref<512x64xf32, #tpu.memory_space<vmem>>) offsets(%dma_start3A_230 : memref<512xi32, #tpu.memory_space<vmem>>) semaphore(%arg15 : memref<!tpu.dma_semaphore, #tpu.memory_space<semaphore_mem>>)
    %dma_wait3A_234 = arith.constant 1 : i32
    %dma_wait3A_235 = arith.constant 1 : i32
    %dma_wait3A_236 = arith.constant 0 : i32
    %dma_wait3A_237 = arith.constant 0 : i32
    %dma_wait3A_238 = tpu.memref_slice %arg9[%dma_wait3A_235, %dma_wait3A_236, %dma_wait3A_237] : memref<3x512x64xf32, #tpu.memory_space<vmem>> -> memref<1x512x64xf32, #tpu.memory_space<vmem>>
    %dma_wait3A_239 = tpu.memref_squeeze %dma_wait3A_238 : memref<1x512x64xf32, #tpu.memory_space<vmem>> -> memref<512x64xf32, #tpu.memory_space<vmem>>
    %dma_wait3A_240 = arith.constant 0 : i32
    %dma_wait3A_241 = tpu.memref_slice %arg8[%dma_wait3A_234, %dma_wait3A_240] : memref<3x512xi32, #tpu.memory_space<vmem>> -> memref<1x512xi32, #tpu.memory_space<vmem>>
    %dma_wait3A_242 = tpu.memref_squeeze %dma_wait3A_241 : memref<1x512xi32, #tpu.memory_space<vmem>> -> memref<512xi32, #tpu.memory_space<vmem>>
    %dma_wait3A_243 = arith.constant 0 : i32
    %dma_wait3A_244 = arith.constant 0 : i32
    %dma_wait3A_245 = tpu.memref_slice %arg5[%dma_wait3A_243, %dma_wait3A_244] : memref<400x64xf32, #tpu.memory_space<hbm>> -> memref<400x64xf32, #tpu.memory_space<hbm>>
    tpu.wait_indirect_dma semaphore(%arg14 : memref<!tpu.dma_semaphore, #tpu.memory_space<semaphore_mem>>) src(%dma_wait3A_245 : memref<400x64xf32, #tpu.memory_space<hbm>>) dst(%dma_wait3A_239 : memref<512x64xf32, #tpu.memory_space<vmem>>)
    %dma_start3A_246 = arith.constant 1 : i32
    %dma_start3A_247 = arith.constant 1 : i32
    %dma_start3A_248 = arith.constant 0 : i32
    %dma_start3A_249 = arith.constant 0 : i32
    %dma_start3A_250 = tpu.memref_slice %arg9[%dma_start3A_247, %dma_start3A_248, %dma_start3A_249] : memref<3x512x64xf32, #tpu.memory_space<vmem>> -> memref<1x512x64xf32, #tpu.memory_space<vmem>>
    %dma_start3A_251 = tpu.memref_squeeze %dma_start3A_250 : memref<1x512x64xf32, #tpu.memory_space<vmem>> -> memref<512x64xf32, #tpu.memory_space<vmem>>
    %dma_start3A_252 = arith.constant 0 : i32
    %dma_start3A_253 = tpu.memref_slice %arg7[%dma_start3A_246, %dma_start3A_252] : memref<3x512xi32, #tpu.memory_space<vmem>> -> memref<1x512xi32, #tpu.memory_space<vmem>>
    %dma_start3A_254 = tpu.memref_squeeze %dma_start3A_253 : memref<1x512xi32, #tpu.memory_space<vmem>> -> memref<512xi32, #tpu.memory_space<vmem>>
    %dma_start3A_255 = arith.constant 0 : i32
    %dma_start3A_256 = arith.constant 0 : i32
    %dma_start3A_257 = tpu.memref_slice %arg2[%dma_start3A_255, %dma_start3A_256] : memref<1000000x64xf32, #tpu.memory_space<hbm>> -> memref<1000000x64xf32, #tpu.memory_space<hbm>>
    tpu.enqueue_indirect_dma source(%dma_start3A_257 : memref<1000000x64xf32, #tpu.memory_space<hbm>>) target(%dma_start3A_251 : memref<512x64xf32, #tpu.memory_space<vmem>>) offsets(%dma_start3A_254 : memref<512xi32, #tpu.memory_space<vmem>>) semaphore(%arg14 : memref<!tpu.dma_semaphore, #tpu.memory_space<semaphore_mem>>) {add = true}
    %scan3A_258 = arith.constant 0 : i32
    %scan3A_259 = arith.constant 0 : i32
    %scan3A_260 = arith.constant 15 : i32
    %scan3A_261 = arith.addi %scan3A_259, %scan3A_260 : i32
    %scan3A_262 = arith.constant 1 : i32
    scf.for %scan3A_631 = %scan3A_259 to %scan3A_261 step %scan3A_262  : i32 {
      %mul3A_632 = arith.constant 3 : i32
      %mul3A_633 = arith.muli %scan3A_631, %mul3A_632 : i32
      %add3A_634 = arith.constant 1 : i32
      %add3A_635 = arith.addi %add3A_634, %mul3A_633 : i32
      %add3A_636 = arith.constant 0 : i32
      %add3A_637 = arith.addi %add3A_635, %add3A_636 : i32
      %dma_wait3A_638 = arith.constant 1 : i32
      %dma_wait3A_639 = arith.constant 1 : i32
      %dma_wait3A_640 = arith.constant 0 : i32
      %dma_wait3A_641 = arith.constant 0 : i32
      %dma_wait3A_642 = tpu.memref_slice %arg9[%dma_wait3A_639, %dma_wait3A_640, %dma_wait3A_641] : memref<3x512x64xf32, #tpu.memory_space<vmem>> -> memref<1x512x64xf32, #tpu.memory_space<vmem>>
      %dma_wait3A_643 = tpu.memref_squeeze %dma_wait3A_642 : memref<1x512x64xf32, #tpu.memory_space<vmem>> -> memref<512x64xf32, #tpu.memory_space<vmem>>
      %dma_wait3A_644 = arith.constant 0 : i32
      %dma_wait3A_645 = tpu.memref_slice %arg7[%dma_wait3A_638, %dma_wait3A_644] : memref<3x512xi32, #tpu.memory_space<vmem>> -> memref<1x512xi32, #tpu.memory_space<vmem>>
      %dma_wait3A_646 = tpu.memref_squeeze %dma_wait3A_645 : memref<1x512xi32, #tpu.memory_space<vmem>> -> memref<512xi32, #tpu.memory_space<vmem>>
      %dma_wait3A_647 = arith.constant 0 : i32
      %dma_wait3A_648 = arith.constant 0 : i32
      %dma_wait3A_649 = tpu.memref_slice %arg2[%dma_wait3A_647, %dma_wait3A_648] : memref<1000000x64xf32, #tpu.memory_space<hbm>> -> memref<1000000x64xf32, #tpu.memory_space<hbm>>
      tpu.wait_indirect_dma semaphore(%arg14 : memref<!tpu.dma_semaphore, #tpu.memory_space<semaphore_mem>>) src(%dma_wait3A_649 : memref<1000000x64xf32, #tpu.memory_space<hbm>>) dst(%dma_wait3A_643 : memref<512x64xf32, #tpu.memory_space<vmem>>)
      %scan3A_650 = arith.constant 0 : i32
      %scan3A_651 = arith.constant 1 : i32
      %scan3A_652 = arith.constant 0 : i32
      %scan3A_653 = arith.constant 512 : i32
      %scan3A_654 = arith.addi %scan3A_652, %scan3A_653 : i32
      %scan3A_655 = arith.constant 2 : i32
      scf.for %scan3A_1054 = %scan3A_652 to %scan3A_654 step %scan3A_655  : i32 {
        %get3A = arith.constant 0 : i32
        %get3A_1055 = arith.constant 0 : i32
        %get3A_1056 = tpu.memref_slice %arg9[%scan3A_651, %get3A, %get3A_1055] : memref<3x512x64xf32, #tpu.memory_space<vmem>> -> memref<1x512x64xf32, #tpu.memory_space<vmem>>
        %get3A_1057 = tpu.memref_squeeze %get3A_1056 : memref<1x512x64xf32, #tpu.memory_space<vmem>> -> memref<512x64xf32, #tpu.memory_space<vmem>>
        %get3A_1058 = arith.index_cast %scan3A_1054 : i32 to index
        %get3A_1059 = arith.constant 0 : index
        %get3A_1060 = tpu.vector_load %get3A_1057[%get3A_1058, %get3A_1059] {strides = array<i32>} : memref<512x64xf32, #tpu.memory_space<vmem>>, vector<1x16xf32>,
        %get3A_1061 = vector.shape_cast %get3A_1060 : vector<1x16xf32> to vector<16xf32>
        %mul3A_1062 = arith.constant 8.000000e+00 : f32
        %mul3A_1063 = vector.broadcast %mul3A_1062 : f32 to vector<16xf32>
        %mul3A_1064 = arith.mulf %get3A_1061, %mul3A_1063 : vector<16xf32>
        %swap3A = arith.constant 0 : i32
        %swap3A_1065 = arith.constant 0 : i32
        %swap3A_1066 = tpu.memref_slice %arg9[%scan3A_651, %swap3A, %swap3A_1065] : memref<3x512x64xf32, #tpu.memory_space<vmem>> -> memref<1x512x64xf32, #tpu.memory_space<vmem>>
        %swap3A_1067 = tpu.memref_squeeze %swap3A_1066 : memref<1x512x64xf32, #tpu.memory_space<vmem>> -> memref<512x64xf32, #tpu.memory_space<vmem>>
        %swap3A_1068 = arith.index_cast %scan3A_1054 : i32 to index
        %swap3A_1069 = arith.constant 0 : index
        %swap3A_1070 = tpu.vector_load %swap3A_1067[%swap3A_1068, %swap3A_1069] {strides = array<i32>} : memref<512x64xf32, #tpu.memory_space<vmem>>, vector<1x16xf32>,
        %swap3A_1071 = vector.shape_cast %swap3A_1070 : vector<1x16xf32> to vector<16xf32>
        %swap3A_1072 = vector.shape_cast %mul3A_1064 : vector<16xf32> to vector<1x16xf32>
        tpu.vector_store %swap3A_1067[%swap3A_1068, %swap3A_1069], %swap3A_1072 {strides = array<i32>} : memref<512x64xf32, #tpu.memory_space<vmem>>, vector<1x16xf32>,
        %get3A_1073 = arith.constant 0 : i32
        %get3A_1074 = arith.constant 0 : i32
        %get3A_1075 = tpu.memref_slice %arg9[%scan3A_651, %get3A_1073, %get3A_1074] : memref<3x512x64xf32, #tpu.memory_space<vmem>> -> memref<1x512x64xf32, #tpu.memory_space<vmem>>
        %get3A_1076 = tpu.memref_squeeze %get3A_1075 : memref<1x512x64xf32, #tpu.memory_space<vmem>> -> memref<512x64xf32, #tpu.memory_space<vmem>>
        %get3A_1077 = arith.index_cast %scan3A_1054 : i32 to index
        %get3A_1078 = arith.constant 16 : index
        %get3A_1079 = tpu.vector_load %get3A_1076[%get3A_1077, %get3A_1078] {strides = array<i32>} : memref<512x64xf32, #tpu.memory_space<vmem>>, vector<1x16xf32>,
        %get3A_1080 = vector.shape_cast %get3A_1079 : vector<1x16xf32> to vector<16xf32>
        %mul3A_1081 = arith.constant 8.000000e+00 : f32
        %mul3A_1082 = vector.broadcast %mul3A_1081 : f32 to vector<16xf32>
        %mul3A_1083 = arith.mulf %get3A_1080, %mul3A_1082 : vector<16xf32>
        %swap3A_1084 = arith.constant 0 : i32
        %swap3A_1085 = arith.constant 0 : i32
        %swap3A_1086 = tpu.memref_slice %arg9[%scan3A_651, %swap3A_1084, %swap3A_1085] : memref<3x512x64xf32, #tpu.memory_space<vmem>> -> memref<1x512x64xf32, #tpu.memory_space<vmem>>
        %swap3A_1087 = tpu.memref_squeeze %swap3A_1086 : memref<1x512x64xf32, #tpu.memory_space<vmem>> -> memref<512x64xf32, #tpu.memory_space<vmem>>
        %swap3A_1088 = arith.index_cast %scan3A_1054 : i32 to index
        %swap3A_1089 = arith.constant 16 : index
        %swap3A_1090 = tpu.vector_load %swap3A_1087[%swap3A_1088, %swap3A_1089] {strides = array<i32>} : memref<512x64xf32, #tpu.memory_space<vmem>>, vector<1x16xf32>,
        %swap3A_1091 = vector.shape_cast %swap3A_1090 : vector<1x16xf32> to vector<16xf32>
        %swap3A_1092 = vector.shape_cast %mul3A_1083 : vector<16xf32> to vector<1x16xf32>
        tpu.vector_store %swap3A_1087[%swap3A_1088, %swap3A_1089], %swap3A_1092 {strides = array<i32>} : memref<512x64xf32, #tpu.memory_space<vmem>>, vector<1x16xf32>,
        %get3A_1093 = arith.constant 0 : i32
        %get3A_1094 = arith.constant 0 : i32
        %get3A_1095 = tpu.memref_slice %arg9[%scan3A_651, %get3A_1093, %get3A_1094] : memref<3x512x64xf32, #tpu.memory_space<vmem>> -> memref<1x512x64xf32, #tpu.memory_space<vmem>>
        %get3A_1096 = tpu.memref_squeeze %get3A_1095 : memref<1x512x64xf32, #tpu.memory_space<vmem>> -> memref<512x64xf32, #tpu.memory_space<vmem>>
        %get3A_1097 = arith.index_cast %scan3A_1054 : i32 to index
        %get3A_1098 = arith.constant 32 : index
        %get3A_1099 = tpu.vector_load %get3A_1096[%get3A_1097, %get3A_1098] {strides = array<i32>} : memref<512x64xf32, #tpu.memory_space<vmem>>, vector<1x16xf32>,
        %get3A_1100 = vector.shape_cast %get3A_1099 : vector<1x16xf32> to vector<16xf32>
        %mul3A_1101 = arith.constant 8.000000e+00 : f32
        %mul3A_1102 = vector.broadcast %mul3A_1101 : f32 to vector<16xf32>
        %mul3A_1103 = arith.mulf %get3A_1100, %mul3A_1102 : vector<16xf32>
        %swap3A_1104 = arith.constant 0 : i32
        %swap3A_1105 = arith.constant 0 : i32
        %swap3A_1106 = tpu.memref_slice %arg9[%scan3A_651, %swap3A_1104, %swap3A_1105] : memref<3x512x64xf32, #tpu.memory_space<vmem>> -> memref<1x512x64xf32, #tpu.memory_space<vmem>>
        %swap3A_1107 = tpu.memref_squeeze %swap3A_1106 : memref<1x512x64xf32, #tpu.memory_space<vmem>> -> memref<512x64xf32, #tpu.memory_space<vmem>>
        %swap3A_1108 = arith.index_cast %scan3A_1054 : i32 to index
        %swap3A_1109 = arith.constant 32 : index
        %swap3A_1110 = tpu.vector_load %swap3A_1107[%swap3A_1108, %swap3A_1109] {strides = array<i32>} : memref<512x64xf32, #tpu.memory_space<vmem>>, vector<1x16xf32>,
        %swap3A_1111 = vector.shape_cast %swap3A_1110 : vector<1x16xf32> to vector<16xf32>
        %swap3A_1112 = vector.shape_cast %mul3A_1103 : vector<16xf32> to vector<1x16xf32>
        tpu.vector_store %swap3A_1107[%swap3A_1108, %swap3A_1109], %swap3A_1112 {strides = array<i32>} : memref<512x64xf32, #tpu.memory_space<vmem>>, vector<1x16xf32>,
        %get3A_1113 = arith.constant 0 : i32
        %get3A_1114 = arith.constant 0 : i32
        %get3A_1115 = tpu.memref_slice %arg9[%scan3A_651, %get3A_1113, %get3A_1114] : memref<3x512x64xf32, #tpu.memory_space<vmem>> -> memref<1x512x64xf32, #tpu.memory_space<vmem>>
        %get3A_1116 = tpu.memref_squeeze %get3A_1115 : memref<1x512x64xf32, #tpu.memory_space<vmem>> -> memref<512x64xf32, #tpu.memory_space<vmem>>
        %get3A_1117 = arith.index_cast %scan3A_1054 : i32 to index
        %get3A_1118 = arith.constant 48 : index
        %get3A_1119 = tpu.vector_load %get3A_1116[%get3A_1117, %get3A_1118] {strides = array<i32>} : memref<512x64xf32, #tpu.memory_space<vmem>>, vector<1x16xf32>,
        %get3A_1120 = vector.shape_cast %get3A_1119 : vector<1x16xf32> to vector<16xf32>
        %mul3A_1121 = arith.constant 8.000000e+00 : f32
        %mul3A_1122 = vector.broadcast %mul3A_1121 : f32 to vector<16xf32>
        %mul3A_1123 = arith.mulf %get3A_1120, %mul3A_1122 : vector<16xf32>
        %swap3A_1124 = arith.constant 0 : i32
        %swap3A_1125 = arith.constant 0 : i32
        %swap3A_1126 = tpu.memref_slice %arg9[%scan3A_651, %swap3A_1124, %swap3A_1125] : memref<3x512x64xf32, #tpu.memory_space<vmem>> -> memref<1x512x64xf32, #tpu.memory_space<vmem>>
        %swap3A_1127 = tpu.memref_squeeze %swap3A_1126 : memref<1x512x64xf32, #tpu.memory_space<vmem>> -> memref<512x64xf32, #tpu.memory_space<vmem>>
        %swap3A_1128 = arith.index_cast %scan3A_1054 : i32 to index
        %swap3A_1129 = arith.constant 48 : index
        %swap3A_1130 = tpu.vector_load %swap3A_1127[%swap3A_1128, %swap3A_1129] {strides = array<i32>} : memref<512x64xf32, #tpu.memory_space<vmem>>, vector<1x16xf32>,
        %swap3A_1131 = vector.shape_cast %swap3A_1130 : vector<1x16xf32> to vector<16xf32>
        %swap3A_1132 = vector.shape_cast %mul3A_1123 : vector<16xf32> to vector<1x16xf32>
        tpu.vector_store %swap3A_1127[%swap3A_1128, %swap3A_1129], %swap3A_1132 {strides = array<i32>} : memref<512x64xf32, #tpu.memory_space<vmem>>, vector<1x16xf32>,
        %scan3A_1133 = arith.constant 1 : i32
        %scan3A_1134 = arith.addi %scan3A_1054, %scan3A_1133 : i32
        %get3A_1135 = arith.constant 0 : i32
        %get3A_1136 = arith.constant 0 : i32
        %get3A_1137 = tpu.memref_slice %arg9[%scan3A_651, %get3A_1135, %get3A_1136] : memref<3x512x64xf32, #tpu.memory_space<vmem>> -> memref<1x512x64xf32, #tpu.memory_space<vmem>>
        %get3A_1138 = tpu.memref_squeeze %get3A_1137 : memref<1x512x64xf32, #tpu.memory_space<vmem>> -> memref<512x64xf32, #tpu.memory_space<vmem>>
        %get3A_1139 = arith.index_cast %scan3A_1134 : i32 to index
        %get3A_1140 = arith.constant 0 : index
        %get3A_1141 = tpu.vector_load %get3A_1138[%get3A_1139, %get3A_1140] {strides = array<i32>} : memref<512x64xf32, #tpu.memory_space<vmem>>, vector<1x16xf32>,
        %get3A_1142 = vector.shape_cast %get3A_1141 : vector<1x16xf32> to vector<16xf32>
        %mul3A_1143 = arith.constant 8.000000e+00 : f32
        %mul3A_1144 = vector.broadcast %mul3A_1143 : f32 to vector<16xf32>
        %mul3A_1145 = arith.mulf %get3A_1142, %mul3A_1144 : vector<16xf32>
        %swap3A_1146 = arith.constant 0 : i32
        %swap3A_1147 = arith.constant 0 : i32
        %swap3A_1148 = tpu.memref_slice %arg9[%scan3A_651, %swap3A_1146, %swap3A_1147] : memref<3x512x64xf32, #tpu.memory_space<vmem>> -> memref<1x512x64xf32, #tpu.memory_space<vmem>>
        %swap3A_1149 = tpu.memref_squeeze %swap3A_1148 : memref<1x512x64xf32, #tpu.memory_space<vmem>> -> memref<512x64xf32, #tpu.memory_space<vmem>>
        %swap3A_1150 = arith.index_cast %scan3A_1134 : i32 to index
        %swap3A_1151 = arith.constant 0 : index
        %swap3A_1152 = tpu.vector_load %swap3A_1149[%swap3A_1150, %swap3A_1151] {strides = array<i32>} : memref<512x64xf32, #tpu.memory_space<vmem>>, vector<1x16xf32>,
        %swap3A_1153 = vector.shape_cast %swap3A_1152 : vector<1x16xf32> to vector<16xf32>
        %swap3A_1154 = vector.shape_cast %mul3A_1145 : vector<16xf32> to vector<1x16xf32>
        tpu.vector_store %swap3A_1149[%swap3A_1150, %swap3A_1151], %swap3A_1154 {strides = array<i32>} : memref<512x64xf32, #tpu.memory_space<vmem>>, vector<1x16xf32>,
        %get3A_1155 = arith.constant 0 : i32
        %get3A_1156 = arith.constant 0 : i32
        %get3A_1157 = tpu.memref_slice %arg9[%scan3A_651, %get3A_1155, %get3A_1156] : memref<3x512x64xf32, #tpu.memory_space<vmem>> -> memref<1x512x64xf32, #tpu.memory_space<vmem>>
        %get3A_1158 = tpu.memref_squeeze %get3A_1157 : memref<1x512x64xf32, #tpu.memory_space<vmem>> -> memref<512x64xf32, #tpu.memory_space<vmem>>
        %get3A_1159 = arith.index_cast %scan3A_1134 : i32 to index
        %get3A_1160 = arith.constant 16 : index
        %get3A_1161 = tpu.vector_load %get3A_1158[%get3A_1159, %get3A_1160] {strides = array<i32>} : memref<512x64xf32, #tpu.memory_space<vmem>>, vector<1x16xf32>,
        %get3A_1162 = vector.shape_cast %get3A_1161 : vector<1x16xf32> to vector<16xf32>
        %mul3A_1163 = arith.constant 8.000000e+00 : f32
        %mul3A_1164 = vector.broadcast %mul3A_1163 : f32 to vector<16xf32>
        %mul3A_1165 = arith.mulf %get3A_1162, %mul3A_1164 : vector<16xf32>
        %swap3A_1166 = arith.constant 0 : i32
        %swap3A_1167 = arith.constant 0 : i32
        %swap3A_1168 = tpu.memref_slice %arg9[%scan3A_651, %swap3A_1166, %swap3A_1167] : memref<3x512x64xf32, #tpu.memory_space<vmem>> -> memref<1x512x64xf32, #tpu.memory_space<vmem>>
        %swap3A_1169 = tpu.memref_squeeze %swap3A_1168 : memref<1x512x64xf32, #tpu.memory_space<vmem>> -> memref<512x64xf32, #tpu.memory_space<vmem>>
        %swap3A_1170 = arith.index_cast %scan3A_1134 : i32 to index
        %swap3A_1171 = arith.constant 16 : index
        %swap3A_1172 = tpu.vector_load %swap3A_1169[%swap3A_1170, %swap3A_1171] {strides = array<i32>} : memref<512x64xf32, #tpu.memory_space<vmem>>, vector<1x16xf32>,
        %swap3A_1173 = vector.shape_cast %swap3A_1172 : vector<1x16xf32> to vector<16xf32>
        %swap3A_1174 = vector.shape_cast %mul3A_1165 : vector<16xf32> to vector<1x16xf32>
        tpu.vector_store %swap3A_1169[%swap3A_1170, %swap3A_1171], %swap3A_1174 {strides = array<i32>} : memref<512x64xf32, #tpu.memory_space<vmem>>, vector<1x16xf32>,
        %get3A_1175 = arith.constant 0 : i32
        %get3A_1176 = arith.constant 0 : i32
        %get3A_1177 = tpu.memref_slice %arg9[%scan3A_651, %get3A_1175, %get3A_1176] : memref<3x512x64xf32, #tpu.memory_space<vmem>> -> memref<1x512x64xf32, #tpu.memory_space<vmem>>
        %get3A_1178 = tpu.memref_squeeze %get3A_1177 : memref<1x512x64xf32, #tpu.memory_space<vmem>> -> memref<512x64xf32, #tpu.memory_space<vmem>>
        %get3A_1179 = arith.index_cast %scan3A_1134 : i32 to index
        %get3A_1180 = arith.constant 32 : index
        %get3A_1181 = tpu.vector_load %get3A_1178[%get3A_1179, %get3A_1180] {strides = array<i32>} : memref<512x64xf32, #tpu.memory_space<vmem>>, vector<1x16xf32>,
        %get3A_1182 = vector.shape_cast %get3A_1181 : vector<1x16xf32> to vector<16xf32>
        %mul3A_1183 = arith.constant 8.000000e+00 : f32
        %mul3A_1184 = vector.broadcast %mul3A_1183 : f32 to vector<16xf32>
        %mul3A_1185 = arith.mulf %get3A_1182, %mul3A_1184 : vector<16xf32>
        %swap3A_1186 = arith.constant 0 : i32
        %swap3A_1187 = arith.constant 0 : i32
        %swap3A_1188 = tpu.memref_slice %arg9[%scan3A_651, %swap3A_1186, %swap3A_1187] : memref<3x512x64xf32, #tpu.memory_space<vmem>> -> memref<1x512x64xf32, #tpu.memory_space<vmem>>
        %swap3A_1189 = tpu.memref_squeeze %swap3A_1188 : memref<1x512x64xf32, #tpu.memory_space<vmem>> -> memref<512x64xf32, #tpu.memory_space<vmem>>
        %swap3A_1190 = arith.index_cast %scan3A_1134 : i32 to index
        %swap3A_1191 = arith.constant 32 : index
        %swap3A_1192 = tpu.vector_load %swap3A_1189[%swap3A_1190, %swap3A_1191] {strides = array<i32>} : memref<512x64xf32, #tpu.memory_space<vmem>>, vector<1x16xf32>,
        %swap3A_1193 = vector.shape_cast %swap3A_1192 : vector<1x16xf32> to vector<16xf32>
        %swap3A_1194 = vector.shape_cast %mul3A_1185 : vector<16xf32> to vector<1x16xf32>
        tpu.vector_store %swap3A_1189[%swap3A_1190, %swap3A_1191], %swap3A_1194 {strides = array<i32>} : memref<512x64xf32, #tpu.memory_space<vmem>>, vector<1x16xf32>,
        %get3A_1195 = arith.constant 0 : i32
        %get3A_1196 = arith.constant 0 : i32
        %get3A_1197 = tpu.memref_slice %arg9[%scan3A_651, %get3A_1195, %get3A_1196] : memref<3x512x64xf32, #tpu.memory_space<vmem>> -> memref<1x512x64xf32, #tpu.memory_space<vmem>>
        %get3A_1198 = tpu.memref_squeeze %get3A_1197 : memref<1x512x64xf32, #tpu.memory_space<vmem>> -> memref<512x64xf32, #tpu.memory_space<vmem>>
        %get3A_1199 = arith.index_cast %scan3A_1134 : i32 to index
        %get3A_1200 = arith.constant 48 : index
        %get3A_1201 = tpu.vector_load %get3A_1198[%get3A_1199, %get3A_1200] {strides = array<i32>} : memref<512x64xf32, #tpu.memory_space<vmem>>, vector<1x16xf32>,
        %get3A_1202 = vector.shape_cast %get3A_1201 : vector<1x16xf32> to vector<16xf32>
        %mul3A_1203 = arith.constant 8.000000e+00 : f32
        %mul3A_1204 = vector.broadcast %mul3A_1203 : f32 to vector<16xf32>
        %mul3A_1205 = arith.mulf %get3A_1202, %mul3A_1204 : vector<16xf32>
        %swap3A_1206 = arith.constant 0 : i32
        %swap3A_1207 = arith.constant 0 : i32
        %swap3A_1208 = tpu.memref_slice %arg9[%scan3A_651, %swap3A_1206, %swap3A_1207] : memref<3x512x64xf32, #tpu.memory_space<vmem>> -> memref<1x512x64xf32, #tpu.memory_space<vmem>>
        %swap3A_1209 = tpu.memref_squeeze %swap3A_1208 : memref<1x512x64xf32, #tpu.memory_space<vmem>> -> memref<512x64xf32, #tpu.memory_space<vmem>>
        %swap3A_1210 = arith.index_cast %scan3A_1134 : i32 to index
        %swap3A_1211 = arith.constant 48 : index
        %swap3A_1212 = tpu.vector_load %swap3A_1209[%swap3A_1210, %swap3A_1211] {strides = array<i32>} : memref<512x64xf32, #tpu.memory_space<vmem>>, vector<1x16xf32>,
        %swap3A_1213 = vector.shape_cast %swap3A_1212 : vector<1x16xf32> to vector<16xf32>
        %swap3A_1214 = vector.shape_cast %mul3A_1205 : vector<16xf32> to vector<1x16xf32>
        tpu.vector_store %swap3A_1209[%swap3A_1210, %swap3A_1211], %swap3A_1214 {strides = array<i32>} : memref<512x64xf32, #tpu.memory_space<vmem>>, vector<1x16xf32>,
      }
      %scan3A_656 = arith.constant 512 : i32
      %mul3A_657 = arith.constant 512 : i32
      %mul3A_658 = arith.muli %add3A_637, %mul3A_657 : i32
      %add3A_659 = arith.addi %mul3A_2, %mul3A_658 : i32
      %dma_start3A_660 = arith.constant 1 : i32
      %dma_start3A_661 = arith.constant 0 : i32
      %dma_start3A_662 = arith.constant 0 : i32
      %dma_start3A_663 = tpu.memref_slice %arg9[%dma_start3A_660, %dma_start3A_661, %dma_start3A_662] : memref<3x512x64xf32, #tpu.memory_space<vmem>> -> memref<1x512x64xf32, #tpu.memory_space<vmem>>
      %dma_start3A_664 = tpu.memref_squeeze %dma_start3A_663 : memref<1x512x64xf32, #tpu.memory_space<vmem>> -> memref<512x64xf32, #tpu.memory_space<vmem>>
      %dma_start3A_665 = arith.constant 0 : i32
      %dma_start3A_666 = tpu.memref_slice %arg6[%add3A_659, %dma_start3A_665] : memref<819200x64xf32, #tpu.memory_space<hbm>> -> memref<512x64xf32, #tpu.memory_space<hbm>>
      %dma_start3A_667 = arith.constant 0 : i32
      %dma_start3A_668 = tpu.memref_slice %arg6[%add3A_659, %dma_start3A_667] : memref<819200x64xf32, #tpu.memory_space<hbm>> -> memref<512x64xf32, #tpu.memory_space<hbm>>
      %dma_start3A_669 = arith.constant 0 : i32
      %dma_start3A_670 = arith.constant 0 : i32
      %dma_start3A_671 = tpu.memref_slice %arg9[%dma_start3A_660, %dma_start3A_669, %dma_start3A_670] : memref<3x512x64xf32, #tpu.memory_space<vmem>> -> memref<1x512x64xf32, #tpu.memory_space<vmem>>
      %dma_start3A_672 = tpu.memref_squeeze %dma_start3A_671 : memref<1x512x64xf32, #tpu.memory_space<vmem>> -> memref<512x64xf32, #tpu.memory_space<vmem>>
      tpu.enqueue_dma source(%dma_start3A_672 : memref<512x64xf32, #tpu.memory_space<vmem>>) target(%dma_start3A_668 : memref<512x64xf32, #tpu.memory_space<hbm>>) target_semaphore(%arg17 : memref<!tpu.dma_semaphore, #tpu.memory_space<semaphore_mem>>)
      %add3A_673 = arith.constant 3 : i32
      %add3A_674 = arith.addi %add3A_637, %add3A_673 : i32
      %mul3A_675 = arith.constant 512 : i32
      %mul3A_676 = arith.muli %add3A_674, %mul3A_675 : i32
      %add3A_677 = arith.addi %mul3A_2, %mul3A_676 : i32
      %dma_start3A_678 = arith.constant 1 : i32
      %dma_start3A_679 = arith.constant 0 : i32
      %dma_start3A_680 = tpu.memref_slice %arg7[%dma_start3A_678, %dma_start3A_679] : memref<3x512xi32, #tpu.memory_space<vmem>> -> memref<1x512xi32, #tpu.memory_space<vmem>>
      %dma_start3A_681 = tpu.memref_squeeze %dma_start3A_680 : memref<1x512xi32, #tpu.memory_space<vmem>> -> memref<512xi32, #tpu.memory_space<vmem>>
      %dma_start3A_682 = tpu.memref_slice %arg3[%add3A_677] : memref<819200xi32, #tpu.memory_space<hbm>> -> memref<512xi32, #tpu.memory_space<hbm>>
      %dma_start3A_683 = arith.constant 0 : i32
      %dma_start3A_684 = tpu.memref_slice %arg7[%dma_start3A_678, %dma_start3A_683] : memref<3x512xi32, #tpu.memory_space<vmem>> -> memref<1x512xi32, #tpu.memory_space<vmem>>
      %dma_start3A_685 = tpu.memref_squeeze %dma_start3A_684 : memref<1x512xi32, #tpu.memory_space<vmem>> -> memref<512xi32, #tpu.memory_space<vmem>>
      %dma_start3A_686 = tpu.memref_slice %arg3[%add3A_677] : memref<819200xi32, #tpu.memory_space<hbm>> -> memref<512xi32, #tpu.memory_space<hbm>>
      tpu.enqueue_dma source(%dma_start3A_686 : memref<512xi32, #tpu.memory_space<hbm>>) target(%dma_start3A_685 : memref<512xi32, #tpu.memory_space<vmem>>) target_semaphore(%arg11 : memref<!tpu.dma_semaphore, #tpu.memory_space<semaphore_mem>>)
      %dma_start3A_687 = arith.constant 1 : i32
      %dma_start3A_688 = arith.constant 0 : i32
      %dma_start3A_689 = tpu.memref_slice %arg8[%dma_start3A_687, %dma_start3A_688] : memref<3x512xi32, #tpu.memory_space<vmem>> -> memref<1x512xi32, #tpu.memory_space<vmem>>
      %dma_start3A_690 = tpu.memref_squeeze %dma_start3A_689 : memref<1x512xi32, #tpu.memory_space<vmem>> -> memref<512xi32, #tpu.memory_space<vmem>>
      %dma_start3A_691 = tpu.memref_slice %arg4[%add3A_677] : memref<819200xi32, #tpu.memory_space<hbm>> -> memref<512xi32, #tpu.memory_space<hbm>>
      %dma_start3A_692 = arith.constant 0 : i32
      %dma_start3A_693 = tpu.memref_slice %arg8[%dma_start3A_687, %dma_start3A_692] : memref<3x512xi32, #tpu.memory_space<vmem>> -> memref<1x512xi32, #tpu.memory_space<vmem>>
      %dma_start3A_694 = tpu.memref_squeeze %dma_start3A_693 : memref<1x512xi32, #tpu.memory_space<vmem>> -> memref<512xi32, #tpu.memory_space<vmem>>
      %dma_start3A_695 = tpu.memref_slice %arg4[%add3A_677] : memref<819200xi32, #tpu.memory_space<hbm>> -> memref<512xi32, #tpu.memory_space<hbm>>
      tpu.enqueue_dma source(%dma_start3A_695 : memref<512xi32, #tpu.memory_space<hbm>>) target(%dma_start3A_694 : memref<512xi32, #tpu.memory_space<vmem>>) target_semaphore(%arg11 : memref<!tpu.dma_semaphore, #tpu.memory_space<semaphore_mem>>)
      %sub3A = arith.constant 1 : i32
      %sub3A_696 = arith.subi %add3A_637, %sub3A : i32
      %mul3A_697 = arith.constant 512 : i32
      %mul3A_698 = arith.muli %sub3A_696, %mul3A_697 : i32
      %add3A_699 = arith.addi %mul3A_2, %mul3A_698 : i32
      %dma_wait3A_700 = arith.constant 0 : i32
      %dma_wait3A_701 = arith.constant 0 : i32
      %dma_wait3A_702 = arith.constant 0 : i32
      %dma_wait3A_703 = tpu.memref_slice %arg9[%dma_wait3A_700, %dma_wait3A_701, %dma_wait3A_702] : memref<3x512x64xf32, #tpu.memory_space<vmem>> -> memref<1x512x64xf32, #tpu.memory_space<vmem>>
      %dma_wait3A_704 = tpu.memref_squeeze %dma_wait3A_703 : memref<1x512x64xf32, #tpu.memory_space<vmem>> -> memref<512x64xf32, #tpu.memory_space<vmem>>
      %dma_wait3A_705 = arith.constant 0 : i32
      %dma_wait3A_706 = tpu.memref_slice %arg6[%add3A_699, %dma_wait3A_705] : memref<819200x64xf32, #tpu.memory_space<hbm>> -> memref<512x64xf32, #tpu.memory_space<hbm>>
      %dma_wait3A_707 = arith.constant 0 : i32
      %dma_wait3A_708 = tpu.memref_slice %arg6[%add3A_699, %dma_wait3A_707] : memref<819200x64xf32, #tpu.memory_space<hbm>> -> memref<512x64xf32, #tpu.memory_space<hbm>>
      %dma_wait3A_709 = arith.constant 0 : i32
      %dma_wait3A_710 = arith.constant 0 : i32
      %dma_wait3A_711 = tpu.memref_slice %arg9[%dma_wait3A_700, %dma_wait3A_709, %dma_wait3A_710] : memref<3x512x64xf32, #tpu.memory_space<vmem>> -> memref<1x512x64xf32, #tpu.memory_space<vmem>>
      %dma_wait3A_712 = tpu.memref_squeeze %dma_wait3A_711 : memref<1x512x64xf32, #tpu.memory_space<vmem>> -> memref<512x64xf32, #tpu.memory_space<vmem>>
      tpu.wait_dma2 semaphore(%arg16 : memref<!tpu.dma_semaphore, #tpu.memory_space<semaphore_mem>>) src(%dma_wait3A_712 : memref<512x64xf32, #tpu.memory_space<vmem>>) dst(%dma_wait3A_708 : memref<512x64xf32, #tpu.memory_space<hbm>>)
      %add3A_713 = arith.constant 2 : i32
      %add3A_714 = arith.addi %add3A_637, %add3A_713 : i32
      %mul3A_715 = arith.constant 512 : i32
      %mul3A_716 = arith.muli %add3A_714, %mul3A_715 : i32
      %add3A_717 = arith.addi %mul3A_2, %mul3A_716 : i32
      %dma_wait3A_718 = arith.constant 0 : i32
      %dma_wait3A_719 = arith.constant 0 : i32
      %dma_wait3A_720 = tpu.memref_slice %arg7[%dma_wait3A_718, %dma_wait3A_719] : memref<3x512xi32, #tpu.memory_space<vmem>> -> memref<1x512xi32, #tpu.memory_space<vmem>>
      %dma_wait3A_721 = tpu.memref_squeeze %dma_wait3A_720 : memref<1x512xi32, #tpu.memory_space<vmem>> -> memref<512xi32, #tpu.memory_space<vmem>>
      %dma_wait3A_722 = tpu.memref_slice %arg3[%add3A_717] : memref<819200xi32, #tpu.memory_space<hbm>> -> memref<512xi32, #tpu.memory_space<hbm>>
      %dma_wait3A_723 = arith.constant 0 : i32
      %dma_wait3A_724 = tpu.memref_slice %arg7[%dma_wait3A_718, %dma_wait3A_723] : memref<3x512xi32, #tpu.memory_space<vmem>> -> memref<1x512xi32, #tpu.memory_space<vmem>>
      %dma_wait3A_725 = tpu.memref_squeeze %dma_wait3A_724 : memref<1x512xi32, #tpu.memory_space<vmem>> -> memref<512xi32, #tpu.memory_space<vmem>>
      %dma_wait3A_726 = tpu.memref_slice %arg3[%add3A_717] : memref<819200xi32, #tpu.memory_space<hbm>> -> memref<512xi32, #tpu.memory_space<hbm>>
      tpu.wait_dma2 semaphore(%arg10 : memref<!tpu.dma_semaphore, #tpu.memory_space<semaphore_mem>>) src(%dma_wait3A_726 : memref<512xi32, #tpu.memory_space<hbm>>) dst(%dma_wait3A_725 : memref<512xi32, #tpu.memory_space<vmem>>)
      %dma_wait3A_727 = arith.constant 0 : i32
      %dma_wait3A_728 = arith.constant 0 : i32
      %dma_wait3A_729 = tpu.memref_slice %arg8[%dma_wait3A_727, %dma_wait3A_728] : memref<3x512xi32, #tpu.memory_space<vmem>> -> memref<1x512xi32, #tpu.memory_space<vmem>>
      %dma_wait3A_730 = tpu.memref_squeeze %dma_wait3A_729 : memref<1x512xi32, #tpu.memory_space<vmem>> -> memref<512xi32, #tpu.memory_space<vmem>>
      %dma_wait3A_731 = tpu.memref_slice %arg4[%add3A_717] : memref<819200xi32, #tpu.memory_space<hbm>> -> memref<512xi32, #tpu.memory_space<hbm>>
      %dma_wait3A_732 = arith.constant 0 : i32
      %dma_wait3A_733 = tpu.memref_slice %arg8[%dma_wait3A_727, %dma_wait3A_732] : memref<3x512xi32, #tpu.memory_space<vmem>> -> memref<1x512xi32, #tpu.memory_space<vmem>>
      %dma_wait3A_734 = tpu.memref_squeeze %dma_wait3A_733 : memref<1x512xi32, #tpu.memory_space<vmem>> -> memref<512xi32, #tpu.memory_space<vmem>>
      %dma_wait3A_735 = tpu.memref_slice %arg4[%add3A_717] : memref<819200xi32, #tpu.memory_space<hbm>> -> memref<512xi32, #tpu.memory_space<hbm>>
      tpu.wait_dma2 semaphore(%arg10 : memref<!tpu.dma_semaphore, #tpu.memory_space<semaphore_mem>>) src(%dma_wait3A_735 : memref<512xi32, #tpu.memory_space<hbm>>) dst(%dma_wait3A_734 : memref<512xi32, #tpu.memory_space<vmem>>)
      %dma_start3A_736 = arith.constant 0 : i32
      %dma_start3A_737 = arith.constant 0 : i32
      %dma_start3A_738 = arith.constant 0 : i32
      %dma_start3A_739 = arith.constant 0 : i32
      %dma_start3A_740 = tpu.memref_slice %arg9[%dma_start3A_737, %dma_start3A_738, %dma_start3A_739] : memref<3x512x64xf32, #tpu.memory_space<vmem>> -> memref<1x512x64xf32, #tpu.memory_space<vmem>>
      %dma_start3A_741 = tpu.memref_squeeze %dma_start3A_740 : memref<1x512x64xf32, #tpu.memory_space<vmem>> -> memref<512x64xf32, #tpu.memory_space<vmem>>
      %dma_start3A_742 = arith.constant 0 : i32
      %dma_start3A_743 = tpu.memref_slice %arg8[%dma_start3A_736, %dma_start3A_742] : memref<3x512xi32, #tpu.memory_space<vmem>> -> memref<1x512xi32, #tpu.memory_space<vmem>>
      %dma_start3A_744 = tpu.memref_squeeze %dma_start3A_743 : memref<1x512xi32, #tpu.memory_space<vmem>> -> memref<512xi32, #tpu.memory_space<vmem>>
      %dma_start3A_745 = arith.constant 0 : i32
      %dma_start3A_746 = arith.constant 0 : i32
      %dma_start3A_747 = tpu.memref_slice %arg5[%dma_start3A_745, %dma_start3A_746] : memref<400x64xf32, #tpu.memory_space<hbm>> -> memref<400x64xf32, #tpu.memory_space<hbm>>
      tpu.enqueue_indirect_dma source(%dma_start3A_747 : memref<400x64xf32, #tpu.memory_space<hbm>>) target(%dma_start3A_741 : memref<512x64xf32, #tpu.memory_space<vmem>>) offsets(%dma_start3A_744 : memref<512xi32, #tpu.memory_space<vmem>>) semaphore(%arg13 : memref<!tpu.dma_semaphore, #tpu.memory_space<semaphore_mem>>)
      %dma_wait3A_748 = arith.constant 2 : i32
      %dma_wait3A_749 = arith.constant 2 : i32
      %dma_wait3A_750 = arith.constant 0 : i32
      %dma_wait3A_751 = arith.constant 0 : i32
      %dma_wait3A_752 = tpu.memref_slice %arg9[%dma_wait3A_749, %dma_wait3A_750, %dma_wait3A_751] : memref<3x512x64xf32, #tpu.memory_space<vmem>> -> memref<1x512x64xf32, #tpu.memory_space<vmem>>
      %dma_wait3A_753 = tpu.memref_squeeze %dma_wait3A_752 : memref<1x512x64xf32, #tpu.memory_space<vmem>> -> memref<512x64xf32, #tpu.memory_space<vmem>>
      %dma_wait3A_754 = arith.constant 0 : i32
      %dma_wait3A_755 = tpu.memref_slice %arg8[%dma_wait3A_748, %dma_wait3A_754] : memref<3x512xi32, #tpu.memory_space<vmem>> -> memref<1x512xi32, #tpu.memory_space<vmem>>
      %dma_wait3A_756 = tpu.memref_squeeze %dma_wait3A_755 : memref<1x512xi32, #tpu.memory_space<vmem>> -> memref<512xi32, #tpu.memory_space<vmem>>
      %dma_wait3A_757 = arith.constant 0 : i32
      %dma_wait3A_758 = arith.constant 0 : i32
      %dma_wait3A_759 = tpu.memref_slice %arg5[%dma_wait3A_757, %dma_wait3A_758] : memref<400x64xf32, #tpu.memory_space<hbm>> -> memref<400x64xf32, #tpu.memory_space<hbm>>
      tpu.wait_indirect_dma semaphore(%arg15 : memref<!tpu.dma_semaphore, #tpu.memory_space<semaphore_mem>>) src(%dma_wait3A_759 : memref<400x64xf32, #tpu.memory_space<hbm>>) dst(%dma_wait3A_753 : memref<512x64xf32, #tpu.memory_space<vmem>>)
      %dma_start3A_760 = arith.constant 2 : i32
      %dma_start3A_761 = arith.constant 2 : i32
      %dma_start3A_762 = arith.constant 0 : i32
      %dma_start3A_763 = arith.constant 0 : i32
      %dma_start3A_764 = tpu.memref_slice %arg9[%dma_start3A_761, %dma_start3A_762, %dma_start3A_763] : memref<3x512x64xf32, #tpu.memory_space<vmem>> -> memref<1x512x64xf32, #tpu.memory_space<vmem>>
      %dma_start3A_765 = tpu.memref_squeeze %dma_start3A_764 : memref<1x512x64xf32, #tpu.memory_space<vmem>> -> memref<512x64xf32, #tpu.memory_space<vmem>>
      %dma_start3A_766 = arith.constant 0 : i32
      %dma_start3A_767 = tpu.memref_slice %arg7[%dma_start3A_760, %dma_start3A_766] : memref<3x512xi32, #tpu.memory_space<vmem>> -> memref<1x512xi32, #tpu.memory_space<vmem>>
      %dma_start3A_768 = tpu.memref_squeeze %dma_start3A_767 : memref<1x512xi32, #tpu.memory_space<vmem>> -> memref<512xi32, #tpu.memory_space<vmem>>
      %dma_start3A_769 = arith.constant 0 : i32
      %dma_start3A_770 = arith.constant 0 : i32
      %dma_start3A_771 = tpu.memref_slice %arg2[%dma_start3A_769, %dma_start3A_770] : memref<1000000x64xf32, #tpu.memory_space<hbm>> -> memref<1000000x64xf32, #tpu.memory_space<hbm>>
      tpu.enqueue_indirect_dma source(%dma_start3A_771 : memref<1000000x64xf32, #tpu.memory_space<hbm>>) target(%dma_start3A_765 : memref<512x64xf32, #tpu.memory_space<vmem>>) offsets(%dma_start3A_768 : memref<512xi32, #tpu.memory_space<vmem>>) semaphore(%arg15 : memref<!tpu.dma_semaphore, #tpu.memory_space<semaphore_mem>>) {add = true}
      %mul3A_772 = arith.constant 3 : i32
      %mul3A_773 = arith.muli %scan3A_631, %mul3A_772 : i32
      %add3A_774 = arith.constant 1 : i32
      %add3A_775 = arith.addi %add3A_774, %mul3A_773 : i32
      %add3A_776 = arith.constant 1 : i32
      %add3A_777 = arith.addi %add3A_775, %add3A_776 : i32
      %dma_wait3A_778 = arith.constant 2 : i32
      %dma_wait3A_779 = arith.constant 2 : i32
      %dma_wait3A_780 = arith.constant 0 : i32
      %dma_wait3A_781 = arith.constant 0 : i32
      %dma_wait3A_782 = tpu.memref_slice %arg9[%dma_wait3A_779, %dma_wait3A_780, %dma_wait3A_781] : memref<3x512x64xf32, #tpu.memory_space<vmem>> -> memref<1x512x64xf32, #tpu.memory_space<vmem>>
      %dma_wait3A_783 = tpu.memref_squeeze %dma_wait3A_782 : memref<1x512x64xf32, #tpu.memory_space<vmem>> -> memref<512x64xf32, #tpu.memory_space<vmem>>
      %dma_wait3A_784 = arith.constant 0 : i32
      %dma_wait3A_785 = tpu.memref_slice %arg7[%dma_wait3A_778, %dma_wait3A_784] : memref<3x512xi32, #tpu.memory_space<vmem>> -> memref<1x512xi32, #tpu.memory_space<vmem>>
      %dma_wait3A_786 = tpu.memref_squeeze %dma_wait3A_785 : memref<1x512xi32, #tpu.memory_space<vmem>> -> memref<512xi32, #tpu.memory_space<vmem>>
      %dma_wait3A_787 = arith.constant 0 : i32
      %dma_wait3A_788 = arith.constant 0 : i32
      %dma_wait3A_789 = tpu.memref_slice %arg2[%dma_wait3A_787, %dma_wait3A_788] : memref<1000000x64xf32, #tpu.memory_space<hbm>> -> memref<1000000x64xf32, #tpu.memory_space<hbm>>
      tpu.wait_indirect_dma semaphore(%arg15 : memref<!tpu.dma_semaphore, #tpu.memory_space<semaphore_mem>>) src(%dma_wait3A_789 : memref<1000000x64xf32, #tpu.memory_space<hbm>>) dst(%dma_wait3A_783 : memref<512x64xf32, #tpu.memory_space<vmem>>)
      %scan3A_790 = arith.constant 0 : i32
      %scan3A_791 = arith.constant 2 : i32
      %scan3A_792 = arith.constant 0 : i32
      %scan3A_793 = arith.constant 512 : i32
      %scan3A_794 = arith.addi %scan3A_792, %scan3A_793 : i32
      %scan3A_795 = arith.constant 2 : i32
      scf.for %scan3A_1054 = %scan3A_792 to %scan3A_794 step %scan3A_795  : i32 {
        %get3A = arith.constant 0 : i32
        %get3A_1055 = arith.constant 0 : i32
        %get3A_1056 = tpu.memref_slice %arg9[%scan3A_791, %get3A, %get3A_1055] : memref<3x512x64xf32, #tpu.memory_space<vmem>> -> memref<1x512x64xf32, #tpu.memory_space<vmem>>
        %get3A_1057 = tpu.memref_squeeze %get3A_1056 : memref<1x512x64xf32, #tpu.memory_space<vmem>> -> memref<512x64xf32, #tpu.memory_space<vmem>>
        %get3A_1058 = arith.index_cast %scan3A_1054 : i32 to index
        %get3A_1059 = arith.constant 0 : index
        %get3A_1060 = tpu.vector_load %get3A_1057[%get3A_1058, %get3A_1059] {strides = array<i32>} : memref<512x64xf32, #tpu.memory_space<vmem>>, vector<1x16xf32>,
        %get3A_1061 = vector.shape_cast %get3A_1060 : vector<1x16xf32> to vector<16xf32>
        %mul3A_1062 = arith.constant 8.000000e+00 : f32
        %mul3A_1063 = vector.broadcast %mul3A_1062 : f32 to vector<16xf32>
        %mul3A_1064 = arith.mulf %get3A_1061, %mul3A_1063 : vector<16xf32>
        %swap3A = arith.constant 0 : i32
        %swap3A_1065 = arith.constant 0 : i32
        %swap3A_1066 = tpu.memref_slice %arg9[%scan3A_791, %swap3A, %swap3A_1065] : memref<3x512x64xf32, #tpu.memory_space<vmem>> -> memref<1x512x64xf32, #tpu.memory_space<vmem>>
        %swap3A_1067 = tpu.memref_squeeze %swap3A_1066 : memref<1x512x64xf32, #tpu.memory_space<vmem>> -> memref<512x64xf32, #tpu.memory_space<vmem>>
        %swap3A_1068 = arith.index_cast %scan3A_1054 : i32 to index
        %swap3A_1069 = arith.constant 0 : index
        %swap3A_1070 = tpu.vector_load %swap3A_1067[%swap3A_1068, %swap3A_1069] {strides = array<i32>} : memref<512x64xf32, #tpu.memory_space<vmem>>, vector<1x16xf32>,
        %swap3A_1071 = vector.shape_cast %swap3A_1070 : vector<1x16xf32> to vector<16xf32>
        %swap3A_1072 = vector.shape_cast %mul3A_1064 : vector<16xf32> to vector<1x16xf32>
        tpu.vector_store %swap3A_1067[%swap3A_1068, %swap3A_1069], %swap3A_1072 {strides = array<i32>} : memref<512x64xf32, #tpu.memory_space<vmem>>, vector<1x16xf32>,
        %get3A_1073 = arith.constant 0 : i32
        %get3A_1074 = arith.constant 0 : i32
        %get3A_1075 = tpu.memref_slice %arg9[%scan3A_791, %get3A_1073, %get3A_1074] : memref<3x512x64xf32, #tpu.memory_space<vmem>> -> memref<1x512x64xf32, #tpu.memory_space<vmem>>
        %get3A_1076 = tpu.memref_squeeze %get3A_1075 : memref<1x512x64xf32, #tpu.memory_space<vmem>> -> memref<512x64xf32, #tpu.memory_space<vmem>>
        %get3A_1077 = arith.index_cast %scan3A_1054 : i32 to index
        %get3A_1078 = arith.constant 16 : index
        %get3A_1079 = tpu.vector_load %get3A_1076[%get3A_1077, %get3A_1078] {strides = array<i32>} : memref<512x64xf32, #tpu.memory_space<vmem>>, vector<1x16xf32>,
        %get3A_1080 = vector.shape_cast %get3A_1079 : vector<1x16xf32> to vector<16xf32>
        %mul3A_1081 = arith.constant 8.000000e+00 : f32
        %mul3A_1082 = vector.broadcast %mul3A_1081 : f32 to vector<16xf32>
        %mul3A_1083 = arith.mulf %get3A_1080, %mul3A_1082 : vector<16xf32>
        %swap3A_1084 = arith.constant 0 : i32
        %swap3A_1085 = arith.constant 0 : i32
        %swap3A_1086 = tpu.memref_slice %arg9[%scan3A_791, %swap3A_1084, %swap3A_1085] : memref<3x512x64xf32, #tpu.memory_space<vmem>> -> memref<1x512x64xf32, #tpu.memory_space<vmem>>
        %swap3A_1087 = tpu.memref_squeeze %swap3A_1086 : memref<1x512x64xf32, #tpu.memory_space<vmem>> -> memref<512x64xf32, #tpu.memory_space<vmem>>
        %swap3A_1088 = arith.index_cast %scan3A_1054 : i32 to index
        %swap3A_1089 = arith.constant 16 : index
        %swap3A_1090 = tpu.vector_load %swap3A_1087[%swap3A_1088, %swap3A_1089] {strides = array<i32>} : memref<512x64xf32, #tpu.memory_space<vmem>>, vector<1x16xf32>,
        %swap3A_1091 = vector.shape_cast %swap3A_1090 : vector<1x16xf32> to vector<16xf32>
        %swap3A_1092 = vector.shape_cast %mul3A_1083 : vector<16xf32> to vector<1x16xf32>
        tpu.vector_store %swap3A_1087[%swap3A_1088, %swap3A_1089], %swap3A_1092 {strides = array<i32>} : memref<512x64xf32, #tpu.memory_space<vmem>>, vector<1x16xf32>,
        %get3A_1093 = arith.constant 0 : i32
        %get3A_1094 = arith.constant 0 : i32
        %get3A_1095 = tpu.memref_slice %arg9[%scan3A_791, %get3A_1093, %get3A_1094] : memref<3x512x64xf32, #tpu.memory_space<vmem>> -> memref<1x512x64xf32, #tpu.memory_space<vmem>>
        %get3A_1096 = tpu.memref_squeeze %get3A_1095 : memref<1x512x64xf32, #tpu.memory_space<vmem>> -> memref<512x64xf32, #tpu.memory_space<vmem>>
        %get3A_1097 = arith.index_cast %scan3A_1054 : i32 to index
        %get3A_1098 = arith.constant 32 : index
        %get3A_1099 = tpu.vector_load %get3A_1096[%get3A_1097, %get3A_1098] {strides = array<i32>} : memref<512x64xf32, #tpu.memory_space<vmem>>, vector<1x16xf32>,
        %get3A_1100 = vector.shape_cast %get3A_1099 : vector<1x16xf32> to vector<16xf32>
        %mul3A_1101 = arith.constant 8.000000e+00 : f32
        %mul3A_1102 = vector.broadcast %mul3A_1101 : f32 to vector<16xf32>
        %mul3A_1103 = arith.mulf %get3A_1100, %mul3A_1102 : vector<16xf32>
        %swap3A_1104 = arith.constant 0 : i32
        %swap3A_1105 = arith.constant 0 : i32
        %swap3A_1106 = tpu.memref_slice %arg9[%scan3A_791, %swap3A_1104, %swap3A_1105] : memref<3x512x64xf32, #tpu.memory_space<vmem>> -> memref<1x512x64xf32, #tpu.memory_space<vmem>>
        %swap3A_1107 = tpu.memref_squeeze %swap3A_1106 : memref<1x512x64xf32, #tpu.memory_space<vmem>> -> memref<512x64xf32, #tpu.memory_space<vmem>>
        %swap3A_1108 = arith.index_cast %scan3A_1054 : i32 to index
        %swap3A_1109 = arith.constant 32 : index
        %swap3A_1110 = tpu.vector_load %swap3A_1107[%swap3A_1108, %swap3A_1109] {strides = array<i32>} : memref<512x64xf32, #tpu.memory_space<vmem>>, vector<1x16xf32>,
        %swap3A_1111 = vector.shape_cast %swap3A_1110 : vector<1x16xf32> to vector<16xf32>
        %swap3A_1112 = vector.shape_cast %mul3A_1103 : vector<16xf32> to vector<1x16xf32>
        tpu.vector_store %swap3A_1107[%swap3A_1108, %swap3A_1109], %swap3A_1112 {strides = array<i32>} : memref<512x64xf32, #tpu.memory_space<vmem>>, vector<1x16xf32>,
        %get3A_1113 = arith.constant 0 : i32
        %get3A_1114 = arith.constant 0 : i32
        %get3A_1115 = tpu.memref_slice %arg9[%scan3A_791, %get3A_1113, %get3A_1114] : memref<3x512x64xf32, #tpu.memory_space<vmem>> -> memref<1x512x64xf32, #tpu.memory_space<vmem>>
        %get3A_1116 = tpu.memref_squeeze %get3A_1115 : memref<1x512x64xf32, #tpu.memory_space<vmem>> -> memref<512x64xf32, #tpu.memory_space<vmem>>
        %get3A_1117 = arith.index_cast %scan3A_1054 : i32 to index
        %get3A_1118 = arith.constant 48 : index
        %get3A_1119 = tpu.vector_load %get3A_1116[%get3A_1117, %get3A_1118] {strides = array<i32>} : memref<512x64xf32, #tpu.memory_space<vmem>>, vector<1x16xf32>,
        %get3A_1120 = vector.shape_cast %get3A_1119 : vector<1x16xf32> to vector<16xf32>
        %mul3A_1121 = arith.constant 8.000000e+00 : f32
        %mul3A_1122 = vector.broadcast %mul3A_1121 : f32 to vector<16xf32>
        %mul3A_1123 = arith.mulf %get3A_1120, %mul3A_1122 : vector<16xf32>
        %swap3A_1124 = arith.constant 0 : i32
        %swap3A_1125 = arith.constant 0 : i32
        %swap3A_1126 = tpu.memref_slice %arg9[%scan3A_791, %swap3A_1124, %swap3A_1125] : memref<3x512x64xf32, #tpu.memory_space<vmem>> -> memref<1x512x64xf32, #tpu.memory_space<vmem>>
        %swap3A_1127 = tpu.memref_squeeze %swap3A_1126 : memref<1x512x64xf32, #tpu.memory_space<vmem>> -> memref<512x64xf32, #tpu.memory_space<vmem>>
        %swap3A_1128 = arith.index_cast %scan3A_1054 : i32 to index
        %swap3A_1129 = arith.constant 48 : index
        %swap3A_1130 = tpu.vector_load %swap3A_1127[%swap3A_1128, %swap3A_1129] {strides = array<i32>} : memref<512x64xf32, #tpu.memory_space<vmem>>, vector<1x16xf32>,
        %swap3A_1131 = vector.shape_cast %swap3A_1130 : vector<1x16xf32> to vector<16xf32>
        %swap3A_1132 = vector.shape_cast %mul3A_1123 : vector<16xf32> to vector<1x16xf32>
        tpu.vector_store %swap3A_1127[%swap3A_1128, %swap3A_1129], %swap3A_1132 {strides = array<i32>} : memref<512x64xf32, #tpu.memory_space<vmem>>, vector<1x16xf32>,
        %scan3A_1133 = arith.constant 1 : i32
        %scan3A_1134 = arith.addi %scan3A_1054, %scan3A_1133 : i32
        %get3A_1135 = arith.constant 0 : i32
        %get3A_1136 = arith.constant 0 : i32
        %get3A_1137 = tpu.memref_slice %arg9[%scan3A_791, %get3A_1135, %get3A_1136] : memref<3x512x64xf32, #tpu.memory_space<vmem>> -> memref<1x512x64xf32, #tpu.memory_space<vmem>>
        %get3A_1138 = tpu.memref_squeeze %get3A_1137 : memref<1x512x64xf32, #tpu.memory_space<vmem>> -> memref<512x64xf32, #tpu.memory_space<vmem>>
        %get3A_1139 = arith.index_cast %scan3A_1134 : i32 to index
        %get3A_1140 = arith.constant 0 : index
        %get3A_1141 = tpu.vector_load %get3A_1138[%get3A_1139, %get3A_1140] {strides = array<i32>} : memref<512x64xf32, #tpu.memory_space<vmem>>, vector<1x16xf32>,
        %get3A_1142 = vector.shape_cast %get3A_1141 : vector<1x16xf32> to vector<16xf32>
        %mul3A_1143 = arith.constant 8.000000e+00 : f32
        %mul3A_1144 = vector.broadcast %mul3A_1143 : f32 to vector<16xf32>
        %mul3A_1145 = arith.mulf %get3A_1142, %mul3A_1144 : vector<16xf32>
        %swap3A_1146 = arith.constant 0 : i32
        %swap3A_1147 = arith.constant 0 : i32
        %swap3A_1148 = tpu.memref_slice %arg9[%scan3A_791, %swap3A_1146, %swap3A_1147] : memref<3x512x64xf32, #tpu.memory_space<vmem>> -> memref<1x512x64xf32, #tpu.memory_space<vmem>>
        %swap3A_1149 = tpu.memref_squeeze %swap3A_1148 : memref<1x512x64xf32, #tpu.memory_space<vmem>> -> memref<512x64xf32, #tpu.memory_space<vmem>>
        %swap3A_1150 = arith.index_cast %scan3A_1134 : i32 to index
        %swap3A_1151 = arith.constant 0 : index
        %swap3A_1152 = tpu.vector_load %swap3A_1149[%swap3A_1150, %swap3A_1151] {strides = array<i32>} : memref<512x64xf32, #tpu.memory_space<vmem>>, vector<1x16xf32>,
        %swap3A_1153 = vector.shape_cast %swap3A_1152 : vector<1x16xf32> to vector<16xf32>
        %swap3A_1154 = vector.shape_cast %mul3A_1145 : vector<16xf32> to vector<1x16xf32>
        tpu.vector_store %swap3A_1149[%swap3A_1150, %swap3A_1151], %swap3A_1154 {strides = array<i32>} : memref<512x64xf32, #tpu.memory_space<vmem>>, vector<1x16xf32>,
        %get3A_1155 = arith.constant 0 : i32
        %get3A_1156 = arith.constant 0 : i32
        %get3A_1157 = tpu.memref_slice %arg9[%scan3A_791, %get3A_1155, %get3A_1156] : memref<3x512x64xf32, #tpu.memory_space<vmem>> -> memref<1x512x64xf32, #tpu.memory_space<vmem>>
        %get3A_1158 = tpu.memref_squeeze %get3A_1157 : memref<1x512x64xf32, #tpu.memory_space<vmem>> -> memref<512x64xf32, #tpu.memory_space<vmem>>
        %get3A_1159 = arith.index_cast %scan3A_1134 : i32 to index
        %get3A_1160 = arith.constant 16 : index
        %get3A_1161 = tpu.vector_load %get3A_1158[%get3A_1159, %get3A_1160] {strides = array<i32>} : memref<512x64xf32, #tpu.memory_space<vmem>>, vector<1x16xf32>,
        %get3A_1162 = vector.shape_cast %get3A_1161 : vector<1x16xf32> to vector<16xf32>
        %mul3A_1163 = arith.constant 8.000000e+00 : f32
        %mul3A_1164 = vector.broadcast %mul3A_1163 : f32 to vector<16xf32>
        %mul3A_1165 = arith.mulf %get3A_1162, %mul3A_1164 : vector<16xf32>
        %swap3A_1166 = arith.constant 0 : i32
        %swap3A_1167 = arith.constant 0 : i32
        %swap3A_1168 = tpu.memref_slice %arg9[%scan3A_791, %swap3A_1166, %swap3A_1167] : memref<3x512x64xf32, #tpu.memory_space<vmem>> -> memref<1x512x64xf32, #tpu.memory_space<vmem>>
        %swap3A_1169 = tpu.memref_squeeze %swap3A_1168 : memref<1x512x64xf32, #tpu.memory_space<vmem>> -> memref<512x64xf32, #tpu.memory_space<vmem>>
        %swap3A_1170 = arith.index_cast %scan3A_1134 : i32 to index
        %swap3A_1171 = arith.constant 16 : index
        %swap3A_1172 = tpu.vector_load %swap3A_1169[%swap3A_1170, %swap3A_1171] {strides = array<i32>} : memref<512x64xf32, #tpu.memory_space<vmem>>, vector<1x16xf32>,
        %swap3A_1173 = vector.shape_cast %swap3A_1172 : vector<1x16xf32> to vector<16xf32>
        %swap3A_1174 = vector.shape_cast %mul3A_1165 : vector<16xf32> to vector<1x16xf32>
        tpu.vector_store %swap3A_1169[%swap3A_1170, %swap3A_1171], %swap3A_1174 {strides = array<i32>} : memref<512x64xf32, #tpu.memory_space<vmem>>, vector<1x16xf32>,
        %get3A_1175 = arith.constant 0 : i32
        %get3A_1176 = arith.constant 0 : i32
        %get3A_1177 = tpu.memref_slice %arg9[%scan3A_791, %get3A_1175, %get3A_1176] : memref<3x512x64xf32, #tpu.memory_space<vmem>> -> memref<1x512x64xf32, #tpu.memory_space<vmem>>
        %get3A_1178 = tpu.memref_squeeze %get3A_1177 : memref<1x512x64xf32, #tpu.memory_space<vmem>> -> memref<512x64xf32, #tpu.memory_space<vmem>>
        %get3A_1179 = arith.index_cast %scan3A_1134 : i32 to index
        %get3A_1180 = arith.constant 32 : index
        %get3A_1181 = tpu.vector_load %get3A_1178[%get3A_1179, %get3A_1180] {strides = array<i32>} : memref<512x64xf32, #tpu.memory_space<vmem>>, vector<1x16xf32>,
        %get3A_1182 = vector.shape_cast %get3A_1181 : vector<1x16xf32> to vector<16xf32>
        %mul3A_1183 = arith.constant 8.000000e+00 : f32
        %mul3A_1184 = vector.broadcast %mul3A_1183 : f32 to vector<16xf32>
        %mul3A_1185 = arith.mulf %get3A_1182, %mul3A_1184 : vector<16xf32>
        %swap3A_1186 = arith.constant 0 : i32
        %swap3A_1187 = arith.constant 0 : i32
        %swap3A_1188 = tpu.memref_slice %arg9[%scan3A_791, %swap3A_1186, %swap3A_1187] : memref<3x512x64xf32, #tpu.memory_space<vmem>> -> memref<1x512x64xf32, #tpu.memory_space<vmem>>
        %swap3A_1189 = tpu.memref_squeeze %swap3A_1188 : memref<1x512x64xf32, #tpu.memory_space<vmem>> -> memref<512x64xf32, #tpu.memory_space<vmem>>
        %swap3A_1190 = arith.index_cast %scan3A_1134 : i32 to index
        %swap3A_1191 = arith.constant 32 : index
        %swap3A_1192 = tpu.vector_load %swap3A_1189[%swap3A_1190, %swap3A_1191] {strides = array<i32>} : memref<512x64xf32, #tpu.memory_space<vmem>>, vector<1x16xf32>,
        %swap3A_1193 = vector.shape_cast %swap3A_1192 : vector<1x16xf32> to vector<16xf32>
        %swap3A_1194 = vector.shape_cast %mul3A_1185 : vector<16xf32> to vector<1x16xf32>
        tpu.vector_store %swap3A_1189[%swap3A_1190, %swap3A_1191], %swap3A_1194 {strides = array<i32>} : memref<512x64xf32, #tpu.memory_space<vmem>>, vector<1x16xf32>,
        %get3A_1195 = arith.constant 0 : i32
        %get3A_1196 = arith.constant 0 : i32
        %get3A_1197 = tpu.memref_slice %arg9[%scan3A_791, %get3A_1195, %get3A_1196] : memref<3x512x64xf32, #tpu.memory_space<vmem>> -> memref<1x512x64xf32, #tpu.memory_space<vmem>>
        %get3A_1198 = tpu.memref_squeeze %get3A_1197 : memref<1x512x64xf32, #tpu.memory_space<vmem>> -> memref<512x64xf32, #tpu.memory_space<vmem>>
        %get3A_1199 = arith.index_cast %scan3A_1134 : i32 to index
        %get3A_1200 = arith.constant 48 : index
        %get3A_1201 = tpu.vector_load %get3A_1198[%get3A_1199, %get3A_1200] {strides = array<i32>} : memref<512x64xf32, #tpu.memory_space<vmem>>, vector<1x16xf32>,
        %get3A_1202 = vector.shape_cast %get3A_1201 : vector<1x16xf32> to vector<16xf32>
        %mul3A_1203 = arith.constant 8.000000e+00 : f32
        %mul3A_1204 = vector.broadcast %mul3A_1203 : f32 to vector<16xf32>
        %mul3A_1205 = arith.mulf %get3A_1202, %mul3A_1204 : vector<16xf32>
        %swap3A_1206 = arith.constant 0 : i32
        %swap3A_1207 = arith.constant 0 : i32
        %swap3A_1208 = tpu.memref_slice %arg9[%scan3A_791, %swap3A_1206, %swap3A_1207] : memref<3x512x64xf32, #tpu.memory_space<vmem>> -> memref<1x512x64xf32, #tpu.memory_space<vmem>>
        %swap3A_1209 = tpu.memref_squeeze %swap3A_1208 : memref<1x512x64xf32, #tpu.memory_space<vmem>> -> memref<512x64xf32, #tpu.memory_space<vmem>>
        %swap3A_1210 = arith.index_cast %scan3A_1134 : i32 to index
        %swap3A_1211 = arith.constant 48 : index
        %swap3A_1212 = tpu.vector_load %swap3A_1209[%swap3A_1210, %swap3A_1211] {strides = array<i32>} : memref<512x64xf32, #tpu.memory_space<vmem>>, vector<1x16xf32>,
        %swap3A_1213 = vector.shape_cast %swap3A_1212 : vector<1x16xf32> to vector<16xf32>
        %swap3A_1214 = vector.shape_cast %mul3A_1205 : vector<16xf32> to vector<1x16xf32>
        tpu.vector_store %swap3A_1209[%swap3A_1210, %swap3A_1211], %swap3A_1214 {strides = array<i32>} : memref<512x64xf32, #tpu.memory_space<vmem>>, vector<1x16xf32>,
      }
      %scan3A_796 = arith.constant 512 : i32
      %mul3A_797 = arith.constant 512 : i32
      %mul3A_798 = arith.muli %add3A_777, %mul3A_797 : i32
      %add3A_799 = arith.addi %mul3A_2, %mul3A_798 : i32
      %dma_start3A_800 = arith.constant 2 : i32
      %dma_start3A_801 = arith.constant 0 : i32
      %dma_start3A_802 = arith.constant 0 : i32
      %dma_start3A_803 = tpu.memref_slice %arg9[%dma_start3A_800, %dma_start3A_801, %dma_start3A_802] : memref<3x512x64xf32, #tpu.memory_space<vmem>> -> memref<1x512x64xf32, #tpu.memory_space<vmem>>
      %dma_start3A_804 = tpu.memref_squeeze %dma_start3A_803 : memref<1x512x64xf32, #tpu.memory_space<vmem>> -> memref<512x64xf32, #tpu.memory_space<vmem>>
      %dma_start3A_805 = arith.constant 0 : i32
      %dma_start3A_806 = tpu.memref_slice %arg6[%add3A_799, %dma_start3A_805] : memref<819200x64xf32, #tpu.memory_space<hbm>> -> memref<512x64xf32, #tpu.memory_space<hbm>>
      %dma_start3A_807 = arith.constant 0 : i32
      %dma_start3A_808 = tpu.memref_slice %arg6[%add3A_799, %dma_start3A_807] : memref<819200x64xf32, #tpu.memory_space<hbm>> -> memref<512x64xf32, #tpu.memory_space<hbm>>
      %dma_start3A_809 = arith.constant 0 : i32
      %dma_start3A_810 = arith.constant 0 : i32
      %dma_start3A_811 = tpu.memref_slice %arg9[%dma_start3A_800, %dma_start3A_809, %dma_start3A_810] : memref<3x512x64xf32, #tpu.memory_space<vmem>> -> memref<1x512x64xf32, #tpu.memory_space<vmem>>
      %dma_start3A_812 = tpu.memref_squeeze %dma_start3A_811 : memref<1x512x64xf32, #tpu.memory_space<vmem>> -> memref<512x64xf32, #tpu.memory_space<vmem>>
      tpu.enqueue_dma source(%dma_start3A_812 : memref<512x64xf32, #tpu.memory_space<vmem>>) target(%dma_start3A_808 : memref<512x64xf32, #tpu.memory_space<hbm>>) target_semaphore(%arg18 : memref<!tpu.dma_semaphore, #tpu.memory_space<semaphore_mem>>)
      %add3A_813 = arith.constant 3 : i32
      %add3A_814 = arith.addi %add3A_777, %add3A_813 : i32
      %mul3A_815 = arith.constant 512 : i32
      %mul3A_816 = arith.muli %add3A_814, %mul3A_815 : i32
      %add3A_817 = arith.addi %mul3A_2, %mul3A_816 : i32
      %dma_start3A_818 = arith.constant 2 : i32
      %dma_start3A_819 = arith.constant 0 : i32
      %dma_start3A_820 = tpu.memref_slice %arg7[%dma_start3A_818, %dma_start3A_819] : memref<3x512xi32, #tpu.memory_space<vmem>> -> memref<1x512xi32, #tpu.memory_space<vmem>>
      %dma_start3A_821 = tpu.memref_squeeze %dma_start3A_820 : memref<1x512xi32, #tpu.memory_space<vmem>> -> memref<512xi32, #tpu.memory_space<vmem>>
      %dma_start3A_822 = tpu.memref_slice %arg3[%add3A_817] : memref<819200xi32, #tpu.memory_space<hbm>> -> memref<512xi32, #tpu.memory_space<hbm>>
      %dma_start3A_823 = arith.constant 0 : i32
      %dma_start3A_824 = tpu.memref_slice %arg7[%dma_start3A_818, %dma_start3A_823] : memref<3x512xi32, #tpu.memory_space<vmem>> -> memref<1x512xi32, #tpu.memory_space<vmem>>
      %dma_start3A_825 = tpu.memref_squeeze %dma_start3A_824 : memref<1x512xi32, #tpu.memory_space<vmem>> -> memref<512xi32, #tpu.memory_space<vmem>>
      %dma_start3A_826 = tpu.memref_slice %arg3[%add3A_817] : memref<819200xi32, #tpu.memory_space<hbm>> -> memref<512xi32, #tpu.memory_space<hbm>>
      tpu.enqueue_dma source(%dma_start3A_826 : memref<512xi32, #tpu.memory_space<hbm>>) target(%dma_start3A_825 : memref<512xi32, #tpu.memory_space<vmem>>) target_semaphore(%arg12 : memref<!tpu.dma_semaphore, #tpu.memory_space<semaphore_mem>>)
      %dma_start3A_827 = arith.constant 2 : i32
      %dma_start3A_828 = arith.constant 0 : i32
      %dma_start3A_829 = tpu.memref_slice %arg8[%dma_start3A_827, %dma_start3A_828] : memref<3x512xi32, #tpu.memory_space<vmem>> -> memref<1x512xi32, #tpu.memory_space<vmem>>
      %dma_start3A_830 = tpu.memref_squeeze %dma_start3A_829 : memref<1x512xi32, #tpu.memory_space<vmem>> -> memref<512xi32, #tpu.memory_space<vmem>>
      %dma_start3A_831 = tpu.memref_slice %arg4[%add3A_817] : memref<819200xi32, #tpu.memory_space<hbm>> -> memref<512xi32, #tpu.memory_space<hbm>>
      %dma_start3A_832 = arith.constant 0 : i32
      %dma_start3A_833 = tpu.memref_slice %arg8[%dma_start3A_827, %dma_start3A_832] : memref<3x512xi32, #tpu.memory_space<vmem>> -> memref<1x512xi32, #tpu.memory_space<vmem>>
      %dma_start3A_834 = tpu.memref_squeeze %dma_start3A_833 : memref<1x512xi32, #tpu.memory_space<vmem>> -> memref<512xi32, #tpu.memory_space<vmem>>
      %dma_start3A_835 = tpu.memref_slice %arg4[%add3A_817] : memref<819200xi32, #tpu.memory_space<hbm>> -> memref<512xi32, #tpu.memory_space<hbm>>
      tpu.enqueue_dma source(%dma_start3A_835 : memref<512xi32, #tpu.memory_space<hbm>>) target(%dma_start3A_834 : memref<512xi32, #tpu.memory_space<vmem>>) target_semaphore(%arg12 : memref<!tpu.dma_semaphore, #tpu.memory_space<semaphore_mem>>)
      %sub3A_836 = arith.constant 1 : i32
      %sub3A_837 = arith.subi %add3A_777, %sub3A_836 : i32
      %mul3A_838 = arith.constant 512 : i32
      %mul3A_839 = arith.muli %sub3A_837, %mul3A_838 : i32
      %add3A_840 = arith.addi %mul3A_2, %mul3A_839 : i32
      %dma_wait3A_841 = arith.constant 1 : i32
      %dma_wait3A_842 = arith.constant 0 : i32
      %dma_wait3A_843 = arith.constant 0 : i32
      %dma_wait3A_844 = tpu.memref_slice %arg9[%dma_wait3A_841, %dma_wait3A_842, %dma_wait3A_843] : memref<3x512x64xf32, #tpu.memory_space<vmem>> -> memref<1x512x64xf32, #tpu.memory_space<vmem>>
      %dma_wait3A_845 = tpu.memref_squeeze %dma_wait3A_844 : memref<1x512x64xf32, #tpu.memory_space<vmem>> -> memref<512x64xf32, #tpu.memory_space<vmem>>
      %dma_wait3A_846 = arith.constant 0 : i32
      %dma_wait3A_847 = tpu.memref_slice %arg6[%add3A_840, %dma_wait3A_846] : memref<819200x64xf32, #tpu.memory_space<hbm>> -> memref<512x64xf32, #tpu.memory_space<hbm>>
      %dma_wait3A_848 = arith.constant 0 : i32
      %dma_wait3A_849 = tpu.memref_slice %arg6[%add3A_840, %dma_wait3A_848] : memref<819200x64xf32, #tpu.memory_space<hbm>> -> memref<512x64xf32, #tpu.memory_space<hbm>>
      %dma_wait3A_850 = arith.constant 0 : i32
      %dma_wait3A_851 = arith.constant 0 : i32
      %dma_wait3A_852 = tpu.memref_slice %arg9[%dma_wait3A_841, %dma_wait3A_850, %dma_wait3A_851] : memref<3x512x64xf32, #tpu.memory_space<vmem>> -> memref<1x512x64xf32, #tpu.memory_space<vmem>>
      %dma_wait3A_853 = tpu.memref_squeeze %dma_wait3A_852 : memref<1x512x64xf32, #tpu.memory_space<vmem>> -> memref<512x64xf32, #tpu.memory_space<vmem>>
      tpu.wait_dma2 semaphore(%arg17 : memref<!tpu.dma_semaphore, #tpu.memory_space<semaphore_mem>>) src(%dma_wait3A_853 : memref<512x64xf32, #tpu.memory_space<vmem>>) dst(%dma_wait3A_849 : memref<512x64xf32, #tpu.memory_space<hbm>>)
      %add3A_854 = arith.constant 2 : i32
      %add3A_855 = arith.addi %add3A_777, %add3A_854 : i32
      %mul3A_856 = arith.constant 512 : i32
      %mul3A_857 = arith.muli %add3A_855, %mul3A_856 : i32
      %add3A_858 = arith.addi %mul3A_2, %mul3A_857 : i32
      %dma_wait3A_859 = arith.constant 1 : i32
      %dma_wait3A_860 = arith.constant 0 : i32
      %dma_wait3A_861 = tpu.memref_slice %arg7[%dma_wait3A_859, %dma_wait3A_860] : memref<3x512xi32, #tpu.memory_space<vmem>> -> memref<1x512xi32, #tpu.memory_space<vmem>>
      %dma_wait3A_862 = tpu.memref_squeeze %dma_wait3A_861 : memref<1x512xi32, #tpu.memory_space<vmem>> -> memref<512xi32, #tpu.memory_space<vmem>>
      %dma_wait3A_863 = tpu.memref_slice %arg3[%add3A_858] : memref<819200xi32, #tpu.memory_space<hbm>> -> memref<512xi32, #tpu.memory_space<hbm>>
      %dma_wait3A_864 = arith.constant 0 : i32
      %dma_wait3A_865 = tpu.memref_slice %arg7[%dma_wait3A_859, %dma_wait3A_864] : memref<3x512xi32, #tpu.memory_space<vmem>> -> memref<1x512xi32, #tpu.memory_space<vmem>>
      %dma_wait3A_866 = tpu.memref_squeeze %dma_wait3A_865 : memref<1x512xi32, #tpu.memory_space<vmem>> -> memref<512xi32, #tpu.memory_space<vmem>>
      %dma_wait3A_867 = tpu.memref_slice %arg3[%add3A_858] : memref<819200xi32, #tpu.memory_space<hbm>> -> memref<512xi32, #tpu.memory_space<hbm>>
      tpu.wait_dma2 semaphore(%arg11 : memref<!tpu.dma_semaphore, #tpu.memory_space<semaphore_mem>>) src(%dma_wait3A_867 : memref<512xi32, #tpu.memory_space<hbm>>) dst(%dma_wait3A_866 : memref<512xi32, #tpu.memory_space<vmem>>)
      %dma_wait3A_868 = arith.constant 1 : i32
      %dma_wait3A_869 = arith.constant 0 : i32
      %dma_wait3A_870 = tpu.memref_slice %arg8[%dma_wait3A_868, %dma_wait3A_869] : memref<3x512xi32, #tpu.memory_space<vmem>> -> memref<1x512xi32, #tpu.memory_space<vmem>>
      %dma_wait3A_871 = tpu.memref_squeeze %dma_wait3A_870 : memref<1x512xi32, #tpu.memory_space<vmem>> -> memref<512xi32, #tpu.memory_space<vmem>>
      %dma_wait3A_872 = tpu.memref_slice %arg4[%add3A_858] : memref<819200xi32, #tpu.memory_space<hbm>> -> memref<512xi32, #tpu.memory_space<hbm>>
      %dma_wait3A_873 = arith.constant 0 : i32
      %dma_wait3A_874 = tpu.memref_slice %arg8[%dma_wait3A_868, %dma_wait3A_873] : memref<3x512xi32, #tpu.memory_space<vmem>> -> memref<1x512xi32, #tpu.memory_space<vmem>>
      %dma_wait3A_875 = tpu.memref_squeeze %dma_wait3A_874 : memref<1x512xi32, #tpu.memory_space<vmem>> -> memref<512xi32, #tpu.memory_space<vmem>>
      %dma_wait3A_876 = tpu.memref_slice %arg4[%add3A_858] : memref<819200xi32, #tpu.memory_space<hbm>> -> memref<512xi32, #tpu.memory_space<hbm>>
      tpu.wait_dma2 semaphore(%arg11 : memref<!tpu.dma_semaphore, #tpu.memory_space<semaphore_mem>>) src(%dma_wait3A_876 : memref<512xi32, #tpu.memory_space<hbm>>) dst(%dma_wait3A_875 : memref<512xi32, #tpu.memory_space<vmem>>)
      %dma_start3A_877 = arith.constant 1 : i32
      %dma_start3A_878 = arith.constant 1 : i32
      %dma_start3A_879 = arith.constant 0 : i32
      %dma_start3A_880 = arith.constant 0 : i32
      %dma_start3A_881 = tpu.memref_slice %arg9[%dma_start3A_878, %dma_start3A_879, %dma_start3A_880] : memref<3x512x64xf32, #tpu.memory_space<vmem>> -> memref<1x512x64xf32, #tpu.memory_space<vmem>>
      %dma_start3A_882 = tpu.memref_squeeze %dma_start3A_881 : memref<1x512x64xf32, #tpu.memory_space<vmem>> -> memref<512x64xf32, #tpu.memory_space<vmem>>
      %dma_start3A_883 = arith.constant 0 : i32
      %dma_start3A_884 = tpu.memref_slice %arg8[%dma_start3A_877, %dma_start3A_883] : memref<3x512xi32, #tpu.memory_space<vmem>> -> memref<1x512xi32, #tpu.memory_space<vmem>>
      %dma_start3A_885 = tpu.memref_squeeze %dma_start3A_884 : memref<1x512xi32, #tpu.memory_space<vmem>> -> memref<512xi32, #tpu.memory_space<vmem>>
      %dma_start3A_886 = arith.constant 0 : i32
      %dma_start3A_887 = arith.constant 0 : i32
      %dma_start3A_888 = tpu.memref_slice %arg5[%dma_start3A_886, %dma_start3A_887] : memref<400x64xf32, #tpu.memory_space<hbm>> -> memref<400x64xf32, #tpu.memory_space<hbm>>
      tpu.enqueue_indirect_dma source(%dma_start3A_888 : memref<400x64xf32, #tpu.memory_space<hbm>>) target(%dma_start3A_882 : memref<512x64xf32, #tpu.memory_space<vmem>>) offsets(%dma_start3A_885 : memref<512xi32, #tpu.memory_space<vmem>>) semaphore(%arg14 : memref<!tpu.dma_semaphore, #tpu.memory_space<semaphore_mem>>)
      %dma_wait3A_889 = arith.constant 0 : i32
      %dma_wait3A_890 = arith.constant 0 : i32
      %dma_wait3A_891 = arith.constant 0 : i32
      %dma_wait3A_892 = arith.constant 0 : i32
      %dma_wait3A_893 = tpu.memref_slice %arg9[%dma_wait3A_890, %dma_wait3A_891, %dma_wait3A_892] : memref<3x512x64xf32, #tpu.memory_space<vmem>> -> memref<1x512x64xf32, #tpu.memory_space<vmem>>
      %dma_wait3A_894 = tpu.memref_squeeze %dma_wait3A_893 : memref<1x512x64xf32, #tpu.memory_space<vmem>> -> memref<512x64xf32, #tpu.memory_space<vmem>>
      %dma_wait3A_895 = arith.constant 0 : i32
      %dma_wait3A_896 = tpu.memref_slice %arg8[%dma_wait3A_889, %dma_wait3A_895] : memref<3x512xi32, #tpu.memory_space<vmem>> -> memref<1x512xi32, #tpu.memory_space<vmem>>
      %dma_wait3A_897 = tpu.memref_squeeze %dma_wait3A_896 : memref<1x512xi32, #tpu.memory_space<vmem>> -> memref<512xi32, #tpu.memory_space<vmem>>
      %dma_wait3A_898 = arith.constant 0 : i32
      %dma_wait3A_899 = arith.constant 0 : i32
      %dma_wait3A_900 = tpu.memref_slice %arg5[%dma_wait3A_898, %dma_wait3A_899] : memref<400x64xf32, #tpu.memory_space<hbm>> -> memref<400x64xf32, #tpu.memory_space<hbm>>
      tpu.wait_indirect_dma semaphore(%arg13 : memref<!tpu.dma_semaphore, #tpu.memory_space<semaphore_mem>>) src(%dma_wait3A_900 : memref<400x64xf32, #tpu.memory_space<hbm>>) dst(%dma_wait3A_894 : memref<512x64xf32, #tpu.memory_space<vmem>>)
      %dma_start3A_901 = arith.constant 0 : i32
      %dma_start3A_902 = arith.constant 0 : i32
      %dma_start3A_903 = arith.constant 0 : i32
      %dma_start3A_904 = arith.constant 0 : i32
      %dma_start3A_905 = tpu.memref_slice %arg9[%dma_start3A_902, %dma_start3A_903, %dma_start3A_904] : memref<3x512x64xf32, #tpu.memory_space<vmem>> -> memref<1x512x64xf32, #tpu.memory_space<vmem>>
      %dma_start3A_906 = tpu.memref_squeeze %dma_start3A_905 : memref<1x512x64xf32, #tpu.memory_space<vmem>> -> memref<512x64xf32, #tpu.memory_space<vmem>>
      %dma_start3A_907 = arith.constant 0 : i32
      %dma_start3A_908 = tpu.memref_slice %arg7[%dma_start3A_901, %dma_start3A_907] : memref<3x512xi32, #tpu.memory_space<vmem>> -> memref<1x512xi32, #tpu.memory_space<vmem>>
      %dma_start3A_909 = tpu.memref_squeeze %dma_start3A_908 : memref<1x512xi32, #tpu.memory_space<vmem>> -> memref<512xi32, #tpu.memory_space<vmem>>
      %dma_start3A_910 = arith.constant 0 : i32
      %dma_start3A_911 = arith.constant 0 : i32
      %dma_start3A_912 = tpu.memref_slice %arg2[%dma_start3A_910, %dma_start3A_911] : memref<1000000x64xf32, #tpu.memory_space<hbm>> -> memref<1000000x64xf32, #tpu.memory_space<hbm>>
      tpu.enqueue_indirect_dma source(%dma_start3A_912 : memref<1000000x64xf32, #tpu.memory_space<hbm>>) target(%dma_start3A_906 : memref<512x64xf32, #tpu.memory_space<vmem>>) offsets(%dma_start3A_909 : memref<512xi32, #tpu.memory_space<vmem>>) semaphore(%arg13 : memref<!tpu.dma_semaphore, #tpu.memory_space<semaphore_mem>>) {add = true}
      %mul3A_913 = arith.constant 3 : i32
      %mul3A_914 = arith.muli %scan3A_631, %mul3A_913 : i32
      %add3A_915 = arith.constant 1 : i32
      %add3A_916 = arith.addi %add3A_915, %mul3A_914 : i32
      %add3A_917 = arith.constant 2 : i32
      %add3A_918 = arith.addi %add3A_916, %add3A_917 : i32
      %dma_wait3A_919 = arith.constant 0 : i32
      %dma_wait3A_920 = arith.constant 0 : i32
      %dma_wait3A_921 = arith.constant 0 : i32
      %dma_wait3A_922 = arith.constant 0 : i32
      %dma_wait3A_923 = tpu.memref_slice %arg9[%dma_wait3A_920, %dma_wait3A_921, %dma_wait3A_922] : memref<3x512x64xf32, #tpu.memory_space<vmem>> -> memref<1x512x64xf32, #tpu.memory_space<vmem>>
      %dma_wait3A_924 = tpu.memref_squeeze %dma_wait3A_923 : memref<1x512x64xf32, #tpu.memory_space<vmem>> -> memref<512x64xf32, #tpu.memory_space<vmem>>
      %dma_wait3A_925 = arith.constant 0 : i32
      %dma_wait3A_926 = tpu.memref_slice %arg7[%dma_wait3A_919, %dma_wait3A_925] : memref<3x512xi32, #tpu.memory_space<vmem>> -> memref<1x512xi32, #tpu.memory_space<vmem>>
      %dma_wait3A_927 = tpu.memref_squeeze %dma_wait3A_926 : memref<1x512xi32, #tpu.memory_space<vmem>> -> memref<512xi32, #tpu.memory_space<vmem>>
      %dma_wait3A_928 = arith.constant 0 : i32
      %dma_wait3A_929 = arith.constant 0 : i32
      %dma_wait3A_930 = tpu.memref_slice %arg2[%dma_wait3A_928, %dma_wait3A_929] : memref<1000000x64xf32, #tpu.memory_space<hbm>> -> memref<1000000x64xf32, #tpu.memory_space<hbm>>
      tpu.wait_indirect_dma semaphore(%arg13 : memref<!tpu.dma_semaphore, #tpu.memory_space<semaphore_mem>>) src(%dma_wait3A_930 : memref<1000000x64xf32, #tpu.memory_space<hbm>>) dst(%dma_wait3A_924 : memref<512x64xf32, #tpu.memory_space<vmem>>)
      %scan3A_931 = arith.constant 0 : i32
      %scan3A_932 = arith.constant 0 : i32
      %scan3A_933 = arith.constant 0 : i32
      %scan3A_934 = arith.constant 512 : i32
      %scan3A_935 = arith.addi %scan3A_933, %scan3A_934 : i32
      %scan3A_936 = arith.constant 2 : i32
      scf.for %scan3A_1054 = %scan3A_933 to %scan3A_935 step %scan3A_936  : i32 {
        %get3A = arith.constant 0 : i32
        %get3A_1055 = arith.constant 0 : i32
        %get3A_1056 = tpu.memref_slice %arg9[%scan3A_932, %get3A, %get3A_1055] : memref<3x512x64xf32, #tpu.memory_space<vmem>> -> memref<1x512x64xf32, #tpu.memory_space<vmem>>
        %get3A_1057 = tpu.memref_squeeze %get3A_1056 : memref<1x512x64xf32, #tpu.memory_space<vmem>> -> memref<512x64xf32, #tpu.memory_space<vmem>>
        %get3A_1058 = arith.index_cast %scan3A_1054 : i32 to index
        %get3A_1059 = arith.constant 0 : index
        %get3A_1060 = tpu.vector_load %get3A_1057[%get3A_1058, %get3A_1059] {strides = array<i32>} : memref<512x64xf32, #tpu.memory_space<vmem>>, vector<1x16xf32>,
        %get3A_1061 = vector.shape_cast %get3A_1060 : vector<1x16xf32> to vector<16xf32>
        %mul3A_1062 = arith.constant 8.000000e+00 : f32
        %mul3A_1063 = vector.broadcast %mul3A_1062 : f32 to vector<16xf32>
        %mul3A_1064 = arith.mulf %get3A_1061, %mul3A_1063 : vector<16xf32>
        %swap3A = arith.constant 0 : i32
        %swap3A_1065 = arith.constant 0 : i32
        %swap3A_1066 = tpu.memref_slice %arg9[%scan3A_932, %swap3A, %swap3A_1065] : memref<3x512x64xf32, #tpu.memory_space<vmem>> -> memref<1x512x64xf32, #tpu.memory_space<vmem>>
        %swap3A_1067 = tpu.memref_squeeze %swap3A_1066 : memref<1x512x64xf32, #tpu.memory_space<vmem>> -> memref<512x64xf32, #tpu.memory_space<vmem>>
        %swap3A_1068 = arith.index_cast %scan3A_1054 : i32 to index
        %swap3A_1069 = arith.constant 0 : index
        %swap3A_1070 = tpu.vector_load %swap3A_1067[%swap3A_1068, %swap3A_1069] {strides = array<i32>} : memref<512x64xf32, #tpu.memory_space<vmem>>, vector<1x16xf32>,
        %swap3A_1071 = vector.shape_cast %swap3A_1070 : vector<1x16xf32> to vector<16xf32>
        %swap3A_1072 = vector.shape_cast %mul3A_1064 : vector<16xf32> to vector<1x16xf32>
        tpu.vector_store %swap3A_1067[%swap3A_1068, %swap3A_1069], %swap3A_1072 {strides = array<i32>} : memref<512x64xf32, #tpu.memory_space<vmem>>, vector<1x16xf32>,
        %get3A_1073 = arith.constant 0 : i32
        %get3A_1074 = arith.constant 0 : i32
        %get3A_1075 = tpu.memref_slice %arg9[%scan3A_932, %get3A_1073, %get3A_1074] : memref<3x512x64xf32, #tpu.memory_space<vmem>> -> memref<1x512x64xf32, #tpu.memory_space<vmem>>
        %get3A_1076 = tpu.memref_squeeze %get3A_1075 : memref<1x512x64xf32, #tpu.memory_space<vmem>> -> memref<512x64xf32, #tpu.memory_space<vmem>>
        %get3A_1077 = arith.index_cast %scan3A_1054 : i32 to index
        %get3A_1078 = arith.constant 16 : index
        %get3A_1079 = tpu.vector_load %get3A_1076[%get3A_1077, %get3A_1078] {strides = array<i32>} : memref<512x64xf32, #tpu.memory_space<vmem>>, vector<1x16xf32>,
        %get3A_1080 = vector.shape_cast %get3A_1079 : vector<1x16xf32> to vector<16xf32>
        %mul3A_1081 = arith.constant 8.000000e+00 : f32
        %mul3A_1082 = vector.broadcast %mul3A_1081 : f32 to vector<16xf32>
        %mul3A_1083 = arith.mulf %get3A_1080, %mul3A_1082 : vector<16xf32>
        %swap3A_1084 = arith.constant 0 : i32
        %swap3A_1085 = arith.constant 0 : i32
        %swap3A_1086 = tpu.memref_slice %arg9[%scan3A_932, %swap3A_1084, %swap3A_1085] : memref<3x512x64xf32, #tpu.memory_space<vmem>> -> memref<1x512x64xf32, #tpu.memory_space<vmem>>
        %swap3A_1087 = tpu.memref_squeeze %swap3A_1086 : memref<1x512x64xf32, #tpu.memory_space<vmem>> -> memref<512x64xf32, #tpu.memory_space<vmem>>
        %swap3A_1088 = arith.index_cast %scan3A_1054 : i32 to index
        %swap3A_1089 = arith.constant 16 : index
        %swap3A_1090 = tpu.vector_load %swap3A_1087[%swap3A_1088, %swap3A_1089] {strides = array<i32>} : memref<512x64xf32, #tpu.memory_space<vmem>>, vector<1x16xf32>,
        %swap3A_1091 = vector.shape_cast %swap3A_1090 : vector<1x16xf32> to vector<16xf32>
        %swap3A_1092 = vector.shape_cast %mul3A_1083 : vector<16xf32> to vector<1x16xf32>
        tpu.vector_store %swap3A_1087[%swap3A_1088, %swap3A_1089], %swap3A_1092 {strides = array<i32>} : memref<512x64xf32, #tpu.memory_space<vmem>>, vector<1x16xf32>,
        %get3A_1093 = arith.constant 0 : i32
        %get3A_1094 = arith.constant 0 : i32
        %get3A_1095 = tpu.memref_slice %arg9[%scan3A_932, %get3A_1093, %get3A_1094] : memref<3x512x64xf32, #tpu.memory_space<vmem>> -> memref<1x512x64xf32, #tpu.memory_space<vmem>>
        %get3A_1096 = tpu.memref_squeeze %get3A_1095 : memref<1x512x64xf32, #tpu.memory_space<vmem>> -> memref<512x64xf32, #tpu.memory_space<vmem>>
        %get3A_1097 = arith.index_cast %scan3A_1054 : i32 to index
        %get3A_1098 = arith.constant 32 : index
        %get3A_1099 = tpu.vector_load %get3A_1096[%get3A_1097, %get3A_1098] {strides = array<i32>} : memref<512x64xf32, #tpu.memory_space<vmem>>, vector<1x16xf32>,
        %get3A_1100 = vector.shape_cast %get3A_1099 : vector<1x16xf32> to vector<16xf32>
        %mul3A_1101 = arith.constant 8.000000e+00 : f32
        %mul3A_1102 = vector.broadcast %mul3A_1101 : f32 to vector<16xf32>
        %mul3A_1103 = arith.mulf %get3A_1100, %mul3A_1102 : vector<16xf32>
        %swap3A_1104 = arith.constant 0 : i32
        %swap3A_1105 = arith.constant 0 : i32
        %swap3A_1106 = tpu.memref_slice %arg9[%scan3A_932, %swap3A_1104, %swap3A_1105] : memref<3x512x64xf32, #tpu.memory_space<vmem>> -> memref<1x512x64xf32, #tpu.memory_space<vmem>>
        %swap3A_1107 = tpu.memref_squeeze %swap3A_1106 : memref<1x512x64xf32, #tpu.memory_space<vmem>> -> memref<512x64xf32, #tpu.memory_space<vmem>>
        %swap3A_1108 = arith.index_cast %scan3A_1054 : i32 to index
        %swap3A_1109 = arith.constant 32 : index
        %swap3A_1110 = tpu.vector_load %swap3A_1107[%swap3A_1108, %swap3A_1109] {strides = array<i32>} : memref<512x64xf32, #tpu.memory_space<vmem>>, vector<1x16xf32>,
        %swap3A_1111 = vector.shape_cast %swap3A_1110 : vector<1x16xf32> to vector<16xf32>
        %swap3A_1112 = vector.shape_cast %mul3A_1103 : vector<16xf32> to vector<1x16xf32>
        tpu.vector_store %swap3A_1107[%swap3A_1108, %swap3A_1109], %swap3A_1112 {strides = array<i32>} : memref<512x64xf32, #tpu.memory_space<vmem>>, vector<1x16xf32>,
        %get3A_1113 = arith.constant 0 : i32
        %get3A_1114 = arith.constant 0 : i32
        %get3A_1115 = tpu.memref_slice %arg9[%scan3A_932, %get3A_1113, %get3A_1114] : memref<3x512x64xf32, #tpu.memory_space<vmem>> -> memref<1x512x64xf32, #tpu.memory_space<vmem>>
        %get3A_1116 = tpu.memref_squeeze %get3A_1115 : memref<1x512x64xf32, #tpu.memory_space<vmem>> -> memref<512x64xf32, #tpu.memory_space<vmem>>
        %get3A_1117 = arith.index_cast %scan3A_1054 : i32 to index
        %get3A_1118 = arith.constant 48 : index
        %get3A_1119 = tpu.vector_load %get3A_1116[%get3A_1117, %get3A_1118] {strides = array<i32>} : memref<512x64xf32, #tpu.memory_space<vmem>>, vector<1x16xf32>,
        %get3A_1120 = vector.shape_cast %get3A_1119 : vector<1x16xf32> to vector<16xf32>
        %mul3A_1121 = arith.constant 8.000000e+00 : f32
        %mul3A_1122 = vector.broadcast %mul3A_1121 : f32 to vector<16xf32>
        %mul3A_1123 = arith.mulf %get3A_1120, %mul3A_1122 : vector<16xf32>
        %swap3A_1124 = arith.constant 0 : i32
        %swap3A_1125 = arith.constant 0 : i32
        %swap3A_1126 = tpu.memref_slice %arg9[%scan3A_932, %swap3A_1124, %swap3A_1125] : memref<3x512x64xf32, #tpu.memory_space<vmem>> -> memref<1x512x64xf32, #tpu.memory_space<vmem>>
        %swap3A_1127 = tpu.memref_squeeze %swap3A_1126 : memref<1x512x64xf32, #tpu.memory_space<vmem>> -> memref<512x64xf32, #tpu.memory_space<vmem>>
        %swap3A_1128 = arith.index_cast %scan3A_1054 : i32 to index
        %swap3A_1129 = arith.constant 48 : index
        %swap3A_1130 = tpu.vector_load %swap3A_1127[%swap3A_1128, %swap3A_1129] {strides = array<i32>} : memref<512x64xf32, #tpu.memory_space<vmem>>, vector<1x16xf32>,
        %swap3A_1131 = vector.shape_cast %swap3A_1130 : vector<1x16xf32> to vector<16xf32>
        %swap3A_1132 = vector.shape_cast %mul3A_1123 : vector<16xf32> to vector<1x16xf32>
        tpu.vector_store %swap3A_1127[%swap3A_1128, %swap3A_1129], %swap3A_1132 {strides = array<i32>} : memref<512x64xf32, #tpu.memory_space<vmem>>, vector<1x16xf32>,
        %scan3A_1133 = arith.constant 1 : i32
        %scan3A_1134 = arith.addi %scan3A_1054, %scan3A_1133 : i32
        %get3A_1135 = arith.constant 0 : i32
        %get3A_1136 = arith.constant 0 : i32
        %get3A_1137 = tpu.memref_slice %arg9[%scan3A_932, %get3A_1135, %get3A_1136] : memref<3x512x64xf32, #tpu.memory_space<vmem>> -> memref<1x512x64xf32, #tpu.memory_space<vmem>>
        %get3A_1138 = tpu.memref_squeeze %get3A_1137 : memref<1x512x64xf32, #tpu.memory_space<vmem>> -> memref<512x64xf32, #tpu.memory_space<vmem>>
        %get3A_1139 = arith.index_cast %scan3A_1134 : i32 to index
        %get3A_1140 = arith.constant 0 : index
        %get3A_1141 = tpu.vector_load %get3A_1138[%get3A_1139, %get3A_1140] {strides = array<i32>} : memref<512x64xf32, #tpu.memory_space<vmem>>, vector<1x16xf32>,
        %get3A_1142 = vector.shape_cast %get3A_1141 : vector<1x16xf32> to vector<16xf32>
        %mul3A_1143 = arith.constant 8.000000e+00 : f32
        %mul3A_1144 = vector.broadcast %mul3A_1143 : f32 to vector<16xf32>
        %mul3A_1145 = arith.mulf %get3A_1142, %mul3A_1144 : vector<16xf32>
        %swap3A_1146 = arith.constant 0 : i32
        %swap3A_1147 = arith.constant 0 : i32
        %swap3A_1148 = tpu.memref_slice %arg9[%scan3A_932, %swap3A_1146, %swap3A_1147] : memref<3x512x64xf32, #tpu.memory_space<vmem>> -> memref<1x512x64xf32, #tpu.memory_space<vmem>>
        %swap3A_1149 = tpu.memref_squeeze %swap3A_1148 : memref<1x512x64xf32, #tpu.memory_space<vmem>> -> memref<512x64xf32, #tpu.memory_space<vmem>>
        %swap3A_1150 = arith.index_cast %scan3A_1134 : i32 to index
        %swap3A_1151 = arith.constant 0 : index
        %swap3A_1152 = tpu.vector_load %swap3A_1149[%swap3A_1150, %swap3A_1151] {strides = array<i32>} : memref<512x64xf32, #tpu.memory_space<vmem>>, vector<1x16xf32>,
        %swap3A_1153 = vector.shape_cast %swap3A_1152 : vector<1x16xf32> to vector<16xf32>
        %swap3A_1154 = vector.shape_cast %mul3A_1145 : vector<16xf32> to vector<1x16xf32>
        tpu.vector_store %swap3A_1149[%swap3A_1150, %swap3A_1151], %swap3A_1154 {strides = array<i32>} : memref<512x64xf32, #tpu.memory_space<vmem>>, vector<1x16xf32>,
        %get3A_1155 = arith.constant 0 : i32
        %get3A_1156 = arith.constant 0 : i32
        %get3A_1157 = tpu.memref_slice %arg9[%scan3A_932, %get3A_1155, %get3A_1156] : memref<3x512x64xf32, #tpu.memory_space<vmem>> -> memref<1x512x64xf32, #tpu.memory_space<vmem>>
        %get3A_1158 = tpu.memref_squeeze %get3A_1157 : memref<1x512x64xf32, #tpu.memory_space<vmem>> -> memref<512x64xf32, #tpu.memory_space<vmem>>
        %get3A_1159 = arith.index_cast %scan3A_1134 : i32 to index
        %get3A_1160 = arith.constant 16 : index
        %get3A_1161 = tpu.vector_load %get3A_1158[%get3A_1159, %get3A_1160] {strides = array<i32>} : memref<512x64xf32, #tpu.memory_space<vmem>>, vector<1x16xf32>,
        %get3A_1162 = vector.shape_cast %get3A_1161 : vector<1x16xf32> to vector<16xf32>
        %mul3A_1163 = arith.constant 8.000000e+00 : f32
        %mul3A_1164 = vector.broadcast %mul3A_1163 : f32 to vector<16xf32>
        %mul3A_1165 = arith.mulf %get3A_1162, %mul3A_1164 : vector<16xf32>
        %swap3A_1166 = arith.constant 0 : i32
        %swap3A_1167 = arith.constant 0 : i32
        %swap3A_1168 = tpu.memref_slice %arg9[%scan3A_932, %swap3A_1166, %swap3A_1167] : memref<3x512x64xf32, #tpu.memory_space<vmem>> -> memref<1x512x64xf32, #tpu.memory_space<vmem>>
        %swap3A_1169 = tpu.memref_squeeze %swap3A_1168 : memref<1x512x64xf32, #tpu.memory_space<vmem>> -> memref<512x64xf32, #tpu.memory_space<vmem>>
        %swap3A_1170 = arith.index_cast %scan3A_1134 : i32 to index
        %swap3A_1171 = arith.constant 16 : index
        %swap3A_1172 = tpu.vector_load %swap3A_1169[%swap3A_1170, %swap3A_1171] {strides = array<i32>} : memref<512x64xf32, #tpu.memory_space<vmem>>, vector<1x16xf32>,
        %swap3A_1173 = vector.shape_cast %swap3A_1172 : vector<1x16xf32> to vector<16xf32>
        %swap3A_1174 = vector.shape_cast %mul3A_1165 : vector<16xf32> to vector<1x16xf32>
        tpu.vector_store %swap3A_1169[%swap3A_1170, %swap3A_1171], %swap3A_1174 {strides = array<i32>} : memref<512x64xf32, #tpu.memory_space<vmem>>, vector<1x16xf32>,
        %get3A_1175 = arith.constant 0 : i32
        %get3A_1176 = arith.constant 0 : i32
        %get3A_1177 = tpu.memref_slice %arg9[%scan3A_932, %get3A_1175, %get3A_1176] : memref<3x512x64xf32, #tpu.memory_space<vmem>> -> memref<1x512x64xf32, #tpu.memory_space<vmem>>
        %get3A_1178 = tpu.memref_squeeze %get3A_1177 : memref<1x512x64xf32, #tpu.memory_space<vmem>> -> memref<512x64xf32, #tpu.memory_space<vmem>>
        %get3A_1179 = arith.index_cast %scan3A_1134 : i32 to index
        %get3A_1180 = arith.constant 32 : index
        %get3A_1181 = tpu.vector_load %get3A_1178[%get3A_1179, %get3A_1180] {strides = array<i32>} : memref<512x64xf32, #tpu.memory_space<vmem>>, vector<1x16xf32>,
        %get3A_1182 = vector.shape_cast %get3A_1181 : vector<1x16xf32> to vector<16xf32>
        %mul3A_1183 = arith.constant 8.000000e+00 : f32
        %mul3A_1184 = vector.broadcast %mul3A_1183 : f32 to vector<16xf32>
        %mul3A_1185 = arith.mulf %get3A_1182, %mul3A_1184 : vector<16xf32>
        %swap3A_1186 = arith.constant 0 : i32
        %swap3A_1187 = arith.constant 0 : i32
        %swap3A_1188 = tpu.memref_slice %arg9[%scan3A_932, %swap3A_1186, %swap3A_1187] : memref<3x512x64xf32, #tpu.memory_space<vmem>> -> memref<1x512x64xf32, #tpu.memory_space<vmem>>
        %swap3A_1189 = tpu.memref_squeeze %swap3A_1188 : memref<1x512x64xf32, #tpu.memory_space<vmem>> -> memref<512x64xf32, #tpu.memory_space<vmem>>
        %swap3A_1190 = arith.index_cast %scan3A_1134 : i32 to index
        %swap3A_1191 = arith.constant 32 : index
        %swap3A_1192 = tpu.vector_load %swap3A_1189[%swap3A_1190, %swap3A_1191] {strides = array<i32>} : memref<512x64xf32, #tpu.memory_space<vmem>>, vector<1x16xf32>,
        %swap3A_1193 = vector.shape_cast %swap3A_1192 : vector<1x16xf32> to vector<16xf32>
        %swap3A_1194 = vector.shape_cast %mul3A_1185 : vector<16xf32> to vector<1x16xf32>
        tpu.vector_store %swap3A_1189[%swap3A_1190, %swap3A_1191], %swap3A_1194 {strides = array<i32>} : memref<512x64xf32, #tpu.memory_space<vmem>>, vector<1x16xf32>,
        %get3A_1195 = arith.constant 0 : i32
        %get3A_1196 = arith.constant 0 : i32
        %get3A_1197 = tpu.memref_slice %arg9[%scan3A_932, %get3A_1195, %get3A_1196] : memref<3x512x64xf32, #tpu.memory_space<vmem>> -> memref<1x512x64xf32, #tpu.memory_space<vmem>>
        %get3A_1198 = tpu.memref_squeeze %get3A_1197 : memref<1x512x64xf32, #tpu.memory_space<vmem>> -> memref<512x64xf32, #tpu.memory_space<vmem>>
        %get3A_1199 = arith.index_cast %scan3A_1134 : i32 to index
        %get3A_1200 = arith.constant 48 : index
        %get3A_1201 = tpu.vector_load %get3A_1198[%get3A_1199, %get3A_1200] {strides = array<i32>} : memref<512x64xf32, #tpu.memory_space<vmem>>, vector<1x16xf32>,
        %get3A_1202 = vector.shape_cast %get3A_1201 : vector<1x16xf32> to vector<16xf32>
        %mul3A_1203 = arith.constant 8.000000e+00 : f32
        %mul3A_1204 = vector.broadcast %mul3A_1203 : f32 to vector<16xf32>
        %mul3A_1205 = arith.mulf %get3A_1202, %mul3A_1204 : vector<16xf32>
        %swap3A_1206 = arith.constant 0 : i32
        %swap3A_1207 = arith.constant 0 : i32
        %swap3A_1208 = tpu.memref_slice %arg9[%scan3A_932, %swap3A_1206, %swap3A_1207] : memref<3x512x64xf32, #tpu.memory_space<vmem>> -> memref<1x512x64xf32, #tpu.memory_space<vmem>>
        %swap3A_1209 = tpu.memref_squeeze %swap3A_1208 : memref<1x512x64xf32, #tpu.memory_space<vmem>> -> memref<512x64xf32, #tpu.memory_space<vmem>>
        %swap3A_1210 = arith.index_cast %scan3A_1134 : i32 to index
        %swap3A_1211 = arith.constant 48 : index
        %swap3A_1212 = tpu.vector_load %swap3A_1209[%swap3A_1210, %swap3A_1211] {strides = array<i32>} : memref<512x64xf32, #tpu.memory_space<vmem>>, vector<1x16xf32>,
        %swap3A_1213 = vector.shape_cast %swap3A_1212 : vector<1x16xf32> to vector<16xf32>
        %swap3A_1214 = vector.shape_cast %mul3A_1205 : vector<16xf32> to vector<1x16xf32>
        tpu.vector_store %swap3A_1209[%swap3A_1210, %swap3A_1211], %swap3A_1214 {strides = array<i32>} : memref<512x64xf32, #tpu.memory_space<vmem>>, vector<1x16xf32>,
      }
      %scan3A_937 = arith.constant 512 : i32
      %mul3A_938 = arith.constant 512 : i32
      %mul3A_939 = arith.muli %add3A_918, %mul3A_938 : i32
      %add3A_940 = arith.addi %mul3A_2, %mul3A_939 : i32
      %dma_start3A_941 = arith.constant 0 : i32
      %dma_start3A_942 = arith.constant 0 : i32
      %dma_start3A_943 = arith.constant 0 : i32
      %dma_start3A_944 = tpu.memref_slice %arg9[%dma_start3A_941, %dma_start3A_942, %dma_start3A_943] : memref<3x512x64xf32, #tpu.memory_space<vmem>> -> memref<1x512x64xf32, #tpu.memory_space<vmem>>
      %dma_start3A_945 = tpu.memref_squeeze %dma_start3A_944 : memref<1x512x64xf32, #tpu.memory_space<vmem>> -> memref<512x64xf32, #tpu.memory_space<vmem>>
      %dma_start3A_946 = arith.constant 0 : i32
      %dma_start3A_947 = tpu.memref_slice %arg6[%add3A_940, %dma_start3A_946] : memref<819200x64xf32, #tpu.memory_space<hbm>> -> memref<512x64xf32, #tpu.memory_space<hbm>>
      %dma_start3A_948 = arith.constant 0 : i32
      %dma_start3A_949 = tpu.memref_slice %arg6[%add3A_940, %dma_start3A_948] : memref<819200x64xf32, #tpu.memory_space<hbm>> -> memref<512x64xf32, #tpu.memory_space<hbm>>
      %dma_start3A_950 = arith.constant 0 : i32
      %dma_start3A_951 = arith.constant 0 : i32
      %dma_start3A_952 = tpu.memref_slice %arg9[%dma_start3A_941, %dma_start3A_950, %dma_start3A_951] : memref<3x512x64xf32, #tpu.memory_space<vmem>> -> memref<1x512x64xf32, #tpu.memory_space<vmem>>
      %dma_start3A_953 = tpu.memref_squeeze %dma_start3A_952 : memref<1x512x64xf32, #tpu.memory_space<vmem>> -> memref<512x64xf32, #tpu.memory_space<vmem>>
      tpu.enqueue_dma source(%dma_start3A_953 : memref<512x64xf32, #tpu.memory_space<vmem>>) target(%dma_start3A_949 : memref<512x64xf32, #tpu.memory_space<hbm>>) target_semaphore(%arg16 : memref<!tpu.dma_semaphore, #tpu.memory_space<semaphore_mem>>)
      %add3A_954 = arith.constant 3 : i32
      %add3A_955 = arith.addi %add3A_918, %add3A_954 : i32
      %mul3A_956 = arith.constant 512 : i32
      %mul3A_957 = arith.muli %add3A_955, %mul3A_956 : i32
      %add3A_958 = arith.addi %mul3A_2, %mul3A_957 : i32
      %dma_start3A_959 = arith.constant 0 : i32
      %dma_start3A_960 = arith.constant 0 : i32
      %dma_start3A_961 = tpu.memref_slice %arg7[%dma_start3A_959, %dma_start3A_960] : memref<3x512xi32, #tpu.memory_space<vmem>> -> memref<1x512xi32, #tpu.memory_space<vmem>>
      %dma_start3A_962 = tpu.memref_squeeze %dma_start3A_961 : memref<1x512xi32, #tpu.memory_space<vmem>> -> memref<512xi32, #tpu.memory_space<vmem>>
      %dma_start3A_963 = tpu.memref_slice %arg3[%add3A_958] : memref<819200xi32, #tpu.memory_space<hbm>> -> memref<512xi32, #tpu.memory_space<hbm>>
      %dma_start3A_964 = arith.constant 0 : i32
      %dma_start3A_965 = tpu.memref_slice %arg7[%dma_start3A_959, %dma_start3A_964] : memref<3x512xi32, #tpu.memory_space<vmem>> -> memref<1x512xi32, #tpu.memory_space<vmem>>
      %dma_start3A_966 = tpu.memref_squeeze %dma_start3A_965 : memref<1x512xi32, #tpu.memory_space<vmem>> -> memref<512xi32, #tpu.memory_space<vmem>>
      %dma_start3A_967 = tpu.memref_slice %arg3[%add3A_958] : memref<819200xi32, #tpu.memory_space<hbm>> -> memref<512xi32, #tpu.memory_space<hbm>>
      tpu.enqueue_dma source(%dma_start3A_967 : memref<512xi32, #tpu.memory_space<hbm>>) target(%dma_start3A_966 : memref<512xi32, #tpu.memory_space<vmem>>) target_semaphore(%arg10 : memref<!tpu.dma_semaphore, #tpu.memory_space<semaphore_mem>>)
      %dma_start3A_968 = arith.constant 0 : i32
      %dma_start3A_969 = arith.constant 0 : i32
      %dma_start3A_970 = tpu.memref_slice %arg8[%dma_start3A_968, %dma_start3A_969] : memref<3x512xi32, #tpu.memory_space<vmem>> -> memref<1x512xi32, #tpu.memory_space<vmem>>
      %dma_start3A_971 = tpu.memref_squeeze %dma_start3A_970 : memref<1x512xi32, #tpu.memory_space<vmem>> -> memref<512xi32, #tpu.memory_space<vmem>>
      %dma_start3A_972 = tpu.memref_slice %arg4[%add3A_958] : memref<819200xi32, #tpu.memory_space<hbm>> -> memref<512xi32, #tpu.memory_space<hbm>>
      %dma_start3A_973 = arith.constant 0 : i32
      %dma_start3A_974 = tpu.memref_slice %arg8[%dma_start3A_968, %dma_start3A_973] : memref<3x512xi32, #tpu.memory_space<vmem>> -> memref<1x512xi32, #tpu.memory_space<vmem>>
      %dma_start3A_975 = tpu.memref_squeeze %dma_start3A_974 : memref<1x512xi32, #tpu.memory_space<vmem>> -> memref<512xi32, #tpu.memory_space<vmem>>
      %dma_start3A_976 = tpu.memref_slice %arg4[%add3A_958] : memref<819200xi32, #tpu.memory_space<hbm>> -> memref<512xi32, #tpu.memory_space<hbm>>
      tpu.enqueue_dma source(%dma_start3A_976 : memref<512xi32, #tpu.memory_space<hbm>>) target(%dma_start3A_975 : memref<512xi32, #tpu.memory_space<vmem>>) target_semaphore(%arg10 : memref<!tpu.dma_semaphore, #tpu.memory_space<semaphore_mem>>)
      %sub3A_977 = arith.constant 1 : i32
      %sub3A_978 = arith.subi %add3A_918, %sub3A_977 : i32
      %mul3A_979 = arith.constant 512 : i32
      %mul3A_980 = arith.muli %sub3A_978, %mul3A_979 : i32
      %add3A_981 = arith.addi %mul3A_2, %mul3A_980 : i32
      %dma_wait3A_982 = arith.constant 2 : i32
      %dma_wait3A_983 = arith.constant 0 : i32
      %dma_wait3A_984 = arith.constant 0 : i32
      %dma_wait3A_985 = tpu.memref_slice %arg9[%dma_wait3A_982, %dma_wait3A_983, %dma_wait3A_984] : memref<3x512x64xf32, #tpu.memory_space<vmem>> -> memref<1x512x64xf32, #tpu.memory_space<vmem>>
      %dma_wait3A_986 = tpu.memref_squeeze %dma_wait3A_985 : memref<1x512x64xf32, #tpu.memory_space<vmem>> -> memref<512x64xf32, #tpu.memory_space<vmem>>
      %dma_wait3A_987 = arith.constant 0 : i32
      %dma_wait3A_988 = tpu.memref_slice %arg6[%add3A_981, %dma_wait3A_987] : memref<819200x64xf32, #tpu.memory_space<hbm>> -> memref<512x64xf32, #tpu.memory_space<hbm>>
      %dma_wait3A_989 = arith.constant 0 : i32
      %dma_wait3A_990 = tpu.memref_slice %arg6[%add3A_981, %dma_wait3A_989] : memref<819200x64xf32, #tpu.memory_space<hbm>> -> memref<512x64xf32, #tpu.memory_space<hbm>>
      %dma_wait3A_991 = arith.constant 0 : i32
      %dma_wait3A_992 = arith.constant 0 : i32
      %dma_wait3A_993 = tpu.memref_slice %arg9[%dma_wait3A_982, %dma_wait3A_991, %dma_wait3A_992] : memref<3x512x64xf32, #tpu.memory_space<vmem>> -> memref<1x512x64xf32, #tpu.memory_space<vmem>>
      %dma_wait3A_994 = tpu.memref_squeeze %dma_wait3A_993 : memref<1x512x64xf32, #tpu.memory_space<vmem>> -> memref<512x64xf32, #tpu.memory_space<vmem>>
      tpu.wait_dma2 semaphore(%arg18 : memref<!tpu.dma_semaphore, #tpu.memory_space<semaphore_mem>>) src(%dma_wait3A_994 : memref<512x64xf32, #tpu.memory_space<vmem>>) dst(%dma_wait3A_990 : memref<512x64xf32, #tpu.memory_space<hbm>>)
      %add3A_995 = arith.constant 2 : i32
      %add3A_996 = arith.addi %add3A_918, %add3A_995 : i32
      %mul3A_997 = arith.constant 512 : i32
      %mul3A_998 = arith.muli %add3A_996, %mul3A_997 : i32
      %add3A_999 = arith.addi %mul3A_2, %mul3A_998 : i32
      %dma_wait3A_1000 = arith.constant 2 : i32
      %dma_wait3A_1001 = arith.constant 0 : i32
      %dma_wait3A_1002 = tpu.memref_slice %arg7[%dma_wait3A_1000, %dma_wait3A_1001] : memref<3x512xi32, #tpu.memory_space<vmem>> -> memref<1x512xi32, #tpu.memory_space<vmem>>
      %dma_wait3A_1003 = tpu.memref_squeeze %dma_wait3A_1002 : memref<1x512xi32, #tpu.memory_space<vmem>> -> memref<512xi32, #tpu.memory_space<vmem>>
      %dma_wait3A_1004 = tpu.memref_slice %arg3[%add3A_999] : memref<819200xi32, #tpu.memory_space<hbm>> -> memref<512xi32, #tpu.memory_space<hbm>>
      %dma_wait3A_1005 = arith.constant 0 : i32
      %dma_wait3A_1006 = tpu.memref_slice %arg7[%dma_wait3A_1000, %dma_wait3A_1005] : memref<3x512xi32, #tpu.memory_space<vmem>> -> memref<1x512xi32, #tpu.memory_space<vmem>>
      %dma_wait3A_1007 = tpu.memref_squeeze %dma_wait3A_1006 : memref<1x512xi32, #tpu.memory_space<vmem>> -> memref<512xi32, #tpu.memory_space<vmem>>
      %dma_wait3A_1008 = tpu.memref_slice %arg3[%add3A_999] : memref<819200xi32, #tpu.memory_space<hbm>> -> memref<512xi32, #tpu.memory_space<hbm>>
      tpu.wait_dma2 semaphore(%arg12 : memref<!tpu.dma_semaphore, #tpu.memory_space<semaphore_mem>>) src(%dma_wait3A_1008 : memref<512xi32, #tpu.memory_space<hbm>>) dst(%dma_wait3A_1007 : memref<512xi32, #tpu.memory_space<vmem>>)
      %dma_wait3A_1009 = arith.constant 2 : i32
      %dma_wait3A_1010 = arith.constant 0 : i32
      %dma_wait3A_1011 = tpu.memref_slice %arg8[%dma_wait3A_1009, %dma_wait3A_1010] : memref<3x512xi32, #tpu.memory_space<vmem>> -> memref<1x512xi32, #tpu.memory_space<vmem>>
      %dma_wait3A_1012 = tpu.memref_squeeze %dma_wait3A_1011 : memref<1x512xi32, #tpu.memory_space<vmem>> -> memref<512xi32, #tpu.memory_space<vmem>>
      %dma_wait3A_1013 = tpu.memref_slice %arg4[%add3A_999] : memref<819200xi32, #tpu.memory_space<hbm>> -> memref<512xi32, #tpu.memory_space<hbm>>
      %dma_wait3A_1014 = arith.constant 0 : i32
      %dma_wait3A_1015 = tpu.memref_slice %arg8[%dma_wait3A_1009, %dma_wait3A_1014] : memref<3x512xi32, #tpu.memory_space<vmem>> -> memref<1x512xi32, #tpu.memory_space<vmem>>
      %dma_wait3A_1016 = tpu.memref_squeeze %dma_wait3A_1015 : memref<1x512xi32, #tpu.memory_space<vmem>> -> memref<512xi32, #tpu.memory_space<vmem>>
      %dma_wait3A_1017 = tpu.memref_slice %arg4[%add3A_999] : memref<819200xi32, #tpu.memory_space<hbm>> -> memref<512xi32, #tpu.memory_space<hbm>>
      tpu.wait_dma2 semaphore(%arg12 : memref<!tpu.dma_semaphore, #tpu.memory_space<semaphore_mem>>) src(%dma_wait3A_1017 : memref<512xi32, #tpu.memory_space<hbm>>) dst(%dma_wait3A_1016 : memref<512xi32, #tpu.memory_space<vmem>>)
      %dma_start3A_1018 = arith.constant 2 : i32
      %dma_start3A_1019 = arith.constant 2 : i32
      %dma_start3A_1020 = arith.constant 0 : i32
      %dma_start3A_1021 = arith.constant 0 : i32
      %dma_start3A_1022 = tpu.memref_slice %arg9[%dma_start3A_1019, %dma_start3A_1020, %dma_start3A_1021] : memref<3x512x64xf32, #tpu.memory_space<vmem>> -> memref<1x512x64xf32, #tpu.memory_space<vmem>>
      %dma_start3A_1023 = tpu.memref_squeeze %dma_start3A_1022 : memref<1x512x64xf32, #tpu.memory_space<vmem>> -> memref<512x64xf32, #tpu.memory_space<vmem>>
      %dma_start3A_1024 = arith.constant 0 : i32
      %dma_start3A_1025 = tpu.memref_slice %arg8[%dma_start3A_1018, %dma_start3A_1024] : memref<3x512xi32, #tpu.memory_space<vmem>> -> memref<1x512xi32, #tpu.memory_space<vmem>>
      %dma_start3A_1026 = tpu.memref_squeeze %dma_start3A_1025 : memref<1x512xi32, #tpu.memory_space<vmem>> -> memref<512xi32, #tpu.memory_space<vmem>>
      %dma_start3A_1027 = arith.constant 0 : i32
      %dma_start3A_1028 = arith.constant 0 : i32
      %dma_start3A_1029 = tpu.memref_slice %arg5[%dma_start3A_1027, %dma_start3A_1028] : memref<400x64xf32, #tpu.memory_space<hbm>> -> memref<400x64xf32, #tpu.memory_space<hbm>>
      tpu.enqueue_indirect_dma source(%dma_start3A_1029 : memref<400x64xf32, #tpu.memory_space<hbm>>) target(%dma_start3A_1023 : memref<512x64xf32, #tpu.memory_space<vmem>>) offsets(%dma_start3A_1026 : memref<512xi32, #tpu.memory_space<vmem>>) semaphore(%arg15 : memref<!tpu.dma_semaphore, #tpu.memory_space<semaphore_mem>>)
      %dma_wait3A_1030 = arith.constant 1 : i32
      %dma_wait3A_1031 = arith.constant 1 : i32
      %dma_wait3A_1032 = arith.constant 0 : i32
      %dma_wait3A_1033 = arith.constant 0 : i32
      %dma_wait3A_1034 = tpu.memref_slice %arg9[%dma_wait3A_1031, %dma_wait3A_1032, %dma_wait3A_1033] : memref<3x512x64xf32, #tpu.memory_space<vmem>> -> memref<1x512x64xf32, #tpu.memory_space<vmem>>
      %dma_wait3A_1035 = tpu.memref_squeeze %dma_wait3A_1034 : memref<1x512x64xf32, #tpu.memory_space<vmem>> -> memref<512x64xf32, #tpu.memory_space<vmem>>
      %dma_wait3A_1036 = arith.constant 0 : i32
      %dma_wait3A_1037 = tpu.memref_slice %arg8[%dma_wait3A_1030, %dma_wait3A_1036] : memref<3x512xi32, #tpu.memory_space<vmem>> -> memref<1x512xi32, #tpu.memory_space<vmem>>
      %dma_wait3A_1038 = tpu.memref_squeeze %dma_wait3A_1037 : memref<1x512xi32, #tpu.memory_space<vmem>> -> memref<512xi32, #tpu.memory_space<vmem>>
      %dma_wait3A_1039 = arith.constant 0 : i32
      %dma_wait3A_1040 = arith.constant 0 : i32
      %dma_wait3A_1041 = tpu.memref_slice %arg5[%dma_wait3A_1039, %dma_wait3A_1040] : memref<400x64xf32, #tpu.memory_space<hbm>> -> memref<400x64xf32, #tpu.memory_space<hbm>>
      tpu.wait_indirect_dma semaphore(%arg14 : memref<!tpu.dma_semaphore, #tpu.memory_space<semaphore_mem>>) src(%dma_wait3A_1041 : memref<400x64xf32, #tpu.memory_space<hbm>>) dst(%dma_wait3A_1035 : memref<512x64xf32, #tpu.memory_space<vmem>>)
      %dma_start3A_1042 = arith.constant 1 : i32
      %dma_start3A_1043 = arith.constant 1 : i32
      %dma_start3A_1044 = arith.constant 0 : i32
      %dma_start3A_1045 = arith.constant 0 : i32
      %dma_start3A_1046 = tpu.memref_slice %arg9[%dma_start3A_1043, %dma_start3A_1044, %dma_start3A_1045] : memref<3x512x64xf32, #tpu.memory_space<vmem>> -> memref<1x512x64xf32, #tpu.memory_space<vmem>>
      %dma_start3A_1047 = tpu.memref_squeeze %dma_start3A_1046 : memref<1x512x64xf32, #tpu.memory_space<vmem>> -> memref<512x64xf32, #tpu.memory_space<vmem>>
      %dma_start3A_1048 = arith.constant 0 : i32
      %dma_start3A_1049 = tpu.memref_slice %arg7[%dma_start3A_1042, %dma_start3A_1048] : memref<3x512xi32, #tpu.memory_space<vmem>> -> memref<1x512xi32, #tpu.memory_space<vmem>>
      %dma_start3A_1050 = tpu.memref_squeeze %dma_start3A_1049 : memref<1x512xi32, #tpu.memory_space<vmem>> -> memref<512xi32, #tpu.memory_space<vmem>>
      %dma_start3A_1051 = arith.constant 0 : i32
      %dma_start3A_1052 = arith.constant 0 : i32
      %dma_start3A_1053 = tpu.memref_slice %arg2[%dma_start3A_1051, %dma_start3A_1052] : memref<1000000x64xf32, #tpu.memory_space<hbm>> -> memref<1000000x64xf32, #tpu.memory_space<hbm>>
      tpu.enqueue_indirect_dma source(%dma_start3A_1053 : memref<1000000x64xf32, #tpu.memory_space<hbm>>) target(%dma_start3A_1047 : memref<512x64xf32, #tpu.memory_space<vmem>>) offsets(%dma_start3A_1050 : memref<512xi32, #tpu.memory_space<vmem>>) semaphore(%arg14 : memref<!tpu.dma_semaphore, #tpu.memory_space<semaphore_mem>>) {add = true}
    }
    %scan3A_263 = arith.constant 15 : i32
    %dma_wait3A_264 = arith.constant 1 : i32
    %dma_wait3A_265 = arith.constant 1 : i32
    %dma_wait3A_266 = arith.constant 0 : i32
    %dma_wait3A_267 = arith.constant 0 : i32
    %dma_wait3A_268 = tpu.memref_slice %arg9[%dma_wait3A_265, %dma_wait3A_266, %dma_wait3A_267] : memref<3x512x64xf32, #tpu.memory_space<vmem>> -> memref<1x512x64xf32, #tpu.memory_space<vmem>>
    %dma_wait3A_269 = tpu.memref_squeeze %dma_wait3A_268 : memref<1x512x64xf32, #tpu.memory_space<vmem>> -> memref<512x64xf32, #tpu.memory_space<vmem>>
    %dma_wait3A_270 = arith.constant 0 : i32
    %dma_wait3A_271 = tpu.memref_slice %arg7[%dma_wait3A_264, %dma_wait3A_270] : memref<3x512xi32, #tpu.memory_space<vmem>> -> memref<1x512xi32, #tpu.memory_space<vmem>>
    %dma_wait3A_272 = tpu.memref_squeeze %dma_wait3A_271 : memref<1x512xi32, #tpu.memory_space<vmem>> -> memref<512xi32, #tpu.memory_space<vmem>>
    %dma_wait3A_273 = arith.constant 0 : i32
    %dma_wait3A_274 = arith.constant 0 : i32
    %dma_wait3A_275 = tpu.memref_slice %arg2[%dma_wait3A_273, %dma_wait3A_274] : memref<1000000x64xf32, #tpu.memory_space<hbm>> -> memref<1000000x64xf32, #tpu.memory_space<hbm>>
    tpu.wait_indirect_dma semaphore(%arg14 : memref<!tpu.dma_semaphore, #tpu.memory_space<semaphore_mem>>) src(%dma_wait3A_275 : memref<1000000x64xf32, #tpu.memory_space<hbm>>) dst(%dma_wait3A_269 : memref<512x64xf32, #tpu.memory_space<vmem>>)
    %scan3A_276 = arith.constant 0 : i32
    %scan3A_277 = arith.constant 1 : i32
    %scan3A_278 = arith.constant 0 : i32
    %scan3A_279 = arith.constant 512 : i32
    %scan3A_280 = arith.addi %scan3A_278, %scan3A_279 : i32
    %scan3A_281 = arith.constant 2 : i32
    scf.for %scan3A_631 = %scan3A_278 to %scan3A_280 step %scan3A_281  : i32 {
      %get3A = arith.constant 0 : i32
      %get3A_632 = arith.constant 0 : i32
      %get3A_633 = tpu.memref_slice %arg9[%scan3A_277, %get3A, %get3A_632] : memref<3x512x64xf32, #tpu.memory_space<vmem>> -> memref<1x512x64xf32, #tpu.memory_space<vmem>>
      %get3A_634 = tpu.memref_squeeze %get3A_633 : memref<1x512x64xf32, #tpu.memory_space<vmem>> -> memref<512x64xf32, #tpu.memory_space<vmem>>
      %get3A_635 = arith.index_cast %scan3A_631 : i32 to index
      %get3A_636 = arith.constant 0 : index
      %get3A_637 = tpu.vector_load %get3A_634[%get3A_635, %get3A_636] {strides = array<i32>} : memref<512x64xf32, #tpu.memory_space<vmem>>, vector<1x16xf32>,
      %get3A_638 = vector.shape_cast %get3A_637 : vector<1x16xf32> to vector<16xf32>
      %mul3A_639 = arith.constant 8.000000e+00 : f32
      %mul3A_640 = vector.broadcast %mul3A_639 : f32 to vector<16xf32>
      %mul3A_641 = arith.mulf %get3A_638, %mul3A_640 : vector<16xf32>
      %swap3A = arith.constant 0 : i32
      %swap3A_642 = arith.constant 0 : i32
      %swap3A_643 = tpu.memref_slice %arg9[%scan3A_277, %swap3A, %swap3A_642] : memref<3x512x64xf32, #tpu.memory_space<vmem>> -> memref<1x512x64xf32, #tpu.memory_space<vmem>>
      %swap3A_644 = tpu.memref_squeeze %swap3A_643 : memref<1x512x64xf32, #tpu.memory_space<vmem>> -> memref<512x64xf32, #tpu.memory_space<vmem>>
      %swap3A_645 = arith.index_cast %scan3A_631 : i32 to index
      %swap3A_646 = arith.constant 0 : index
      %swap3A_647 = tpu.vector_load %swap3A_644[%swap3A_645, %swap3A_646] {strides = array<i32>} : memref<512x64xf32, #tpu.memory_space<vmem>>, vector<1x16xf32>,
      %swap3A_648 = vector.shape_cast %swap3A_647 : vector<1x16xf32> to vector<16xf32>
      %swap3A_649 = vector.shape_cast %mul3A_641 : vector<16xf32> to vector<1x16xf32>
      tpu.vector_store %swap3A_644[%swap3A_645, %swap3A_646], %swap3A_649 {strides = array<i32>} : memref<512x64xf32, #tpu.memory_space<vmem>>, vector<1x16xf32>,
      %get3A_650 = arith.constant 0 : i32
      %get3A_651 = arith.constant 0 : i32
      %get3A_652 = tpu.memref_slice %arg9[%scan3A_277, %get3A_650, %get3A_651] : memref<3x512x64xf32, #tpu.memory_space<vmem>> -> memref<1x512x64xf32, #tpu.memory_space<vmem>>
      %get3A_653 = tpu.memref_squeeze %get3A_652 : memref<1x512x64xf32, #tpu.memory_space<vmem>> -> memref<512x64xf32, #tpu.memory_space<vmem>>
      %get3A_654 = arith.index_cast %scan3A_631 : i32 to index
      %get3A_655 = arith.constant 16 : index
      %get3A_656 = tpu.vector_load %get3A_653[%get3A_654, %get3A_655] {strides = array<i32>} : memref<512x64xf32, #tpu.memory_space<vmem>>, vector<1x16xf32>,
      %get3A_657 = vector.shape_cast %get3A_656 : vector<1x16xf32> to vector<16xf32>
      %mul3A_658 = arith.constant 8.000000e+00 : f32
      %mul3A_659 = vector.broadcast %mul3A_658 : f32 to vector<16xf32>
      %mul3A_660 = arith.mulf %get3A_657, %mul3A_659 : vector<16xf32>
      %swap3A_661 = arith.constant 0 : i32
      %swap3A_662 = arith.constant 0 : i32
      %swap3A_663 = tpu.memref_slice %arg9[%scan3A_277, %swap3A_661, %swap3A_662] : memref<3x512x64xf32, #tpu.memory_space<vmem>> -> memref<1x512x64xf32, #tpu.memory_space<vmem>>
      %swap3A_664 = tpu.memref_squeeze %swap3A_663 : memref<1x512x64xf32, #tpu.memory_space<vmem>> -> memref<512x64xf32, #tpu.memory_space<vmem>>
      %swap3A_665 = arith.index_cast %scan3A_631 : i32 to index
      %swap3A_666 = arith.constant 16 : index
      %swap3A_667 = tpu.vector_load %swap3A_664[%swap3A_665, %swap3A_666] {strides = array<i32>} : memref<512x64xf32, #tpu.memory_space<vmem>>, vector<1x16xf32>,
      %swap3A_668 = vector.shape_cast %swap3A_667 : vector<1x16xf32> to vector<16xf32>
      %swap3A_669 = vector.shape_cast %mul3A_660 : vector<16xf32> to vector<1x16xf32>
      tpu.vector_store %swap3A_664[%swap3A_665, %swap3A_666], %swap3A_669 {strides = array<i32>} : memref<512x64xf32, #tpu.memory_space<vmem>>, vector<1x16xf32>,
      %get3A_670 = arith.constant 0 : i32
      %get3A_671 = arith.constant 0 : i32
      %get3A_672 = tpu.memref_slice %arg9[%scan3A_277, %get3A_670, %get3A_671] : memref<3x512x64xf32, #tpu.memory_space<vmem>> -> memref<1x512x64xf32, #tpu.memory_space<vmem>>
      %get3A_673 = tpu.memref_squeeze %get3A_672 : memref<1x512x64xf32, #tpu.memory_space<vmem>> -> memref<512x64xf32, #tpu.memory_space<vmem>>
      %get3A_674 = arith.index_cast %scan3A_631 : i32 to index
      %get3A_675 = arith.constant 32 : index
      %get3A_676 = tpu.vector_load %get3A_673[%get3A_674, %get3A_675] {strides = array<i32>} : memref<512x64xf32, #tpu.memory_space<vmem>>, vector<1x16xf32>,
      %get3A_677 = vector.shape_cast %get3A_676 : vector<1x16xf32> to vector<16xf32>
      %mul3A_678 = arith.constant 8.000000e+00 : f32
      %mul3A_679 = vector.broadcast %mul3A_678 : f32 to vector<16xf32>
      %mul3A_680 = arith.mulf %get3A_677, %mul3A_679 : vector<16xf32>
      %swap3A_681 = arith.constant 0 : i32
      %swap3A_682 = arith.constant 0 : i32
      %swap3A_683 = tpu.memref_slice %arg9[%scan3A_277, %swap3A_681, %swap3A_682] : memref<3x512x64xf32, #tpu.memory_space<vmem>> -> memref<1x512x64xf32, #tpu.memory_space<vmem>>
      %swap3A_684 = tpu.memref_squeeze %swap3A_683 : memref<1x512x64xf32, #tpu.memory_space<vmem>> -> memref<512x64xf32, #tpu.memory_space<vmem>>
      %swap3A_685 = arith.index_cast %scan3A_631 : i32 to index
      %swap3A_686 = arith.constant 32 : index
      %swap3A_687 = tpu.vector_load %swap3A_684[%swap3A_685, %swap3A_686] {strides = array<i32>} : memref<512x64xf32, #tpu.memory_space<vmem>>, vector<1x16xf32>,
      %swap3A_688 = vector.shape_cast %swap3A_687 : vector<1x16xf32> to vector<16xf32>
      %swap3A_689 = vector.shape_cast %mul3A_680 : vector<16xf32> to vector<1x16xf32>
      tpu.vector_store %swap3A_684[%swap3A_685, %swap3A_686], %swap3A_689 {strides = array<i32>} : memref<512x64xf32, #tpu.memory_space<vmem>>, vector<1x16xf32>,
      %get3A_690 = arith.constant 0 : i32
      %get3A_691 = arith.constant 0 : i32
      %get3A_692 = tpu.memref_slice %arg9[%scan3A_277, %get3A_690, %get3A_691] : memref<3x512x64xf32, #tpu.memory_space<vmem>> -> memref<1x512x64xf32, #tpu.memory_space<vmem>>
      %get3A_693 = tpu.memref_squeeze %get3A_692 : memref<1x512x64xf32, #tpu.memory_space<vmem>> -> memref<512x64xf32, #tpu.memory_space<vmem>>
      %get3A_694 = arith.index_cast %scan3A_631 : i32 to index
      %get3A_695 = arith.constant 48 : index
      %get3A_696 = tpu.vector_load %get3A_693[%get3A_694, %get3A_695] {strides = array<i32>} : memref<512x64xf32, #tpu.memory_space<vmem>>, vector<1x16xf32>,
      %get3A_697 = vector.shape_cast %get3A_696 : vector<1x16xf32> to vector<16xf32>
      %mul3A_698 = arith.constant 8.000000e+00 : f32
      %mul3A_699 = vector.broadcast %mul3A_698 : f32 to vector<16xf32>
      %mul3A_700 = arith.mulf %get3A_697, %mul3A_699 : vector<16xf32>
      %swap3A_701 = arith.constant 0 : i32
      %swap3A_702 = arith.constant 0 : i32
      %swap3A_703 = tpu.memref_slice %arg9[%scan3A_277, %swap3A_701, %swap3A_702] : memref<3x512x64xf32, #tpu.memory_space<vmem>> -> memref<1x512x64xf32, #tpu.memory_space<vmem>>
      %swap3A_704 = tpu.memref_squeeze %swap3A_703 : memref<1x512x64xf32, #tpu.memory_space<vmem>> -> memref<512x64xf32, #tpu.memory_space<vmem>>
      %swap3A_705 = arith.index_cast %scan3A_631 : i32 to index
      %swap3A_706 = arith.constant 48 : index
      %swap3A_707 = tpu.vector_load %swap3A_704[%swap3A_705, %swap3A_706] {strides = array<i32>} : memref<512x64xf32, #tpu.memory_space<vmem>>, vector<1x16xf32>,
      %swap3A_708 = vector.shape_cast %swap3A_707 : vector<1x16xf32> to vector<16xf32>
      %swap3A_709 = vector.shape_cast %mul3A_700 : vector<16xf32> to vector<1x16xf32>
      tpu.vector_store %swap3A_704[%swap3A_705, %swap3A_706], %swap3A_709 {strides = array<i32>} : memref<512x64xf32, #tpu.memory_space<vmem>>, vector<1x16xf32>,
      %scan3A_710 = arith.constant 1 : i32
      %scan3A_711 = arith.addi %scan3A_631, %scan3A_710 : i32
      %get3A_712 = arith.constant 0 : i32
      %get3A_713 = arith.constant 0 : i32
      %get3A_714 = tpu.memref_slice %arg9[%scan3A_277, %get3A_712, %get3A_713] : memref<3x512x64xf32, #tpu.memory_space<vmem>> -> memref<1x512x64xf32, #tpu.memory_space<vmem>>
      %get3A_715 = tpu.memref_squeeze %get3A_714 : memref<1x512x64xf32, #tpu.memory_space<vmem>> -> memref<512x64xf32, #tpu.memory_space<vmem>>
      %get3A_716 = arith.index_cast %scan3A_711 : i32 to index
      %get3A_717 = arith.constant 0 : index
      %get3A_718 = tpu.vector_load %get3A_715[%get3A_716, %get3A_717] {strides = array<i32>} : memref<512x64xf32, #tpu.memory_space<vmem>>, vector<1x16xf32>,
      %get3A_719 = vector.shape_cast %get3A_718 : vector<1x16xf32> to vector<16xf32>
      %mul3A_720 = arith.constant 8.000000e+00 : f32
      %mul3A_721 = vector.broadcast %mul3A_720 : f32 to vector<16xf32>
      %mul3A_722 = arith.mulf %get3A_719, %mul3A_721 : vector<16xf32>
      %swap3A_723 = arith.constant 0 : i32
      %swap3A_724 = arith.constant 0 : i32
      %swap3A_725 = tpu.memref_slice %arg9[%scan3A_277, %swap3A_723, %swap3A_724] : memref<3x512x64xf32, #tpu.memory_space<vmem>> -> memref<1x512x64xf32, #tpu.memory_space<vmem>>
      %swap3A_726 = tpu.memref_squeeze %swap3A_725 : memref<1x512x64xf32, #tpu.memory_space<vmem>> -> memref<512x64xf32, #tpu.memory_space<vmem>>
      %swap3A_727 = arith.index_cast %scan3A_711 : i32 to index
      %swap3A_728 = arith.constant 0 : index
      %swap3A_729 = tpu.vector_load %swap3A_726[%swap3A_727, %swap3A_728] {strides = array<i32>} : memref<512x64xf32, #tpu.memory_space<vmem>>, vector<1x16xf32>,
      %swap3A_730 = vector.shape_cast %swap3A_729 : vector<1x16xf32> to vector<16xf32>
      %swap3A_731 = vector.shape_cast %mul3A_722 : vector<16xf32> to vector<1x16xf32>
      tpu.vector_store %swap3A_726[%swap3A_727, %swap3A_728], %swap3A_731 {strides = array<i32>} : memref<512x64xf32, #tpu.memory_space<vmem>>, vector<1x16xf32>,
      %get3A_732 = arith.constant 0 : i32
      %get3A_733 = arith.constant 0 : i32
      %get3A_734 = tpu.memref_slice %arg9[%scan3A_277, %get3A_732, %get3A_733] : memref<3x512x64xf32, #tpu.memory_space<vmem>> -> memref<1x512x64xf32, #tpu.memory_space<vmem>>
      %get3A_735 = tpu.memref_squeeze %get3A_734 : memref<1x512x64xf32, #tpu.memory_space<vmem>> -> memref<512x64xf32, #tpu.memory_space<vmem>>
      %get3A_736 = arith.index_cast %scan3A_711 : i32 to index
      %get3A_737 = arith.constant 16 : index
      %get3A_738 = tpu.vector_load %get3A_735[%get3A_736, %get3A_737] {strides = array<i32>} : memref<512x64xf32, #tpu.memory_space<vmem>>, vector<1x16xf32>,
      %get3A_739 = vector.shape_cast %get3A_738 : vector<1x16xf32> to vector<16xf32>
      %mul3A_740 = arith.constant 8.000000e+00 : f32
      %mul3A_741 = vector.broadcast %mul3A_740 : f32 to vector<16xf32>
      %mul3A_742 = arith.mulf %get3A_739, %mul3A_741 : vector<16xf32>
      %swap3A_743 = arith.constant 0 : i32
      %swap3A_744 = arith.constant 0 : i32
      %swap3A_745 = tpu.memref_slice %arg9[%scan3A_277, %swap3A_743, %swap3A_744] : memref<3x512x64xf32, #tpu.memory_space<vmem>> -> memref<1x512x64xf32, #tpu.memory_space<vmem>>
      %swap3A_746 = tpu.memref_squeeze %swap3A_745 : memref<1x512x64xf32, #tpu.memory_space<vmem>> -> memref<512x64xf32, #tpu.memory_space<vmem>>
      %swap3A_747 = arith.index_cast %scan3A_711 : i32 to index
      %swap3A_748 = arith.constant 16 : index
      %swap3A_749 = tpu.vector_load %swap3A_746[%swap3A_747, %swap3A_748] {strides = array<i32>} : memref<512x64xf32, #tpu.memory_space<vmem>>, vector<1x16xf32>,
      %swap3A_750 = vector.shape_cast %swap3A_749 : vector<1x16xf32> to vector<16xf32>
      %swap3A_751 = vector.shape_cast %mul3A_742 : vector<16xf32> to vector<1x16xf32>
      tpu.vector_store %swap3A_746[%swap3A_747, %swap3A_748], %swap3A_751 {strides = array<i32>} : memref<512x64xf32, #tpu.memory_space<vmem>>, vector<1x16xf32>,
      %get3A_752 = arith.constant 0 : i32
      %get3A_753 = arith.constant 0 : i32
      %get3A_754 = tpu.memref_slice %arg9[%scan3A_277, %get3A_752, %get3A_753] : memref<3x512x64xf32, #tpu.memory_space<vmem>> -> memref<1x512x64xf32, #tpu.memory_space<vmem>>
      %get3A_755 = tpu.memref_squeeze %get3A_754 : memref<1x512x64xf32, #tpu.memory_space<vmem>> -> memref<512x64xf32, #tpu.memory_space<vmem>>
      %get3A_756 = arith.index_cast %scan3A_711 : i32 to index
      %get3A_757 = arith.constant 32 : index
      %get3A_758 = tpu.vector_load %get3A_755[%get3A_756, %get3A_757] {strides = array<i32>} : memref<512x64xf32, #tpu.memory_space<vmem>>, vector<1x16xf32>,
      %get3A_759 = vector.shape_cast %get3A_758 : vector<1x16xf32> to vector<16xf32>
      %mul3A_760 = arith.constant 8.000000e+00 : f32
      %mul3A_761 = vector.broadcast %mul3A_760 : f32 to vector<16xf32>
      %mul3A_762 = arith.mulf %get3A_759, %mul3A_761 : vector<16xf32>
      %swap3A_763 = arith.constant 0 : i32
      %swap3A_764 = arith.constant 0 : i32
      %swap3A_765 = tpu.memref_slice %arg9[%scan3A_277, %swap3A_763, %swap3A_764] : memref<3x512x64xf32, #tpu.memory_space<vmem>> -> memref<1x512x64xf32, #tpu.memory_space<vmem>>
      %swap3A_766 = tpu.memref_squeeze %swap3A_765 : memref<1x512x64xf32, #tpu.memory_space<vmem>> -> memref<512x64xf32, #tpu.memory_space<vmem>>
      %swap3A_767 = arith.index_cast %scan3A_711 : i32 to index
      %swap3A_768 = arith.constant 32 : index
      %swap3A_769 = tpu.vector_load %swap3A_766[%swap3A_767, %swap3A_768] {strides = array<i32>} : memref<512x64xf32, #tpu.memory_space<vmem>>, vector<1x16xf32>,
      %swap3A_770 = vector.shape_cast %swap3A_769 : vector<1x16xf32> to vector<16xf32>
      %swap3A_771 = vector.shape_cast %mul3A_762 : vector<16xf32> to vector<1x16xf32>
      tpu.vector_store %swap3A_766[%swap3A_767, %swap3A_768], %swap3A_771 {strides = array<i32>} : memref<512x64xf32, #tpu.memory_space<vmem>>, vector<1x16xf32>,
      %get3A_772 = arith.constant 0 : i32
      %get3A_773 = arith.constant 0 : i32
      %get3A_774 = tpu.memref_slice %arg9[%scan3A_277, %get3A_772, %get3A_773] : memref<3x512x64xf32, #tpu.memory_space<vmem>> -> memref<1x512x64xf32, #tpu.memory_space<vmem>>
      %get3A_775 = tpu.memref_squeeze %get3A_774 : memref<1x512x64xf32, #tpu.memory_space<vmem>> -> memref<512x64xf32, #tpu.memory_space<vmem>>
      %get3A_776 = arith.index_cast %scan3A_711 : i32 to index
      %get3A_777 = arith.constant 48 : index
      %get3A_778 = tpu.vector_load %get3A_775[%get3A_776, %get3A_777] {strides = array<i32>} : memref<512x64xf32, #tpu.memory_space<vmem>>, vector<1x16xf32>,
      %get3A_779 = vector.shape_cast %get3A_778 : vector<1x16xf32> to vector<16xf32>
      %mul3A_780 = arith.constant 8.000000e+00 : f32
      %mul3A_781 = vector.broadcast %mul3A_780 : f32 to vector<16xf32>
      %mul3A_782 = arith.mulf %get3A_779, %mul3A_781 : vector<16xf32>
      %swap3A_783 = arith.constant 0 : i32
      %swap3A_784 = arith.constant 0 : i32
      %swap3A_785 = tpu.memref_slice %arg9[%scan3A_277, %swap3A_783, %swap3A_784] : memref<3x512x64xf32, #tpu.memory_space<vmem>> -> memref<1x512x64xf32, #tpu.memory_space<vmem>>
      %swap3A_786 = tpu.memref_squeeze %swap3A_785 : memref<1x512x64xf32, #tpu.memory_space<vmem>> -> memref<512x64xf32, #tpu.memory_space<vmem>>
      %swap3A_787 = arith.index_cast %scan3A_711 : i32 to index
      %swap3A_788 = arith.constant 48 : index
      %swap3A_789 = tpu.vector_load %swap3A_786[%swap3A_787, %swap3A_788] {strides = array<i32>} : memref<512x64xf32, #tpu.memory_space<vmem>>, vector<1x16xf32>,
      %swap3A_790 = vector.shape_cast %swap3A_789 : vector<1x16xf32> to vector<16xf32>
      %swap3A_791 = vector.shape_cast %mul3A_782 : vector<16xf32> to vector<1x16xf32>
      tpu.vector_store %swap3A_786[%swap3A_787, %swap3A_788], %swap3A_791 {strides = array<i32>} : memref<512x64xf32, #tpu.memory_space<vmem>>, vector<1x16xf32>,
    }
    %scan3A_282 = arith.constant 512 : i32
    %add3A_283 = arith.constant 23552 : i32
    %add3A_284 = arith.addi %mul3A_2, %add3A_283 : i32
    %dma_start3A_285 = arith.constant 1 : i32
    %dma_start3A_286 = arith.constant 0 : i32
    %dma_start3A_287 = arith.constant 0 : i32
    %dma_start3A_288 = tpu.memref_slice %arg9[%dma_start3A_285, %dma_start3A_286, %dma_start3A_287] : memref<3x512x64xf32, #tpu.memory_space<vmem>> -> memref<1x512x64xf32, #tpu.memory_space<vmem>>
    %dma_start3A_289 = tpu.memref_squeeze %dma_start3A_288 : memref<1x512x64xf32, #tpu.memory_space<vmem>> -> memref<512x64xf32, #tpu.memory_space<vmem>>
    %dma_start3A_290 = arith.constant 0 : i32
    %dma_start3A_291 = tpu.memref_slice %arg6[%add3A_284, %dma_start3A_290] : memref<819200x64xf32, #tpu.memory_space<hbm>> -> memref<512x64xf32, #tpu.memory_space<hbm>>
    %dma_start3A_292 = arith.constant 0 : i32
    %dma_start3A_293 = tpu.memref_slice %arg6[%add3A_284, %dma_start3A_292] : memref<819200x64xf32, #tpu.memory_space<hbm>> -> memref<512x64xf32, #tpu.memory_space<hbm>>
    %dma_start3A_294 = arith.constant 0 : i32
    %dma_start3A_295 = arith.constant 0 : i32
    %dma_start3A_296 = tpu.memref_slice %arg9[%dma_start3A_285, %dma_start3A_294, %dma_start3A_295] : memref<3x512x64xf32, #tpu.memory_space<vmem>> -> memref<1x512x64xf32, #tpu.memory_space<vmem>>
    %dma_start3A_297 = tpu.memref_squeeze %dma_start3A_296 : memref<1x512x64xf32, #tpu.memory_space<vmem>> -> memref<512x64xf32, #tpu.memory_space<vmem>>
    tpu.enqueue_dma source(%dma_start3A_297 : memref<512x64xf32, #tpu.memory_space<vmem>>) target(%dma_start3A_293 : memref<512x64xf32, #tpu.memory_space<hbm>>) target_semaphore(%arg17 : memref<!tpu.dma_semaphore, #tpu.memory_space<semaphore_mem>>)
    %add3A_298 = arith.constant 25088 : i32
    %add3A_299 = arith.addi %mul3A_2, %add3A_298 : i32
    %dma_start3A_300 = arith.constant 1 : i32
    %dma_start3A_301 = arith.constant 0 : i32
    %dma_start3A_302 = tpu.memref_slice %arg7[%dma_start3A_300, %dma_start3A_301] : memref<3x512xi32, #tpu.memory_space<vmem>> -> memref<1x512xi32, #tpu.memory_space<vmem>>
    %dma_start3A_303 = tpu.memref_squeeze %dma_start3A_302 : memref<1x512xi32, #tpu.memory_space<vmem>> -> memref<512xi32, #tpu.memory_space<vmem>>
    %dma_start3A_304 = tpu.memref_slice %arg3[%add3A_299] : memref<819200xi32, #tpu.memory_space<hbm>> -> memref<512xi32, #tpu.memory_space<hbm>>
    %dma_start3A_305 = arith.constant 0 : i32
    %dma_start3A_306 = tpu.memref_slice %arg7[%dma_start3A_300, %dma_start3A_305] : memref<3x512xi32, #tpu.memory_space<vmem>> -> memref<1x512xi32, #tpu.memory_space<vmem>>
    %dma_start3A_307 = tpu.memref_squeeze %dma_start3A_306 : memref<1x512xi32, #tpu.memory_space<vmem>> -> memref<512xi32, #tpu.memory_space<vmem>>
    %dma_start3A_308 = tpu.memref_slice %arg3[%add3A_299] : memref<819200xi32, #tpu.memory_space<hbm>> -> memref<512xi32, #tpu.memory_space<hbm>>
    tpu.enqueue_dma source(%dma_start3A_308 : memref<512xi32, #tpu.memory_space<hbm>>) target(%dma_start3A_307 : memref<512xi32, #tpu.memory_space<vmem>>) target_semaphore(%arg11 : memref<!tpu.dma_semaphore, #tpu.memory_space<semaphore_mem>>)
    %dma_start3A_309 = arith.constant 1 : i32
    %dma_start3A_310 = arith.constant 0 : i32
    %dma_start3A_311 = tpu.memref_slice %arg8[%dma_start3A_309, %dma_start3A_310] : memref<3x512xi32, #tpu.memory_space<vmem>> -> memref<1x512xi32, #tpu.memory_space<vmem>>
    %dma_start3A_312 = tpu.memref_squeeze %dma_start3A_311 : memref<1x512xi32, #tpu.memory_space<vmem>> -> memref<512xi32, #tpu.memory_space<vmem>>
    %dma_start3A_313 = tpu.memref_slice %arg4[%add3A_299] : memref<819200xi32, #tpu.memory_space<hbm>> -> memref<512xi32, #tpu.memory_space<hbm>>
    %dma_start3A_314 = arith.constant 0 : i32
    %dma_start3A_315 = tpu.memref_slice %arg8[%dma_start3A_309, %dma_start3A_314] : memref<3x512xi32, #tpu.memory_space<vmem>> -> memref<1x512xi32, #tpu.memory_space<vmem>>
    %dma_start3A_316 = tpu.memref_squeeze %dma_start3A_315 : memref<1x512xi32, #tpu.memory_space<vmem>> -> memref<512xi32, #tpu.memory_space<vmem>>
    %dma_start3A_317 = tpu.memref_slice %arg4[%add3A_299] : memref<819200xi32, #tpu.memory_space<hbm>> -> memref<512xi32, #tpu.memory_space<hbm>>
    tpu.enqueue_dma source(%dma_start3A_317 : memref<512xi32, #tpu.memory_space<hbm>>) target(%dma_start3A_316 : memref<512xi32, #tpu.memory_space<vmem>>) target_semaphore(%arg11 : memref<!tpu.dma_semaphore, #tpu.memory_space<semaphore_mem>>)
    %add3A_318 = arith.constant 23040 : i32
    %add3A_319 = arith.addi %mul3A_2, %add3A_318 : i32
    %dma_wait3A_320 = arith.constant 0 : i32
    %dma_wait3A_321 = arith.constant 0 : i32
    %dma_wait3A_322 = arith.constant 0 : i32
    %dma_wait3A_323 = tpu.memref_slice %arg9[%dma_wait3A_320, %dma_wait3A_321, %dma_wait3A_322] : memref<3x512x64xf32, #tpu.memory_space<vmem>> -> memref<1x512x64xf32, #tpu.memory_space<vmem>>
    %dma_wait3A_324 = tpu.memref_squeeze %dma_wait3A_323 : memref<1x512x64xf32, #tpu.memory_space<vmem>> -> memref<512x64xf32, #tpu.memory_space<vmem>>
    %dma_wait3A_325 = arith.constant 0 : i32
    %dma_wait3A_326 = tpu.memref_slice %arg6[%add3A_319, %dma_wait3A_325] : memref<819200x64xf32, #tpu.memory_space<hbm>> -> memref<512x64xf32, #tpu.memory_space<hbm>>
    %dma_wait3A_327 = arith.constant 0 : i32
    %dma_wait3A_328 = tpu.memref_slice %arg6[%add3A_319, %dma_wait3A_327] : memref<819200x64xf32, #tpu.memory_space<hbm>> -> memref<512x64xf32, #tpu.memory_space<hbm>>
    %dma_wait3A_329 = arith.constant 0 : i32
    %dma_wait3A_330 = arith.constant 0 : i32
    %dma_wait3A_331 = tpu.memref_slice %arg9[%dma_wait3A_320, %dma_wait3A_329, %dma_wait3A_330] : memref<3x512x64xf32, #tpu.memory_space<vmem>> -> memref<1x512x64xf32, #tpu.memory_space<vmem>>
    %dma_wait3A_332 = tpu.memref_squeeze %dma_wait3A_331 : memref<1x512x64xf32, #tpu.memory_space<vmem>> -> memref<512x64xf32, #tpu.memory_space<vmem>>
    tpu.wait_dma2 semaphore(%arg16 : memref<!tpu.dma_semaphore, #tpu.memory_space<semaphore_mem>>) src(%dma_wait3A_332 : memref<512x64xf32, #tpu.memory_space<vmem>>) dst(%dma_wait3A_328 : memref<512x64xf32, #tpu.memory_space<hbm>>)
    %add3A_333 = arith.constant 24576 : i32
    %add3A_334 = arith.addi %mul3A_2, %add3A_333 : i32
    %dma_wait3A_335 = arith.constant 0 : i32
    %dma_wait3A_336 = arith.constant 0 : i32
    %dma_wait3A_337 = tpu.memref_slice %arg7[%dma_wait3A_335, %dma_wait3A_336] : memref<3x512xi32, #tpu.memory_space<vmem>> -> memref<1x512xi32, #tpu.memory_space<vmem>>
    %dma_wait3A_338 = tpu.memref_squeeze %dma_wait3A_337 : memref<1x512xi32, #tpu.memory_space<vmem>> -> memref<512xi32, #tpu.memory_space<vmem>>
    %dma_wait3A_339 = tpu.memref_slice %arg3[%add3A_334] : memref<819200xi32, #tpu.memory_space<hbm>> -> memref<512xi32, #tpu.memory_space<hbm>>
    %dma_wait3A_340 = arith.constant 0 : i32
    %dma_wait3A_341 = tpu.memref_slice %arg7[%dma_wait3A_335, %dma_wait3A_340] : memref<3x512xi32, #tpu.memory_space<vmem>> -> memref<1x512xi32, #tpu.memory_space<vmem>>
    %dma_wait3A_342 = tpu.memref_squeeze %dma_wait3A_341 : memref<1x512xi32, #tpu.memory_space<vmem>> -> memref<512xi32, #tpu.memory_space<vmem>>
    %dma_wait3A_343 = tpu.memref_slice %arg3[%add3A_334] : memref<819200xi32, #tpu.memory_space<hbm>> -> memref<512xi32, #tpu.memory_space<hbm>>
    tpu.wait_dma2 semaphore(%arg10 : memref<!tpu.dma_semaphore, #tpu.memory_space<semaphore_mem>>) src(%dma_wait3A_343 : memref<512xi32, #tpu.memory_space<hbm>>) dst(%dma_wait3A_342 : memref<512xi32, #tpu.memory_space<vmem>>)
    %dma_wait3A_344 = arith.constant 0 : i32
    %dma_wait3A_345 = arith.constant 0 : i32
    %dma_wait3A_346 = tpu.memref_slice %arg8[%dma_wait3A_344, %dma_wait3A_345] : memref<3x512xi32, #tpu.memory_space<vmem>> -> memref<1x512xi32, #tpu.memory_space<vmem>>
    %dma_wait3A_347 = tpu.memref_squeeze %dma_wait3A_346 : memref<1x512xi32, #tpu.memory_space<vmem>> -> memref<512xi32, #tpu.memory_space<vmem>>
    %dma_wait3A_348 = tpu.memref_slice %arg4[%add3A_334] : memref<819200xi32, #tpu.memory_space<hbm>> -> memref<512xi32, #tpu.memory_space<hbm>>
    %dma_wait3A_349 = arith.constant 0 : i32
    %dma_wait3A_350 = tpu.memref_slice %arg8[%dma_wait3A_344, %dma_wait3A_349] : memref<3x512xi32, #tpu.memory_space<vmem>> -> memref<1x512xi32, #tpu.memory_space<vmem>>
    %dma_wait3A_351 = tpu.memref_squeeze %dma_wait3A_350 : memref<1x512xi32, #tpu.memory_space<vmem>> -> memref<512xi32, #tpu.memory_space<vmem>>
    %dma_wait3A_352 = tpu.memref_slice %arg4[%add3A_334] : memref<819200xi32, #tpu.memory_space<hbm>> -> memref<512xi32, #tpu.memory_space<hbm>>
    tpu.wait_dma2 semaphore(%arg10 : memref<!tpu.dma_semaphore, #tpu.memory_space<semaphore_mem>>) src(%dma_wait3A_352 : memref<512xi32, #tpu.memory_space<hbm>>) dst(%dma_wait3A_351 : memref<512xi32, #tpu.memory_space<vmem>>)
    %dma_start3A_353 = arith.constant 0 : i32
    %dma_start3A_354 = arith.constant 0 : i32
    %dma_start3A_355 = arith.constant 0 : i32
    %dma_start3A_356 = arith.constant 0 : i32
    %dma_start3A_357 = tpu.memref_slice %arg9[%dma_start3A_354, %dma_start3A_355, %dma_start3A_356] : memref<3x512x64xf32, #tpu.memory_space<vmem>> -> memref<1x512x64xf32, #tpu.memory_space<vmem>>
    %dma_start3A_358 = tpu.memref_squeeze %dma_start3A_357 : memref<1x512x64xf32, #tpu.memory_space<vmem>> -> memref<512x64xf32, #tpu.memory_space<vmem>>
    %dma_start3A_359 = arith.constant 0 : i32
    %dma_start3A_360 = tpu.memref_slice %arg8[%dma_start3A_353, %dma_start3A_359] : memref<3x512xi32, #tpu.memory_space<vmem>> -> memref<1x512xi32, #tpu.memory_space<vmem>>
    %dma_start3A_361 = tpu.memref_squeeze %dma_start3A_360 : memref<1x512xi32, #tpu.memory_space<vmem>> -> memref<512xi32, #tpu.memory_space<vmem>>
    %dma_start3A_362 = arith.constant 0 : i32
    %dma_start3A_363 = arith.constant 0 : i32
    %dma_start3A_364 = tpu.memref_slice %arg5[%dma_start3A_362, %dma_start3A_363] : memref<400x64xf32, #tpu.memory_space<hbm>> -> memref<400x64xf32, #tpu.memory_space<hbm>>
    tpu.enqueue_indirect_dma source(%dma_start3A_364 : memref<400x64xf32, #tpu.memory_space<hbm>>) target(%dma_start3A_358 : memref<512x64xf32, #tpu.memory_space<vmem>>) offsets(%dma_start3A_361 : memref<512xi32, #tpu.memory_space<vmem>>) semaphore(%arg13 : memref<!tpu.dma_semaphore, #tpu.memory_space<semaphore_mem>>)
    %dma_wait3A_365 = arith.constant 2 : i32
    %dma_wait3A_366 = arith.constant 2 : i32
    %dma_wait3A_367 = arith.constant 0 : i32
    %dma_wait3A_368 = arith.constant 0 : i32
    %dma_wait3A_369 = tpu.memref_slice %arg9[%dma_wait3A_366, %dma_wait3A_367, %dma_wait3A_368] : memref<3x512x64xf32, #tpu.memory_space<vmem>> -> memref<1x512x64xf32, #tpu.memory_space<vmem>>
    %dma_wait3A_370 = tpu.memref_squeeze %dma_wait3A_369 : memref<1x512x64xf32, #tpu.memory_space<vmem>> -> memref<512x64xf32, #tpu.memory_space<vmem>>
    %dma_wait3A_371 = arith.constant 0 : i32
    %dma_wait3A_372 = tpu.memref_slice %arg8[%dma_wait3A_365, %dma_wait3A_371] : memref<3x512xi32, #tpu.memory_space<vmem>> -> memref<1x512xi32, #tpu.memory_space<vmem>>
    %dma_wait3A_373 = tpu.memref_squeeze %dma_wait3A_372 : memref<1x512xi32, #tpu.memory_space<vmem>> -> memref<512xi32, #tpu.memory_space<vmem>>
    %dma_wait3A_374 = arith.constant 0 : i32
    %dma_wait3A_375 = arith.constant 0 : i32
    %dma_wait3A_376 = tpu.memref_slice %arg5[%dma_wait3A_374, %dma_wait3A_375] : memref<400x64xf32, #tpu.memory_space<hbm>> -> memref<400x64xf32, #tpu.memory_space<hbm>>
    tpu.wait_indirect_dma semaphore(%arg15 : memref<!tpu.dma_semaphore, #tpu.memory_space<semaphore_mem>>) src(%dma_wait3A_376 : memref<400x64xf32, #tpu.memory_space<hbm>>) dst(%dma_wait3A_370 : memref<512x64xf32, #tpu.memory_space<vmem>>)
    %dma_start3A_377 = arith.constant 2 : i32
    %dma_start3A_378 = arith.constant 2 : i32
    %dma_start3A_379 = arith.constant 0 : i32
    %dma_start3A_380 = arith.constant 0 : i32
    %dma_start3A_381 = tpu.memref_slice %arg9[%dma_start3A_378, %dma_start3A_379, %dma_start3A_380] : memref<3x512x64xf32, #tpu.memory_space<vmem>> -> memref<1x512x64xf32, #tpu.memory_space<vmem>>
    %dma_start3A_382 = tpu.memref_squeeze %dma_start3A_381 : memref<1x512x64xf32, #tpu.memory_space<vmem>> -> memref<512x64xf32, #tpu.memory_space<vmem>>
    %dma_start3A_383 = arith.constant 0 : i32
    %dma_start3A_384 = tpu.memref_slice %arg7[%dma_start3A_377, %dma_start3A_383] : memref<3x512xi32, #tpu.memory_space<vmem>> -> memref<1x512xi32, #tpu.memory_space<vmem>>
    %dma_start3A_385 = tpu.memref_squeeze %dma_start3A_384 : memref<1x512xi32, #tpu.memory_space<vmem>> -> memref<512xi32, #tpu.memory_space<vmem>>
    %dma_start3A_386 = arith.constant 0 : i32
    %dma_start3A_387 = arith.constant 0 : i32
    %dma_start3A_388 = tpu.memref_slice %arg2[%dma_start3A_386, %dma_start3A_387] : memref<1000000x64xf32, #tpu.memory_space<hbm>> -> memref<1000000x64xf32, #tpu.memory_space<hbm>>
    tpu.enqueue_indirect_dma source(%dma_start3A_388 : memref<1000000x64xf32, #tpu.memory_space<hbm>>) target(%dma_start3A_382 : memref<512x64xf32, #tpu.memory_space<vmem>>) offsets(%dma_start3A_385 : memref<512xi32, #tpu.memory_space<vmem>>) semaphore(%arg15 : memref<!tpu.dma_semaphore, #tpu.memory_space<semaphore_mem>>) {add = true}
    %dma_wait3A_389 = arith.constant 2 : i32
    %dma_wait3A_390 = arith.constant 2 : i32
    %dma_wait3A_391 = arith.constant 0 : i32
    %dma_wait3A_392 = arith.constant 0 : i32
    %dma_wait3A_393 = tpu.memref_slice %arg9[%dma_wait3A_390, %dma_wait3A_391, %dma_wait3A_392] : memref<3x512x64xf32, #tpu.memory_space<vmem>> -> memref<1x512x64xf32, #tpu.memory_space<vmem>>
    %dma_wait3A_394 = tpu.memref_squeeze %dma_wait3A_393 : memref<1x512x64xf32, #tpu.memory_space<vmem>> -> memref<512x64xf32, #tpu.memory_space<vmem>>
    %dma_wait3A_395 = arith.constant 0 : i32
    %dma_wait3A_396 = tpu.memref_slice %arg7[%dma_wait3A_389, %dma_wait3A_395] : memref<3x512xi32, #tpu.memory_space<vmem>> -> memref<1x512xi32, #tpu.memory_space<vmem>>
    %dma_wait3A_397 = tpu.memref_squeeze %dma_wait3A_396 : memref<1x512xi32, #tpu.memory_space<vmem>> -> memref<512xi32, #tpu.memory_space<vmem>>
    %dma_wait3A_398 = arith.constant 0 : i32
    %dma_wait3A_399 = arith.constant 0 : i32
    %dma_wait3A_400 = tpu.memref_slice %arg2[%dma_wait3A_398, %dma_wait3A_399] : memref<1000000x64xf32, #tpu.memory_space<hbm>> -> memref<1000000x64xf32, #tpu.memory_space<hbm>>
    tpu.wait_indirect_dma semaphore(%arg15 : memref<!tpu.dma_semaphore, #tpu.memory_space<semaphore_mem>>) src(%dma_wait3A_400 : memref<1000000x64xf32, #tpu.memory_space<hbm>>) dst(%dma_wait3A_394 : memref<512x64xf32, #tpu.memory_space<vmem>>)
    %scan3A_401 = arith.constant 0 : i32
    %scan3A_402 = arith.constant 2 : i32
    %scan3A_403 = arith.constant 0 : i32
    %scan3A_404 = arith.constant 512 : i32
    %scan3A_405 = arith.addi %scan3A_403, %scan3A_404 : i32
    %scan3A_406 = arith.constant 2 : i32
    scf.for %scan3A_631 = %scan3A_403 to %scan3A_405 step %scan3A_406  : i32 {
      %get3A = arith.constant 0 : i32
      %get3A_632 = arith.constant 0 : i32
      %get3A_633 = tpu.memref_slice %arg9[%scan3A_402, %get3A, %get3A_632] : memref<3x512x64xf32, #tpu.memory_space<vmem>> -> memref<1x512x64xf32, #tpu.memory_space<vmem>>
      %get3A_634 = tpu.memref_squeeze %get3A_633 : memref<1x512x64xf32, #tpu.memory_space<vmem>> -> memref<512x64xf32, #tpu.memory_space<vmem>>
      %get3A_635 = arith.index_cast %scan3A_631 : i32 to index
      %get3A_636 = arith.constant 0 : index
      %get3A_637 = tpu.vector_load %get3A_634[%get3A_635, %get3A_636] {strides = array<i32>} : memref<512x64xf32, #tpu.memory_space<vmem>>, vector<1x16xf32>,
      %get3A_638 = vector.shape_cast %get3A_637 : vector<1x16xf32> to vector<16xf32>
      %mul3A_639 = arith.constant 8.000000e+00 : f32
      %mul3A_640 = vector.broadcast %mul3A_639 : f32 to vector<16xf32>
      %mul3A_641 = arith.mulf %get3A_638, %mul3A_640 : vector<16xf32>
      %swap3A = arith.constant 0 : i32
      %swap3A_642 = arith.constant 0 : i32
      %swap3A_643 = tpu.memref_slice %arg9[%scan3A_402, %swap3A, %swap3A_642] : memref<3x512x64xf32, #tpu.memory_space<vmem>> -> memref<1x512x64xf32, #tpu.memory_space<vmem>>
      %swap3A_644 = tpu.memref_squeeze %swap3A_643 : memref<1x512x64xf32, #tpu.memory_space<vmem>> -> memref<512x64xf32, #tpu.memory_space<vmem>>
      %swap3A_645 = arith.index_cast %scan3A_631 : i32 to index
      %swap3A_646 = arith.constant 0 : index
      %swap3A_647 = tpu.vector_load %swap3A_644[%swap3A_645, %swap3A_646] {strides = array<i32>} : memref<512x64xf32, #tpu.memory_space<vmem>>, vector<1x16xf32>,
      %swap3A_648 = vector.shape_cast %swap3A_647 : vector<1x16xf32> to vector<16xf32>
      %swap3A_649 = vector.shape_cast %mul3A_641 : vector<16xf32> to vector<1x16xf32>
      tpu.vector_store %swap3A_644[%swap3A_645, %swap3A_646], %swap3A_649 {strides = array<i32>} : memref<512x64xf32, #tpu.memory_space<vmem>>, vector<1x16xf32>,
      %get3A_650 = arith.constant 0 : i32
      %get3A_651 = arith.constant 0 : i32
      %get3A_652 = tpu.memref_slice %arg9[%scan3A_402, %get3A_650, %get3A_651] : memref<3x512x64xf32, #tpu.memory_space<vmem>> -> memref<1x512x64xf32, #tpu.memory_space<vmem>>
      %get3A_653 = tpu.memref_squeeze %get3A_652 : memref<1x512x64xf32, #tpu.memory_space<vmem>> -> memref<512x64xf32, #tpu.memory_space<vmem>>
      %get3A_654 = arith.index_cast %scan3A_631 : i32 to index
      %get3A_655 = arith.constant 16 : index
      %get3A_656 = tpu.vector_load %get3A_653[%get3A_654, %get3A_655] {strides = array<i32>} : memref<512x64xf32, #tpu.memory_space<vmem>>, vector<1x16xf32>,
      %get3A_657 = vector.shape_cast %get3A_656 : vector<1x16xf32> to vector<16xf32>
      %mul3A_658 = arith.constant 8.000000e+00 : f32
      %mul3A_659 = vector.broadcast %mul3A_658 : f32 to vector<16xf32>
      %mul3A_660 = arith.mulf %get3A_657, %mul3A_659 : vector<16xf32>
      %swap3A_661 = arith.constant 0 : i32
      %swap3A_662 = arith.constant 0 : i32
      %swap3A_663 = tpu.memref_slice %arg9[%scan3A_402, %swap3A_661, %swap3A_662] : memref<3x512x64xf32, #tpu.memory_space<vmem>> -> memref<1x512x64xf32, #tpu.memory_space<vmem>>
      %swap3A_664 = tpu.memref_squeeze %swap3A_663 : memref<1x512x64xf32, #tpu.memory_space<vmem>> -> memref<512x64xf32, #tpu.memory_space<vmem>>
      %swap3A_665 = arith.index_cast %scan3A_631 : i32 to index
      %swap3A_666 = arith.constant 16 : index
      %swap3A_667 = tpu.vector_load %swap3A_664[%swap3A_665, %swap3A_666] {strides = array<i32>} : memref<512x64xf32, #tpu.memory_space<vmem>>, vector<1x16xf32>,
      %swap3A_668 = vector.shape_cast %swap3A_667 : vector<1x16xf32> to vector<16xf32>
      %swap3A_669 = vector.shape_cast %mul3A_660 : vector<16xf32> to vector<1x16xf32>
      tpu.vector_store %swap3A_664[%swap3A_665, %swap3A_666], %swap3A_669 {strides = array<i32>} : memref<512x64xf32, #tpu.memory_space<vmem>>, vector<1x16xf32>,
      %get3A_670 = arith.constant 0 : i32
      %get3A_671 = arith.constant 0 : i32
      %get3A_672 = tpu.memref_slice %arg9[%scan3A_402, %get3A_670, %get3A_671] : memref<3x512x64xf32, #tpu.memory_space<vmem>> -> memref<1x512x64xf32, #tpu.memory_space<vmem>>
      %get3A_673 = tpu.memref_squeeze %get3A_672 : memref<1x512x64xf32, #tpu.memory_space<vmem>> -> memref<512x64xf32, #tpu.memory_space<vmem>>
      %get3A_674 = arith.index_cast %scan3A_631 : i32 to index
      %get3A_675 = arith.constant 32 : index
      %get3A_676 = tpu.vector_load %get3A_673[%get3A_674, %get3A_675] {strides = array<i32>} : memref<512x64xf32, #tpu.memory_space<vmem>>, vector<1x16xf32>,
      %get3A_677 = vector.shape_cast %get3A_676 : vector<1x16xf32> to vector<16xf32>
      %mul3A_678 = arith.constant 8.000000e+00 : f32
      %mul3A_679 = vector.broadcast %mul3A_678 : f32 to vector<16xf32>
      %mul3A_680 = arith.mulf %get3A_677, %mul3A_679 : vector<16xf32>
      %swap3A_681 = arith.constant 0 : i32
      %swap3A_682 = arith.constant 0 : i32
      %swap3A_683 = tpu.memref_slice %arg9[%scan3A_402, %swap3A_681, %swap3A_682] : memref<3x512x64xf32, #tpu.memory_space<vmem>> -> memref<1x512x64xf32, #tpu.memory_space<vmem>>
      %swap3A_684 = tpu.memref_squeeze %swap3A_683 : memref<1x512x64xf32, #tpu.memory_space<vmem>> -> memref<512x64xf32, #tpu.memory_space<vmem>>
      %swap3A_685 = arith.index_cast %scan3A_631 : i32 to index
      %swap3A_686 = arith.constant 32 : index
      %swap3A_687 = tpu.vector_load %swap3A_684[%swap3A_685, %swap3A_686] {strides = array<i32>} : memref<512x64xf32, #tpu.memory_space<vmem>>, vector<1x16xf32>,
      %swap3A_688 = vector.shape_cast %swap3A_687 : vector<1x16xf32> to vector<16xf32>
      %swap3A_689 = vector.shape_cast %mul3A_680 : vector<16xf32> to vector<1x16xf32>
      tpu.vector_store %swap3A_684[%swap3A_685, %swap3A_686], %swap3A_689 {strides = array<i32>} : memref<512x64xf32, #tpu.memory_space<vmem>>, vector<1x16xf32>,
      %get3A_690 = arith.constant 0 : i32
      %get3A_691 = arith.constant 0 : i32
      %get3A_692 = tpu.memref_slice %arg9[%scan3A_402, %get3A_690, %get3A_691] : memref<3x512x64xf32, #tpu.memory_space<vmem>> -> memref<1x512x64xf32, #tpu.memory_space<vmem>>
      %get3A_693 = tpu.memref_squeeze %get3A_692 : memref<1x512x64xf32, #tpu.memory_space<vmem>> -> memref<512x64xf32, #tpu.memory_space<vmem>>
      %get3A_694 = arith.index_cast %scan3A_631 : i32 to index
      %get3A_695 = arith.constant 48 : index
      %get3A_696 = tpu.vector_load %get3A_693[%get3A_694, %get3A_695] {strides = array<i32>} : memref<512x64xf32, #tpu.memory_space<vmem>>, vector<1x16xf32>,
      %get3A_697 = vector.shape_cast %get3A_696 : vector<1x16xf32> to vector<16xf32>
      %mul3A_698 = arith.constant 8.000000e+00 : f32
      %mul3A_699 = vector.broadcast %mul3A_698 : f32 to vector<16xf32>
      %mul3A_700 = arith.mulf %get3A_697, %mul3A_699 : vector<16xf32>
      %swap3A_701 = arith.constant 0 : i32
      %swap3A_702 = arith.constant 0 : i32
      %swap3A_703 = tpu.memref_slice %arg9[%scan3A_402, %swap3A_701, %swap3A_702] : memref<3x512x64xf32, #tpu.memory_space<vmem>> -> memref<1x512x64xf32, #tpu.memory_space<vmem>>
      %swap3A_704 = tpu.memref_squeeze %swap3A_703 : memref<1x512x64xf32, #tpu.memory_space<vmem>> -> memref<512x64xf32, #tpu.memory_space<vmem>>
      %swap3A_705 = arith.index_cast %scan3A_631 : i32 to index
      %swap3A_706 = arith.constant 48 : index
      %swap3A_707 = tpu.vector_load %swap3A_704[%swap3A_705, %swap3A_706] {strides = array<i32>} : memref<512x64xf32, #tpu.memory_space<vmem>>, vector<1x16xf32>,
      %swap3A_708 = vector.shape_cast %swap3A_707 : vector<1x16xf32> to vector<16xf32>
      %swap3A_709 = vector.shape_cast %mul3A_700 : vector<16xf32> to vector<1x16xf32>
      tpu.vector_store %swap3A_704[%swap3A_705, %swap3A_706], %swap3A_709 {strides = array<i32>} : memref<512x64xf32, #tpu.memory_space<vmem>>, vector<1x16xf32>,
      %scan3A_710 = arith.constant 1 : i32
      %scan3A_711 = arith.addi %scan3A_631, %scan3A_710 : i32
      %get3A_712 = arith.constant 0 : i32
      %get3A_713 = arith.constant 0 : i32
      %get3A_714 = tpu.memref_slice %arg9[%scan3A_402, %get3A_712, %get3A_713] : memref<3x512x64xf32, #tpu.memory_space<vmem>> -> memref<1x512x64xf32, #tpu.memory_space<vmem>>
      %get3A_715 = tpu.memref_squeeze %get3A_714 : memref<1x512x64xf32, #tpu.memory_space<vmem>> -> memref<512x64xf32, #tpu.memory_space<vmem>>
      %get3A_716 = arith.index_cast %scan3A_711 : i32 to index
      %get3A_717 = arith.constant 0 : index
      %get3A_718 = tpu.vector_load %get3A_715[%get3A_716, %get3A_717] {strides = array<i32>} : memref<512x64xf32, #tpu.memory_space<vmem>>, vector<1x16xf32>,
      %get3A_719 = vector.shape_cast %get3A_718 : vector<1x16xf32> to vector<16xf32>
      %mul3A_720 = arith.constant 8.000000e+00 : f32
      %mul3A_721 = vector.broadcast %mul3A_720 : f32 to vector<16xf32>
      %mul3A_722 = arith.mulf %get3A_719, %mul3A_721 : vector<16xf32>
      %swap3A_723 = arith.constant 0 : i32
      %swap3A_724 = arith.constant 0 : i32
      %swap3A_725 = tpu.memref_slice %arg9[%scan3A_402, %swap3A_723, %swap3A_724] : memref<3x512x64xf32, #tpu.memory_space<vmem>> -> memref<1x512x64xf32, #tpu.memory_space<vmem>>
      %swap3A_726 = tpu.memref_squeeze %swap3A_725 : memref<1x512x64xf32, #tpu.memory_space<vmem>> -> memref<512x64xf32, #tpu.memory_space<vmem>>
      %swap3A_727 = arith.index_cast %scan3A_711 : i32 to index
      %swap3A_728 = arith.constant 0 : index
      %swap3A_729 = tpu.vector_load %swap3A_726[%swap3A_727, %swap3A_728] {strides = array<i32>} : memref<512x64xf32, #tpu.memory_space<vmem>>, vector<1x16xf32>,
      %swap3A_730 = vector.shape_cast %swap3A_729 : vector<1x16xf32> to vector<16xf32>
      %swap3A_731 = vector.shape_cast %mul3A_722 : vector<16xf32> to vector<1x16xf32>
      tpu.vector_store %swap3A_726[%swap3A_727, %swap3A_728], %swap3A_731 {strides = array<i32>} : memref<512x64xf32, #tpu.memory_space<vmem>>, vector<1x16xf32>,
      %get3A_732 = arith.constant 0 : i32
      %get3A_733 = arith.constant 0 : i32
      %get3A_734 = tpu.memref_slice %arg9[%scan3A_402, %get3A_732, %get3A_733] : memref<3x512x64xf32, #tpu.memory_space<vmem>> -> memref<1x512x64xf32, #tpu.memory_space<vmem>>
      %get3A_735 = tpu.memref_squeeze %get3A_734 : memref<1x512x64xf32, #tpu.memory_space<vmem>> -> memref<512x64xf32, #tpu.memory_space<vmem>>
      %get3A_736 = arith.index_cast %scan3A_711 : i32 to index
      %get3A_737 = arith.constant 16 : index
      %get3A_738 = tpu.vector_load %get3A_735[%get3A_736, %get3A_737] {strides = array<i32>} : memref<512x64xf32, #tpu.memory_space<vmem>>, vector<1x16xf32>,
      %get3A_739 = vector.shape_cast %get3A_738 : vector<1x16xf32> to vector<16xf32>
      %mul3A_740 = arith.constant 8.000000e+00 : f32
      %mul3A_741 = vector.broadcast %mul3A_740 : f32 to vector<16xf32>
      %mul3A_742 = arith.mulf %get3A_739, %mul3A_741 : vector<16xf32>
      %swap3A_743 = arith.constant 0 : i32
      %swap3A_744 = arith.constant 0 : i32
      %swap3A_745 = tpu.memref_slice %arg9[%scan3A_402, %swap3A_743, %swap3A_744] : memref<3x512x64xf32, #tpu.memory_space<vmem>> -> memref<1x512x64xf32, #tpu.memory_space<vmem>>
      %swap3A_746 = tpu.memref_squeeze %swap3A_745 : memref<1x512x64xf32, #tpu.memory_space<vmem>> -> memref<512x64xf32, #tpu.memory_space<vmem>>
      %swap3A_747 = arith.index_cast %scan3A_711 : i32 to index
      %swap3A_748 = arith.constant 16 : index
      %swap3A_749 = tpu.vector_load %swap3A_746[%swap3A_747, %swap3A_748] {strides = array<i32>} : memref<512x64xf32, #tpu.memory_space<vmem>>, vector<1x16xf32>,
      %swap3A_750 = vector.shape_cast %swap3A_749 : vector<1x16xf32> to vector<16xf32>
      %swap3A_751 = vector.shape_cast %mul3A_742 : vector<16xf32> to vector<1x16xf32>
      tpu.vector_store %swap3A_746[%swap3A_747, %swap3A_748], %swap3A_751 {strides = array<i32>} : memref<512x64xf32, #tpu.memory_space<vmem>>, vector<1x16xf32>,
      %get3A_752 = arith.constant 0 : i32
      %get3A_753 = arith.constant 0 : i32
      %get3A_754 = tpu.memref_slice %arg9[%scan3A_402, %get3A_752, %get3A_753] : memref<3x512x64xf32, #tpu.memory_space<vmem>> -> memref<1x512x64xf32, #tpu.memory_space<vmem>>
      %get3A_755 = tpu.memref_squeeze %get3A_754 : memref<1x512x64xf32, #tpu.memory_space<vmem>> -> memref<512x64xf32, #tpu.memory_space<vmem>>
      %get3A_756 = arith.index_cast %scan3A_711 : i32 to index
      %get3A_757 = arith.constant 32 : index
      %get3A_758 = tpu.vector_load %get3A_755[%get3A_756, %get3A_757] {strides = array<i32>} : memref<512x64xf32, #tpu.memory_space<vmem>>, vector<1x16xf32>,
      %get3A_759 = vector.shape_cast %get3A_758 : vector<1x16xf32> to vector<16xf32>
      %mul3A_760 = arith.constant 8.000000e+00 : f32
      %mul3A_761 = vector.broadcast %mul3A_760 : f32 to vector<16xf32>
      %mul3A_762 = arith.mulf %get3A_759, %mul3A_761 : vector<16xf32>
      %swap3A_763 = arith.constant 0 : i32
      %swap3A_764 = arith.constant 0 : i32
      %swap3A_765 = tpu.memref_slice %arg9[%scan3A_402, %swap3A_763, %swap3A_764] : memref<3x512x64xf32, #tpu.memory_space<vmem>> -> memref<1x512x64xf32, #tpu.memory_space<vmem>>
      %swap3A_766 = tpu.memref_squeeze %swap3A_765 : memref<1x512x64xf32, #tpu.memory_space<vmem>> -> memref<512x64xf32, #tpu.memory_space<vmem>>
      %swap3A_767 = arith.index_cast %scan3A_711 : i32 to index
      %swap3A_768 = arith.constant 32 : index
      %swap3A_769 = tpu.vector_load %swap3A_766[%swap3A_767, %swap3A_768] {strides = array<i32>} : memref<512x64xf32, #tpu.memory_space<vmem>>, vector<1x16xf32>,
      %swap3A_770 = vector.shape_cast %swap3A_769 : vector<1x16xf32> to vector<16xf32>
      %swap3A_771 = vector.shape_cast %mul3A_762 : vector<16xf32> to vector<1x16xf32>
      tpu.vector_store %swap3A_766[%swap3A_767, %swap3A_768], %swap3A_771 {strides = array<i32>} : memref<512x64xf32, #tpu.memory_space<vmem>>, vector<1x16xf32>,
      %get3A_772 = arith.constant 0 : i32
      %get3A_773 = arith.constant 0 : i32
      %get3A_774 = tpu.memref_slice %arg9[%scan3A_402, %get3A_772, %get3A_773] : memref<3x512x64xf32, #tpu.memory_space<vmem>> -> memref<1x512x64xf32, #tpu.memory_space<vmem>>
      %get3A_775 = tpu.memref_squeeze %get3A_774 : memref<1x512x64xf32, #tpu.memory_space<vmem>> -> memref<512x64xf32, #tpu.memory_space<vmem>>
      %get3A_776 = arith.index_cast %scan3A_711 : i32 to index
      %get3A_777 = arith.constant 48 : index
      %get3A_778 = tpu.vector_load %get3A_775[%get3A_776, %get3A_777] {strides = array<i32>} : memref<512x64xf32, #tpu.memory_space<vmem>>, vector<1x16xf32>,
      %get3A_779 = vector.shape_cast %get3A_778 : vector<1x16xf32> to vector<16xf32>
      %mul3A_780 = arith.constant 8.000000e+00 : f32
      %mul3A_781 = vector.broadcast %mul3A_780 : f32 to vector<16xf32>
      %mul3A_782 = arith.mulf %get3A_779, %mul3A_781 : vector<16xf32>
      %swap3A_783 = arith.constant 0 : i32
      %swap3A_784 = arith.constant 0 : i32
      %swap3A_785 = tpu.memref_slice %arg9[%scan3A_402, %swap3A_783, %swap3A_784] : memref<3x512x64xf32, #tpu.memory_space<vmem>> -> memref<1x512x64xf32, #tpu.memory_space<vmem>>
      %swap3A_786 = tpu.memref_squeeze %swap3A_785 : memref<1x512x64xf32, #tpu.memory_space<vmem>> -> memref<512x64xf32, #tpu.memory_space<vmem>>
      %swap3A_787 = arith.index_cast %scan3A_711 : i32 to index
      %swap3A_788 = arith.constant 48 : index
      %swap3A_789 = tpu.vector_load %swap3A_786[%swap3A_787, %swap3A_788] {strides = array<i32>} : memref<512x64xf32, #tpu.memory_space<vmem>>, vector<1x16xf32>,
      %swap3A_790 = vector.shape_cast %swap3A_789 : vector<1x16xf32> to vector<16xf32>
      %swap3A_791 = vector.shape_cast %mul3A_782 : vector<16xf32> to vector<1x16xf32>
      tpu.vector_store %swap3A_786[%swap3A_787, %swap3A_788], %swap3A_791 {strides = array<i32>} : memref<512x64xf32, #tpu.memory_space<vmem>>, vector<1x16xf32>,
    }
    %scan3A_407 = arith.constant 512 : i32
    %add3A_408 = arith.constant 24064 : i32
    %add3A_409 = arith.addi %mul3A_2, %add3A_408 : i32
    %dma_start3A_410 = arith.constant 2 : i32
    %dma_start3A_411 = arith.constant 0 : i32
    %dma_start3A_412 = arith.constant 0 : i32
    %dma_start3A_413 = tpu.memref_slice %arg9[%dma_start3A_410, %dma_start3A_411, %dma_start3A_412] : memref<3x512x64xf32, #tpu.memory_space<vmem>> -> memref<1x512x64xf32, #tpu.memory_space<vmem>>
    %dma_start3A_414 = tpu.memref_squeeze %dma_start3A_413 : memref<1x512x64xf32, #tpu.memory_space<vmem>> -> memref<512x64xf32, #tpu.memory_space<vmem>>
    %dma_start3A_415 = arith.constant 0 : i32
    %dma_start3A_416 = tpu.memref_slice %arg6[%add3A_409, %dma_start3A_415] : memref<819200x64xf32, #tpu.memory_space<hbm>> -> memref<512x64xf32, #tpu.memory_space<hbm>>
    %dma_start3A_417 = arith.constant 0 : i32
    %dma_start3A_418 = tpu.memref_slice %arg6[%add3A_409, %dma_start3A_417] : memref<819200x64xf32, #tpu.memory_space<hbm>> -> memref<512x64xf32, #tpu.memory_space<hbm>>
    %dma_start3A_419 = arith.constant 0 : i32
    %dma_start3A_420 = arith.constant 0 : i32
    %dma_start3A_421 = tpu.memref_slice %arg9[%dma_start3A_410, %dma_start3A_419, %dma_start3A_420] : memref<3x512x64xf32, #tpu.memory_space<vmem>> -> memref<1x512x64xf32, #tpu.memory_space<vmem>>
    %dma_start3A_422 = tpu.memref_squeeze %dma_start3A_421 : memref<1x512x64xf32, #tpu.memory_space<vmem>> -> memref<512x64xf32, #tpu.memory_space<vmem>>
    tpu.enqueue_dma source(%dma_start3A_422 : memref<512x64xf32, #tpu.memory_space<vmem>>) target(%dma_start3A_418 : memref<512x64xf32, #tpu.memory_space<hbm>>) target_semaphore(%arg18 : memref<!tpu.dma_semaphore, #tpu.memory_space<semaphore_mem>>)
    %add3A_423 = arith.constant 23552 : i32
    %add3A_424 = arith.addi %mul3A_2, %add3A_423 : i32
    %dma_wait3A_425 = arith.constant 1 : i32
    %dma_wait3A_426 = arith.constant 0 : i32
    %dma_wait3A_427 = arith.constant 0 : i32
    %dma_wait3A_428 = tpu.memref_slice %arg9[%dma_wait3A_425, %dma_wait3A_426, %dma_wait3A_427] : memref<3x512x64xf32, #tpu.memory_space<vmem>> -> memref<1x512x64xf32, #tpu.memory_space<vmem>>
    %dma_wait3A_429 = tpu.memref_squeeze %dma_wait3A_428 : memref<1x512x64xf32, #tpu.memory_space<vmem>> -> memref<512x64xf32, #tpu.memory_space<vmem>>
    %dma_wait3A_430 = arith.constant 0 : i32
    %dma_wait3A_431 = tpu.memref_slice %arg6[%add3A_424, %dma_wait3A_430] : memref<819200x64xf32, #tpu.memory_space<hbm>> -> memref<512x64xf32, #tpu.memory_space<hbm>>
    %dma_wait3A_432 = arith.constant 0 : i32
    %dma_wait3A_433 = tpu.memref_slice %arg6[%add3A_424, %dma_wait3A_432] : memref<819200x64xf32, #tpu.memory_space<hbm>> -> memref<512x64xf32, #tpu.memory_space<hbm>>
    %dma_wait3A_434 = arith.constant 0 : i32
    %dma_wait3A_435 = arith.constant 0 : i32
    %dma_wait3A_436 = tpu.memref_slice %arg9[%dma_wait3A_425, %dma_wait3A_434, %dma_wait3A_435] : memref<3x512x64xf32, #tpu.memory_space<vmem>> -> memref<1x512x64xf32, #tpu.memory_space<vmem>>
    %dma_wait3A_437 = tpu.memref_squeeze %dma_wait3A_436 : memref<1x512x64xf32, #tpu.memory_space<vmem>> -> memref<512x64xf32, #tpu.memory_space<vmem>>
    tpu.wait_dma2 semaphore(%arg17 : memref<!tpu.dma_semaphore, #tpu.memory_space<semaphore_mem>>) src(%dma_wait3A_437 : memref<512x64xf32, #tpu.memory_space<vmem>>) dst(%dma_wait3A_433 : memref<512x64xf32, #tpu.memory_space<hbm>>)
    %add3A_438 = arith.constant 25088 : i32
    %add3A_439 = arith.addi %mul3A_2, %add3A_438 : i32
    %dma_wait3A_440 = arith.constant 1 : i32
    %dma_wait3A_441 = arith.constant 0 : i32
    %dma_wait3A_442 = tpu.memref_slice %arg7[%dma_wait3A_440, %dma_wait3A_441] : memref<3x512xi32, #tpu.memory_space<vmem>> -> memref<1x512xi32, #tpu.memory_space<vmem>>
    %dma_wait3A_443 = tpu.memref_squeeze %dma_wait3A_442 : memref<1x512xi32, #tpu.memory_space<vmem>> -> memref<512xi32, #tpu.memory_space<vmem>>
    %dma_wait3A_444 = tpu.memref_slice %arg3[%add3A_439] : memref<819200xi32, #tpu.memory_space<hbm>> -> memref<512xi32, #tpu.memory_space<hbm>>
    %dma_wait3A_445 = arith.constant 0 : i32
    %dma_wait3A_446 = tpu.memref_slice %arg7[%dma_wait3A_440, %dma_wait3A_445] : memref<3x512xi32, #tpu.memory_space<vmem>> -> memref<1x512xi32, #tpu.memory_space<vmem>>
    %dma_wait3A_447 = tpu.memref_squeeze %dma_wait3A_446 : memref<1x512xi32, #tpu.memory_space<vmem>> -> memref<512xi32, #tpu.memory_space<vmem>>
    %dma_wait3A_448 = tpu.memref_slice %arg3[%add3A_439] : memref<819200xi32, #tpu.memory_space<hbm>> -> memref<512xi32, #tpu.memory_space<hbm>>
    tpu.wait_dma2 semaphore(%arg11 : memref<!tpu.dma_semaphore, #tpu.memory_space<semaphore_mem>>) src(%dma_wait3A_448 : memref<512xi32, #tpu.memory_space<hbm>>) dst(%dma_wait3A_447 : memref<512xi32, #tpu.memory_space<vmem>>)
    %dma_wait3A_449 = arith.constant 1 : i32
    %dma_wait3A_450 = arith.constant 0 : i32
    %dma_wait3A_451 = tpu.memref_slice %arg8[%dma_wait3A_449, %dma_wait3A_450] : memref<3x512xi32, #tpu.memory_space<vmem>> -> memref<1x512xi32, #tpu.memory_space<vmem>>
    %dma_wait3A_452 = tpu.memref_squeeze %dma_wait3A_451 : memref<1x512xi32, #tpu.memory_space<vmem>> -> memref<512xi32, #tpu.memory_space<vmem>>
    %dma_wait3A_453 = tpu.memref_slice %arg4[%add3A_439] : memref<819200xi32, #tpu.memory_space<hbm>> -> memref<512xi32, #tpu.memory_space<hbm>>
    %dma_wait3A_454 = arith.constant 0 : i32
    %dma_wait3A_455 = tpu.memref_slice %arg8[%dma_wait3A_449, %dma_wait3A_454] : memref<3x512xi32, #tpu.memory_space<vmem>> -> memref<1x512xi32, #tpu.memory_space<vmem>>
    %dma_wait3A_456 = tpu.memref_squeeze %dma_wait3A_455 : memref<1x512xi32, #tpu.memory_space<vmem>> -> memref<512xi32, #tpu.memory_space<vmem>>
    %dma_wait3A_457 = tpu.memref_slice %arg4[%add3A_439] : memref<819200xi32, #tpu.memory_space<hbm>> -> memref<512xi32, #tpu.memory_space<hbm>>
    tpu.wait_dma2 semaphore(%arg11 : memref<!tpu.dma_semaphore, #tpu.memory_space<semaphore_mem>>) src(%dma_wait3A_457 : memref<512xi32, #tpu.memory_space<hbm>>) dst(%dma_wait3A_456 : memref<512xi32, #tpu.memory_space<vmem>>)
    %dma_start3A_458 = arith.constant 1 : i32
    %dma_start3A_459 = arith.constant 1 : i32
    %dma_start3A_460 = arith.constant 0 : i32
    %dma_start3A_461 = arith.constant 0 : i32
    %dma_start3A_462 = tpu.memref_slice %arg9[%dma_start3A_459, %dma_start3A_460, %dma_start3A_461] : memref<3x512x64xf32, #tpu.memory_space<vmem>> -> memref<1x512x64xf32, #tpu.memory_space<vmem>>
    %dma_start3A_463 = tpu.memref_squeeze %dma_start3A_462 : memref<1x512x64xf32, #tpu.memory_space<vmem>> -> memref<512x64xf32, #tpu.memory_space<vmem>>
    %dma_start3A_464 = arith.constant 0 : i32
    %dma_start3A_465 = tpu.memref_slice %arg8[%dma_start3A_458, %dma_start3A_464] : memref<3x512xi32, #tpu.memory_space<vmem>> -> memref<1x512xi32, #tpu.memory_space<vmem>>
    %dma_start3A_466 = tpu.memref_squeeze %dma_start3A_465 : memref<1x512xi32, #tpu.memory_space<vmem>> -> memref<512xi32, #tpu.memory_space<vmem>>
    %dma_start3A_467 = arith.constant 0 : i32
    %dma_start3A_468 = arith.constant 0 : i32
    %dma_start3A_469 = tpu.memref_slice %arg5[%dma_start3A_467, %dma_start3A_468] : memref<400x64xf32, #tpu.memory_space<hbm>> -> memref<400x64xf32, #tpu.memory_space<hbm>>
    tpu.enqueue_indirect_dma source(%dma_start3A_469 : memref<400x64xf32, #tpu.memory_space<hbm>>) target(%dma_start3A_463 : memref<512x64xf32, #tpu.memory_space<vmem>>) offsets(%dma_start3A_466 : memref<512xi32, #tpu.memory_space<vmem>>) semaphore(%arg14 : memref<!tpu.dma_semaphore, #tpu.memory_space<semaphore_mem>>)
    %dma_wait3A_470 = arith.constant 0 : i32
    %dma_wait3A_471 = arith.constant 0 : i32
    %dma_wait3A_472 = arith.constant 0 : i32
    %dma_wait3A_473 = arith.constant 0 : i32
    %dma_wait3A_474 = tpu.memref_slice %arg9[%dma_wait3A_471, %dma_wait3A_472, %dma_wait3A_473] : memref<3x512x64xf32, #tpu.memory_space<vmem>> -> memref<1x512x64xf32, #tpu.memory_space<vmem>>
    %dma_wait3A_475 = tpu.memref_squeeze %dma_wait3A_474 : memref<1x512x64xf32, #tpu.memory_space<vmem>> -> memref<512x64xf32, #tpu.memory_space<vmem>>
    %dma_wait3A_476 = arith.constant 0 : i32
    %dma_wait3A_477 = tpu.memref_slice %arg8[%dma_wait3A_470, %dma_wait3A_476] : memref<3x512xi32, #tpu.memory_space<vmem>> -> memref<1x512xi32, #tpu.memory_space<vmem>>
    %dma_wait3A_478 = tpu.memref_squeeze %dma_wait3A_477 : memref<1x512xi32, #tpu.memory_space<vmem>> -> memref<512xi32, #tpu.memory_space<vmem>>
    %dma_wait3A_479 = arith.constant 0 : i32
    %dma_wait3A_480 = arith.constant 0 : i32
    %dma_wait3A_481 = tpu.memref_slice %arg5[%dma_wait3A_479, %dma_wait3A_480] : memref<400x64xf32, #tpu.memory_space<hbm>> -> memref<400x64xf32, #tpu.memory_space<hbm>>
    tpu.wait_indirect_dma semaphore(%arg13 : memref<!tpu.dma_semaphore, #tpu.memory_space<semaphore_mem>>) src(%dma_wait3A_481 : memref<400x64xf32, #tpu.memory_space<hbm>>) dst(%dma_wait3A_475 : memref<512x64xf32, #tpu.memory_space<vmem>>)
    %dma_start3A_482 = arith.constant 0 : i32
    %dma_start3A_483 = arith.constant 0 : i32
    %dma_start3A_484 = arith.constant 0 : i32
    %dma_start3A_485 = arith.constant 0 : i32
    %dma_start3A_486 = tpu.memref_slice %arg9[%dma_start3A_483, %dma_start3A_484, %dma_start3A_485] : memref<3x512x64xf32, #tpu.memory_space<vmem>> -> memref<1x512x64xf32, #tpu.memory_space<vmem>>
    %dma_start3A_487 = tpu.memref_squeeze %dma_start3A_486 : memref<1x512x64xf32, #tpu.memory_space<vmem>> -> memref<512x64xf32, #tpu.memory_space<vmem>>
    %dma_start3A_488 = arith.constant 0 : i32
    %dma_start3A_489 = tpu.memref_slice %arg7[%dma_start3A_482, %dma_start3A_488] : memref<3x512xi32, #tpu.memory_space<vmem>> -> memref<1x512xi32, #tpu.memory_space<vmem>>
    %dma_start3A_490 = tpu.memref_squeeze %dma_start3A_489 : memref<1x512xi32, #tpu.memory_space<vmem>> -> memref<512xi32, #tpu.memory_space<vmem>>
    %dma_start3A_491 = arith.constant 0 : i32
    %dma_start3A_492 = arith.constant 0 : i32
    %dma_start3A_493 = tpu.memref_slice %arg2[%dma_start3A_491, %dma_start3A_492] : memref<1000000x64xf32, #tpu.memory_space<hbm>> -> memref<1000000x64xf32, #tpu.memory_space<hbm>>
    tpu.enqueue_indirect_dma source(%dma_start3A_493 : memref<1000000x64xf32, #tpu.memory_space<hbm>>) target(%dma_start3A_487 : memref<512x64xf32, #tpu.memory_space<vmem>>) offsets(%dma_start3A_490 : memref<512xi32, #tpu.memory_space<vmem>>) semaphore(%arg13 : memref<!tpu.dma_semaphore, #tpu.memory_space<semaphore_mem>>) {add = true}
    %dma_wait3A_494 = arith.constant 0 : i32
    %dma_wait3A_495 = arith.constant 0 : i32
    %dma_wait3A_496 = arith.constant 0 : i32
    %dma_wait3A_497 = arith.constant 0 : i32
    %dma_wait3A_498 = tpu.memref_slice %arg9[%dma_wait3A_495, %dma_wait3A_496, %dma_wait3A_497] : memref<3x512x64xf32, #tpu.memory_space<vmem>> -> memref<1x512x64xf32, #tpu.memory_space<vmem>>
    %dma_wait3A_499 = tpu.memref_squeeze %dma_wait3A_498 : memref<1x512x64xf32, #tpu.memory_space<vmem>> -> memref<512x64xf32, #tpu.memory_space<vmem>>
    %dma_wait3A_500 = arith.constant 0 : i32
    %dma_wait3A_501 = tpu.memref_slice %arg7[%dma_wait3A_494, %dma_wait3A_500] : memref<3x512xi32, #tpu.memory_space<vmem>> -> memref<1x512xi32, #tpu.memory_space<vmem>>
    %dma_wait3A_502 = tpu.memref_squeeze %dma_wait3A_501 : memref<1x512xi32, #tpu.memory_space<vmem>> -> memref<512xi32, #tpu.memory_space<vmem>>
    %dma_wait3A_503 = arith.constant 0 : i32
    %dma_wait3A_504 = arith.constant 0 : i32
    %dma_wait3A_505 = tpu.memref_slice %arg2[%dma_wait3A_503, %dma_wait3A_504] : memref<1000000x64xf32, #tpu.memory_space<hbm>> -> memref<1000000x64xf32, #tpu.memory_space<hbm>>
    tpu.wait_indirect_dma semaphore(%arg13 : memref<!tpu.dma_semaphore, #tpu.memory_space<semaphore_mem>>) src(%dma_wait3A_505 : memref<1000000x64xf32, #tpu.memory_space<hbm>>) dst(%dma_wait3A_499 : memref<512x64xf32, #tpu.memory_space<vmem>>)
    %scan3A_506 = arith.constant 0 : i32
    %scan3A_507 = arith.constant 0 : i32
    %scan3A_508 = arith.constant 0 : i32
    %scan3A_509 = arith.constant 512 : i32
    %scan3A_510 = arith.addi %scan3A_508, %scan3A_509 : i32
    %scan3A_511 = arith.constant 2 : i32
    scf.for %scan3A_631 = %scan3A_508 to %scan3A_510 step %scan3A_511  : i32 {
      %get3A = arith.constant 0 : i32
      %get3A_632 = arith.constant 0 : i32
      %get3A_633 = tpu.memref_slice %arg9[%scan3A_507, %get3A, %get3A_632] : memref<3x512x64xf32, #tpu.memory_space<vmem>> -> memref<1x512x64xf32, #tpu.memory_space<vmem>>
      %get3A_634 = tpu.memref_squeeze %get3A_633 : memref<1x512x64xf32, #tpu.memory_space<vmem>> -> memref<512x64xf32, #tpu.memory_space<vmem>>
      %get3A_635 = arith.index_cast %scan3A_631 : i32 to index
      %get3A_636 = arith.constant 0 : index
      %get3A_637 = tpu.vector_load %get3A_634[%get3A_635, %get3A_636] {strides = array<i32>} : memref<512x64xf32, #tpu.memory_space<vmem>>, vector<1x16xf32>,
      %get3A_638 = vector.shape_cast %get3A_637 : vector<1x16xf32> to vector<16xf32>
      %mul3A_639 = arith.constant 8.000000e+00 : f32
      %mul3A_640 = vector.broadcast %mul3A_639 : f32 to vector<16xf32>
      %mul3A_641 = arith.mulf %get3A_638, %mul3A_640 : vector<16xf32>
      %swap3A = arith.constant 0 : i32
      %swap3A_642 = arith.constant 0 : i32
      %swap3A_643 = tpu.memref_slice %arg9[%scan3A_507, %swap3A, %swap3A_642] : memref<3x512x64xf32, #tpu.memory_space<vmem>> -> memref<1x512x64xf32, #tpu.memory_space<vmem>>
      %swap3A_644 = tpu.memref_squeeze %swap3A_643 : memref<1x512x64xf32, #tpu.memory_space<vmem>> -> memref<512x64xf32, #tpu.memory_space<vmem>>
      %swap3A_645 = arith.index_cast %scan3A_631 : i32 to index
      %swap3A_646 = arith.constant 0 : index
      %swap3A_647 = tpu.vector_load %swap3A_644[%swap3A_645, %swap3A_646] {strides = array<i32>} : memref<512x64xf32, #tpu.memory_space<vmem>>, vector<1x16xf32>,
      %swap3A_648 = vector.shape_cast %swap3A_647 : vector<1x16xf32> to vector<16xf32>
      %swap3A_649 = vector.shape_cast %mul3A_641 : vector<16xf32> to vector<1x16xf32>
      tpu.vector_store %swap3A_644[%swap3A_645, %swap3A_646], %swap3A_649 {strides = array<i32>} : memref<512x64xf32, #tpu.memory_space<vmem>>, vector<1x16xf32>,
      %get3A_650 = arith.constant 0 : i32
      %get3A_651 = arith.constant 0 : i32
      %get3A_652 = tpu.memref_slice %arg9[%scan3A_507, %get3A_650, %get3A_651] : memref<3x512x64xf32, #tpu.memory_space<vmem>> -> memref<1x512x64xf32, #tpu.memory_space<vmem>>
      %get3A_653 = tpu.memref_squeeze %get3A_652 : memref<1x512x64xf32, #tpu.memory_space<vmem>> -> memref<512x64xf32, #tpu.memory_space<vmem>>
      %get3A_654 = arith.index_cast %scan3A_631 : i32 to index
      %get3A_655 = arith.constant 16 : index
      %get3A_656 = tpu.vector_load %get3A_653[%get3A_654, %get3A_655] {strides = array<i32>} : memref<512x64xf32, #tpu.memory_space<vmem>>, vector<1x16xf32>,
      %get3A_657 = vector.shape_cast %get3A_656 : vector<1x16xf32> to vector<16xf32>
      %mul3A_658 = arith.constant 8.000000e+00 : f32
      %mul3A_659 = vector.broadcast %mul3A_658 : f32 to vector<16xf32>
      %mul3A_660 = arith.mulf %get3A_657, %mul3A_659 : vector<16xf32>
      %swap3A_661 = arith.constant 0 : i32
      %swap3A_662 = arith.constant 0 : i32
      %swap3A_663 = tpu.memref_slice %arg9[%scan3A_507, %swap3A_661, %swap3A_662] : memref<3x512x64xf32, #tpu.memory_space<vmem>> -> memref<1x512x64xf32, #tpu.memory_space<vmem>>
      %swap3A_664 = tpu.memref_squeeze %swap3A_663 : memref<1x512x64xf32, #tpu.memory_space<vmem>> -> memref<512x64xf32, #tpu.memory_space<vmem>>
      %swap3A_665 = arith.index_cast %scan3A_631 : i32 to index
      %swap3A_666 = arith.constant 16 : index
      %swap3A_667 = tpu.vector_load %swap3A_664[%swap3A_665, %swap3A_666] {strides = array<i32>} : memref<512x64xf32, #tpu.memory_space<vmem>>, vector<1x16xf32>,
      %swap3A_668 = vector.shape_cast %swap3A_667 : vector<1x16xf32> to vector<16xf32>
      %swap3A_669 = vector.shape_cast %mul3A_660 : vector<16xf32> to vector<1x16xf32>
      tpu.vector_store %swap3A_664[%swap3A_665, %swap3A_666], %swap3A_669 {strides = array<i32>} : memref<512x64xf32, #tpu.memory_space<vmem>>, vector<1x16xf32>,
      %get3A_670 = arith.constant 0 : i32
      %get3A_671 = arith.constant 0 : i32
      %get3A_672 = tpu.memref_slice %arg9[%scan3A_507, %get3A_670, %get3A_671] : memref<3x512x64xf32, #tpu.memory_space<vmem>> -> memref<1x512x64xf32, #tpu.memory_space<vmem>>
      %get3A_673 = tpu.memref_squeeze %get3A_672 : memref<1x512x64xf32, #tpu.memory_space<vmem>> -> memref<512x64xf32, #tpu.memory_space<vmem>>
      %get3A_674 = arith.index_cast %scan3A_631 : i32 to index
      %get3A_675 = arith.constant 32 : index
      %get3A_676 = tpu.vector_load %get3A_673[%get3A_674, %get3A_675] {strides = array<i32>} : memref<512x64xf32, #tpu.memory_space<vmem>>, vector<1x16xf32>,
      %get3A_677 = vector.shape_cast %get3A_676 : vector<1x16xf32> to vector<16xf32>
      %mul3A_678 = arith.constant 8.000000e+00 : f32
      %mul3A_679 = vector.broadcast %mul3A_678 : f32 to vector<16xf32>
      %mul3A_680 = arith.mulf %get3A_677, %mul3A_679 : vector<16xf32>
      %swap3A_681 = arith.constant 0 : i32
      %swap3A_682 = arith.constant 0 : i32
      %swap3A_683 = tpu.memref_slice %arg9[%scan3A_507, %swap3A_681, %swap3A_682] : memref<3x512x64xf32, #tpu.memory_space<vmem>> -> memref<1x512x64xf32, #tpu.memory_space<vmem>>
      %swap3A_684 = tpu.memref_squeeze %swap3A_683 : memref<1x512x64xf32, #tpu.memory_space<vmem>> -> memref<512x64xf32, #tpu.memory_space<vmem>>
      %swap3A_685 = arith.index_cast %scan3A_631 : i32 to index
      %swap3A_686 = arith.constant 32 : index
      %swap3A_687 = tpu.vector_load %swap3A_684[%swap3A_685, %swap3A_686] {strides = array<i32>} : memref<512x64xf32, #tpu.memory_space<vmem>>, vector<1x16xf32>,
      %swap3A_688 = vector.shape_cast %swap3A_687 : vector<1x16xf32> to vector<16xf32>
      %swap3A_689 = vector.shape_cast %mul3A_680 : vector<16xf32> to vector<1x16xf32>
      tpu.vector_store %swap3A_684[%swap3A_685, %swap3A_686], %swap3A_689 {strides = array<i32>} : memref<512x64xf32, #tpu.memory_space<vmem>>, vector<1x16xf32>,
      %get3A_690 = arith.constant 0 : i32
      %get3A_691 = arith.constant 0 : i32
      %get3A_692 = tpu.memref_slice %arg9[%scan3A_507, %get3A_690, %get3A_691] : memref<3x512x64xf32, #tpu.memory_space<vmem>> -> memref<1x512x64xf32, #tpu.memory_space<vmem>>
      %get3A_693 = tpu.memref_squeeze %get3A_692 : memref<1x512x64xf32, #tpu.memory_space<vmem>> -> memref<512x64xf32, #tpu.memory_space<vmem>>
      %get3A_694 = arith.index_cast %scan3A_631 : i32 to index
      %get3A_695 = arith.constant 48 : index
      %get3A_696 = tpu.vector_load %get3A_693[%get3A_694, %get3A_695] {strides = array<i32>} : memref<512x64xf32, #tpu.memory_space<vmem>>, vector<1x16xf32>,
      %get3A_697 = vector.shape_cast %get3A_696 : vector<1x16xf32> to vector<16xf32>
      %mul3A_698 = arith.constant 8.000000e+00 : f32
      %mul3A_699 = vector.broadcast %mul3A_698 : f32 to vector<16xf32>
      %mul3A_700 = arith.mulf %get3A_697, %mul3A_699 : vector<16xf32>
      %swap3A_701 = arith.constant 0 : i32
      %swap3A_702 = arith.constant 0 : i32
      %swap3A_703 = tpu.memref_slice %arg9[%scan3A_507, %swap3A_701, %swap3A_702] : memref<3x512x64xf32, #tpu.memory_space<vmem>> -> memref<1x512x64xf32, #tpu.memory_space<vmem>>
      %swap3A_704 = tpu.memref_squeeze %swap3A_703 : memref<1x512x64xf32, #tpu.memory_space<vmem>> -> memref<512x64xf32, #tpu.memory_space<vmem>>
      %swap3A_705 = arith.index_cast %scan3A_631 : i32 to index
      %swap3A_706 = arith.constant 48 : index
      %swap3A_707 = tpu.vector_load %swap3A_704[%swap3A_705, %swap3A_706] {strides = array<i32>} : memref<512x64xf32, #tpu.memory_space<vmem>>, vector<1x16xf32>,
      %swap3A_708 = vector.shape_cast %swap3A_707 : vector<1x16xf32> to vector<16xf32>
      %swap3A_709 = vector.shape_cast %mul3A_700 : vector<16xf32> to vector<1x16xf32>
      tpu.vector_store %swap3A_704[%swap3A_705, %swap3A_706], %swap3A_709 {strides = array<i32>} : memref<512x64xf32, #tpu.memory_space<vmem>>, vector<1x16xf32>,
      %scan3A_710 = arith.constant 1 : i32
      %scan3A_711 = arith.addi %scan3A_631, %scan3A_710 : i32
      %get3A_712 = arith.constant 0 : i32
      %get3A_713 = arith.constant 0 : i32
      %get3A_714 = tpu.memref_slice %arg9[%scan3A_507, %get3A_712, %get3A_713] : memref<3x512x64xf32, #tpu.memory_space<vmem>> -> memref<1x512x64xf32, #tpu.memory_space<vmem>>
      %get3A_715 = tpu.memref_squeeze %get3A_714 : memref<1x512x64xf32, #tpu.memory_space<vmem>> -> memref<512x64xf32, #tpu.memory_space<vmem>>
      %get3A_716 = arith.index_cast %scan3A_711 : i32 to index
      %get3A_717 = arith.constant 0 : index
      %get3A_718 = tpu.vector_load %get3A_715[%get3A_716, %get3A_717] {strides = array<i32>} : memref<512x64xf32, #tpu.memory_space<vmem>>, vector<1x16xf32>,
      %get3A_719 = vector.shape_cast %get3A_718 : vector<1x16xf32> to vector<16xf32>
      %mul3A_720 = arith.constant 8.000000e+00 : f32
      %mul3A_721 = vector.broadcast %mul3A_720 : f32 to vector<16xf32>
      %mul3A_722 = arith.mulf %get3A_719, %mul3A_721 : vector<16xf32>
      %swap3A_723 = arith.constant 0 : i32
      %swap3A_724 = arith.constant 0 : i32
      %swap3A_725 = tpu.memref_slice %arg9[%scan3A_507, %swap3A_723, %swap3A_724] : memref<3x512x64xf32, #tpu.memory_space<vmem>> -> memref<1x512x64xf32, #tpu.memory_space<vmem>>
      %swap3A_726 = tpu.memref_squeeze %swap3A_725 : memref<1x512x64xf32, #tpu.memory_space<vmem>> -> memref<512x64xf32, #tpu.memory_space<vmem>>
      %swap3A_727 = arith.index_cast %scan3A_711 : i32 to index
      %swap3A_728 = arith.constant 0 : index
      %swap3A_729 = tpu.vector_load %swap3A_726[%swap3A_727, %swap3A_728] {strides = array<i32>} : memref<512x64xf32, #tpu.memory_space<vmem>>, vector<1x16xf32>,
      %swap3A_730 = vector.shape_cast %swap3A_729 : vector<1x16xf32> to vector<16xf32>
      %swap3A_731 = vector.shape_cast %mul3A_722 : vector<16xf32> to vector<1x16xf32>
      tpu.vector_store %swap3A_726[%swap3A_727, %swap3A_728], %swap3A_731 {strides = array<i32>} : memref<512x64xf32, #tpu.memory_space<vmem>>, vector<1x16xf32>,
      %get3A_732 = arith.constant 0 : i32
      %get3A_733 = arith.constant 0 : i32
      %get3A_734 = tpu.memref_slice %arg9[%scan3A_507, %get3A_732, %get3A_733] : memref<3x512x64xf32, #tpu.memory_space<vmem>> -> memref<1x512x64xf32, #tpu.memory_space<vmem>>
      %get3A_735 = tpu.memref_squeeze %get3A_734 : memref<1x512x64xf32, #tpu.memory_space<vmem>> -> memref<512x64xf32, #tpu.memory_space<vmem>>
      %get3A_736 = arith.index_cast %scan3A_711 : i32 to index
      %get3A_737 = arith.constant 16 : index
      %get3A_738 = tpu.vector_load %get3A_735[%get3A_736, %get3A_737] {strides = array<i32>} : memref<512x64xf32, #tpu.memory_space<vmem>>, vector<1x16xf32>,
      %get3A_739 = vector.shape_cast %get3A_738 : vector<1x16xf32> to vector<16xf32>
      %mul3A_740 = arith.constant 8.000000e+00 : f32
      %mul3A_741 = vector.broadcast %mul3A_740 : f32 to vector<16xf32>
      %mul3A_742 = arith.mulf %get3A_739, %mul3A_741 : vector<16xf32>
      %swap3A_743 = arith.constant 0 : i32
      %swap3A_744 = arith.constant 0 : i32
      %swap3A_745 = tpu.memref_slice %arg9[%scan3A_507, %swap3A_743, %swap3A_744] : memref<3x512x64xf32, #tpu.memory_space<vmem>> -> memref<1x512x64xf32, #tpu.memory_space<vmem>>
      %swap3A_746 = tpu.memref_squeeze %swap3A_745 : memref<1x512x64xf32, #tpu.memory_space<vmem>> -> memref<512x64xf32, #tpu.memory_space<vmem>>
      %swap3A_747 = arith.index_cast %scan3A_711 : i32 to index
      %swap3A_748 = arith.constant 16 : index
      %swap3A_749 = tpu.vector_load %swap3A_746[%swap3A_747, %swap3A_748] {strides = array<i32>} : memref<512x64xf32, #tpu.memory_space<vmem>>, vector<1x16xf32>,
      %swap3A_750 = vector.shape_cast %swap3A_749 : vector<1x16xf32> to vector<16xf32>
      %swap3A_751 = vector.shape_cast %mul3A_742 : vector<16xf32> to vector<1x16xf32>
      tpu.vector_store %swap3A_746[%swap3A_747, %swap3A_748], %swap3A_751 {strides = array<i32>} : memref<512x64xf32, #tpu.memory_space<vmem>>, vector<1x16xf32>,
      %get3A_752 = arith.constant 0 : i32
      %get3A_753 = arith.constant 0 : i32
      %get3A_754 = tpu.memref_slice %arg9[%scan3A_507, %get3A_752, %get3A_753] : memref<3x512x64xf32, #tpu.memory_space<vmem>> -> memref<1x512x64xf32, #tpu.memory_space<vmem>>
      %get3A_755 = tpu.memref_squeeze %get3A_754 : memref<1x512x64xf32, #tpu.memory_space<vmem>> -> memref<512x64xf32, #tpu.memory_space<vmem>>
      %get3A_756 = arith.index_cast %scan3A_711 : i32 to index
      %get3A_757 = arith.constant 32 : index
      %get3A_758 = tpu.vector_load %get3A_755[%get3A_756, %get3A_757] {strides = array<i32>} : memref<512x64xf32, #tpu.memory_space<vmem>>, vector<1x16xf32>,
      %get3A_759 = vector.shape_cast %get3A_758 : vector<1x16xf32> to vector<16xf32>
      %mul3A_760 = arith.constant 8.000000e+00 : f32
      %mul3A_761 = vector.broadcast %mul3A_760 : f32 to vector<16xf32>
      %mul3A_762 = arith.mulf %get3A_759, %mul3A_761 : vector<16xf32>
      %swap3A_763 = arith.constant 0 : i32
      %swap3A_764 = arith.constant 0 : i32
      %swap3A_765 = tpu.memref_slice %arg9[%scan3A_507, %swap3A_763, %swap3A_764] : memref<3x512x64xf32, #tpu.memory_space<vmem>> -> memref<1x512x64xf32, #tpu.memory_space<vmem>>
      %swap3A_766 = tpu.memref_squeeze %swap3A_765 : memref<1x512x64xf32, #tpu.memory_space<vmem>> -> memref<512x64xf32, #tpu.memory_space<vmem>>
      %swap3A_767 = arith.index_cast %scan3A_711 : i32 to index
      %swap3A_768 = arith.constant 32 : index
      %swap3A_769 = tpu.vector_load %swap3A_766[%swap3A_767, %swap3A_768] {strides = array<i32>} : memref<512x64xf32, #tpu.memory_space<vmem>>, vector<1x16xf32>,
      %swap3A_770 = vector.shape_cast %swap3A_769 : vector<1x16xf32> to vector<16xf32>
      %swap3A_771 = vector.shape_cast %mul3A_762 : vector<16xf32> to vector<1x16xf32>
      tpu.vector_store %swap3A_766[%swap3A_767, %swap3A_768], %swap3A_771 {strides = array<i32>} : memref<512x64xf32, #tpu.memory_space<vmem>>, vector<1x16xf32>,
      %get3A_772 = arith.constant 0 : i32
      %get3A_773 = arith.constant 0 : i32
      %get3A_774 = tpu.memref_slice %arg9[%scan3A_507, %get3A_772, %get3A_773] : memref<3x512x64xf32, #tpu.memory_space<vmem>> -> memref<1x512x64xf32, #tpu.memory_space<vmem>>
      %get3A_775 = tpu.memref_squeeze %get3A_774 : memref<1x512x64xf32, #tpu.memory_space<vmem>> -> memref<512x64xf32, #tpu.memory_space<vmem>>
      %get3A_776 = arith.index_cast %scan3A_711 : i32 to index
      %get3A_777 = arith.constant 48 : index
      %get3A_778 = tpu.vector_load %get3A_775[%get3A_776, %get3A_777] {strides = array<i32>} : memref<512x64xf32, #tpu.memory_space<vmem>>, vector<1x16xf32>,
      %get3A_779 = vector.shape_cast %get3A_778 : vector<1x16xf32> to vector<16xf32>
      %mul3A_780 = arith.constant 8.000000e+00 : f32
      %mul3A_781 = vector.broadcast %mul3A_780 : f32 to vector<16xf32>
      %mul3A_782 = arith.mulf %get3A_779, %mul3A_781 : vector<16xf32>
      %swap3A_783 = arith.constant 0 : i32
      %swap3A_784 = arith.constant 0 : i32
      %swap3A_785 = tpu.memref_slice %arg9[%scan3A_507, %swap3A_783, %swap3A_784] : memref<3x512x64xf32, #tpu.memory_space<vmem>> -> memref<1x512x64xf32, #tpu.memory_space<vmem>>
      %swap3A_786 = tpu.memref_squeeze %swap3A_785 : memref<1x512x64xf32, #tpu.memory_space<vmem>> -> memref<512x64xf32, #tpu.memory_space<vmem>>
      %swap3A_787 = arith.index_cast %scan3A_711 : i32 to index
      %swap3A_788 = arith.constant 48 : index
      %swap3A_789 = tpu.vector_load %swap3A_786[%swap3A_787, %swap3A_788] {strides = array<i32>} : memref<512x64xf32, #tpu.memory_space<vmem>>, vector<1x16xf32>,
      %swap3A_790 = vector.shape_cast %swap3A_789 : vector<1x16xf32> to vector<16xf32>
      %swap3A_791 = vector.shape_cast %mul3A_782 : vector<16xf32> to vector<1x16xf32>
      tpu.vector_store %swap3A_786[%swap3A_787, %swap3A_788], %swap3A_791 {strides = array<i32>} : memref<512x64xf32, #tpu.memory_space<vmem>>, vector<1x16xf32>,
    }
    %scan3A_512 = arith.constant 512 : i32
    %add3A_513 = arith.constant 24576 : i32
    %add3A_514 = arith.addi %mul3A_2, %add3A_513 : i32
    %dma_start3A_515 = arith.constant 0 : i32
    %dma_start3A_516 = arith.constant 0 : i32
    %dma_start3A_517 = arith.constant 0 : i32
    %dma_start3A_518 = tpu.memref_slice %arg9[%dma_start3A_515, %dma_start3A_516, %dma_start3A_517] : memref<3x512x64xf32, #tpu.memory_space<vmem>> -> memref<1x512x64xf32, #tpu.memory_space<vmem>>
    %dma_start3A_519 = tpu.memref_squeeze %dma_start3A_518 : memref<1x512x64xf32, #tpu.memory_space<vmem>> -> memref<512x64xf32, #tpu.memory_space<vmem>>
    %dma_start3A_520 = arith.constant 0 : i32
    %dma_start3A_521 = tpu.memref_slice %arg6[%add3A_514, %dma_start3A_520] : memref<819200x64xf32, #tpu.memory_space<hbm>> -> memref<512x64xf32, #tpu.memory_space<hbm>>
    %dma_start3A_522 = arith.constant 0 : i32
    %dma_start3A_523 = tpu.memref_slice %arg6[%add3A_514, %dma_start3A_522] : memref<819200x64xf32, #tpu.memory_space<hbm>> -> memref<512x64xf32, #tpu.memory_space<hbm>>
    %dma_start3A_524 = arith.constant 0 : i32
    %dma_start3A_525 = arith.constant 0 : i32
    %dma_start3A_526 = tpu.memref_slice %arg9[%dma_start3A_515, %dma_start3A_524, %dma_start3A_525] : memref<3x512x64xf32, #tpu.memory_space<vmem>> -> memref<1x512x64xf32, #tpu.memory_space<vmem>>
    %dma_start3A_527 = tpu.memref_squeeze %dma_start3A_526 : memref<1x512x64xf32, #tpu.memory_space<vmem>> -> memref<512x64xf32, #tpu.memory_space<vmem>>
    tpu.enqueue_dma source(%dma_start3A_527 : memref<512x64xf32, #tpu.memory_space<vmem>>) target(%dma_start3A_523 : memref<512x64xf32, #tpu.memory_space<hbm>>) target_semaphore(%arg16 : memref<!tpu.dma_semaphore, #tpu.memory_space<semaphore_mem>>)
    %add3A_528 = arith.constant 24064 : i32
    %add3A_529 = arith.addi %mul3A_2, %add3A_528 : i32
    %dma_wait3A_530 = arith.constant 2 : i32
    %dma_wait3A_531 = arith.constant 0 : i32
    %dma_wait3A_532 = arith.constant 0 : i32
    %dma_wait3A_533 = tpu.memref_slice %arg9[%dma_wait3A_530, %dma_wait3A_531, %dma_wait3A_532] : memref<3x512x64xf32, #tpu.memory_space<vmem>> -> memref<1x512x64xf32, #tpu.memory_space<vmem>>
    %dma_wait3A_534 = tpu.memref_squeeze %dma_wait3A_533 : memref<1x512x64xf32, #tpu.memory_space<vmem>> -> memref<512x64xf32, #tpu.memory_space<vmem>>
    %dma_wait3A_535 = arith.constant 0 : i32
    %dma_wait3A_536 = tpu.memref_slice %arg6[%add3A_529, %dma_wait3A_535] : memref<819200x64xf32, #tpu.memory_space<hbm>> -> memref<512x64xf32, #tpu.memory_space<hbm>>
    %dma_wait3A_537 = arith.constant 0 : i32
    %dma_wait3A_538 = tpu.memref_slice %arg6[%add3A_529, %dma_wait3A_537] : memref<819200x64xf32, #tpu.memory_space<hbm>> -> memref<512x64xf32, #tpu.memory_space<hbm>>
    %dma_wait3A_539 = arith.constant 0 : i32
    %dma_wait3A_540 = arith.constant 0 : i32
    %dma_wait3A_541 = tpu.memref_slice %arg9[%dma_wait3A_530, %dma_wait3A_539, %dma_wait3A_540] : memref<3x512x64xf32, #tpu.memory_space<vmem>> -> memref<1x512x64xf32, #tpu.memory_space<vmem>>
    %dma_wait3A_542 = tpu.memref_squeeze %dma_wait3A_541 : memref<1x512x64xf32, #tpu.memory_space<vmem>> -> memref<512x64xf32, #tpu.memory_space<vmem>>
    tpu.wait_dma2 semaphore(%arg18 : memref<!tpu.dma_semaphore, #tpu.memory_space<semaphore_mem>>) src(%dma_wait3A_542 : memref<512x64xf32, #tpu.memory_space<vmem>>) dst(%dma_wait3A_538 : memref<512x64xf32, #tpu.memory_space<hbm>>)
    %dma_wait3A_543 = arith.constant 1 : i32
    %dma_wait3A_544 = arith.constant 1 : i32
    %dma_wait3A_545 = arith.constant 0 : i32
    %dma_wait3A_546 = arith.constant 0 : i32
    %dma_wait3A_547 = tpu.memref_slice %arg9[%dma_wait3A_544, %dma_wait3A_545, %dma_wait3A_546] : memref<3x512x64xf32, #tpu.memory_space<vmem>> -> memref<1x512x64xf32, #tpu.memory_space<vmem>>
    %dma_wait3A_548 = tpu.memref_squeeze %dma_wait3A_547 : memref<1x512x64xf32, #tpu.memory_space<vmem>> -> memref<512x64xf32, #tpu.memory_space<vmem>>
    %dma_wait3A_549 = arith.constant 0 : i32
    %dma_wait3A_550 = tpu.memref_slice %arg8[%dma_wait3A_543, %dma_wait3A_549] : memref<3x512xi32, #tpu.memory_space<vmem>> -> memref<1x512xi32, #tpu.memory_space<vmem>>
    %dma_wait3A_551 = tpu.memref_squeeze %dma_wait3A_550 : memref<1x512xi32, #tpu.memory_space<vmem>> -> memref<512xi32, #tpu.memory_space<vmem>>
    %dma_wait3A_552 = arith.constant 0 : i32
    %dma_wait3A_553 = arith.constant 0 : i32
    %dma_wait3A_554 = tpu.memref_slice %arg5[%dma_wait3A_552, %dma_wait3A_553] : memref<400x64xf32, #tpu.memory_space<hbm>> -> memref<400x64xf32, #tpu.memory_space<hbm>>
    tpu.wait_indirect_dma semaphore(%arg14 : memref<!tpu.dma_semaphore, #tpu.memory_space<semaphore_mem>>) src(%dma_wait3A_554 : memref<400x64xf32, #tpu.memory_space<hbm>>) dst(%dma_wait3A_548 : memref<512x64xf32, #tpu.memory_space<vmem>>)
    %dma_start3A_555 = arith.constant 1 : i32
    %dma_start3A_556 = arith.constant 1 : i32
    %dma_start3A_557 = arith.constant 0 : i32
    %dma_start3A_558 = arith.constant 0 : i32
    %dma_start3A_559 = tpu.memref_slice %arg9[%dma_start3A_556, %dma_start3A_557, %dma_start3A_558] : memref<3x512x64xf32, #tpu.memory_space<vmem>> -> memref<1x512x64xf32, #tpu.memory_space<vmem>>
    %dma_start3A_560 = tpu.memref_squeeze %dma_start3A_559 : memref<1x512x64xf32, #tpu.memory_space<vmem>> -> memref<512x64xf32, #tpu.memory_space<vmem>>
    %dma_start3A_561 = arith.constant 0 : i32
    %dma_start3A_562 = tpu.memref_slice %arg7[%dma_start3A_555, %dma_start3A_561] : memref<3x512xi32, #tpu.memory_space<vmem>> -> memref<1x512xi32, #tpu.memory_space<vmem>>
    %dma_start3A_563 = tpu.memref_squeeze %dma_start3A_562 : memref<1x512xi32, #tpu.memory_space<vmem>> -> memref<512xi32, #tpu.memory_space<vmem>>
    %dma_start3A_564 = arith.constant 0 : i32
    %dma_start3A_565 = arith.constant 0 : i32
    %dma_start3A_566 = tpu.memref_slice %arg2[%dma_start3A_564, %dma_start3A_565] : memref<1000000x64xf32, #tpu.memory_space<hbm>> -> memref<1000000x64xf32, #tpu.memory_space<hbm>>
    tpu.enqueue_indirect_dma source(%dma_start3A_566 : memref<1000000x64xf32, #tpu.memory_space<hbm>>) target(%dma_start3A_560 : memref<512x64xf32, #tpu.memory_space<vmem>>) offsets(%dma_start3A_563 : memref<512xi32, #tpu.memory_space<vmem>>) semaphore(%arg14 : memref<!tpu.dma_semaphore, #tpu.memory_space<semaphore_mem>>) {add = true}
    %dma_wait3A_567 = arith.constant 1 : i32
    %dma_wait3A_568 = arith.constant 1 : i32
    %dma_wait3A_569 = arith.constant 0 : i32
    %dma_wait3A_570 = arith.constant 0 : i32
    %dma_wait3A_571 = tpu.memref_slice %arg9[%dma_wait3A_568, %dma_wait3A_569, %dma_wait3A_570] : memref<3x512x64xf32, #tpu.memory_space<vmem>> -> memref<1x512x64xf32, #tpu.memory_space<vmem>>
    %dma_wait3A_572 = tpu.memref_squeeze %dma_wait3A_571 : memref<1x512x64xf32, #tpu.memory_space<vmem>> -> memref<512x64xf32, #tpu.memory_space<vmem>>
    %dma_wait3A_573 = arith.constant 0 : i32
    %dma_wait3A_574 = tpu.memref_slice %arg7[%dma_wait3A_567, %dma_wait3A_573] : memref<3x512xi32, #tpu.memory_space<vmem>> -> memref<1x512xi32, #tpu.memory_space<vmem>>
    %dma_wait3A_575 = tpu.memref_squeeze %dma_wait3A_574 : memref<1x512xi32, #tpu.memory_space<vmem>> -> memref<512xi32, #tpu.memory_space<vmem>>
    %dma_wait3A_576 = arith.constant 0 : i32
    %dma_wait3A_577 = arith.constant 0 : i32
    %dma_wait3A_578 = tpu.memref_slice %arg2[%dma_wait3A_576, %dma_wait3A_577] : memref<1000000x64xf32, #tpu.memory_space<hbm>> -> memref<1000000x64xf32, #tpu.memory_space<hbm>>
    tpu.wait_indirect_dma semaphore(%arg14 : memref<!tpu.dma_semaphore, #tpu.memory_space<semaphore_mem>>) src(%dma_wait3A_578 : memref<1000000x64xf32, #tpu.memory_space<hbm>>) dst(%dma_wait3A_572 : memref<512x64xf32, #tpu.memory_space<vmem>>)
    %scan3A_579 = arith.constant 0 : i32
    %scan3A_580 = arith.constant 1 : i32
    %scan3A_581 = arith.constant 0 : i32
    %scan3A_582 = arith.constant 512 : i32
    %scan3A_583 = arith.addi %scan3A_581, %scan3A_582 : i32
    %scan3A_584 = arith.constant 2 : i32
    scf.for %scan3A_631 = %scan3A_581 to %scan3A_583 step %scan3A_584  : i32 {
      %get3A = arith.constant 0 : i32
      %get3A_632 = arith.constant 0 : i32
      %get3A_633 = tpu.memref_slice %arg9[%scan3A_580, %get3A, %get3A_632] : memref<3x512x64xf32, #tpu.memory_space<vmem>> -> memref<1x512x64xf32, #tpu.memory_space<vmem>>
      %get3A_634 = tpu.memref_squeeze %get3A_633 : memref<1x512x64xf32, #tpu.memory_space<vmem>> -> memref<512x64xf32, #tpu.memory_space<vmem>>
      %get3A_635 = arith.index_cast %scan3A_631 : i32 to index
      %get3A_636 = arith.constant 0 : index
      %get3A_637 = tpu.vector_load %get3A_634[%get3A_635, %get3A_636] {strides = array<i32>} : memref<512x64xf32, #tpu.memory_space<vmem>>, vector<1x16xf32>,
      %get3A_638 = vector.shape_cast %get3A_637 : vector<1x16xf32> to vector<16xf32>
      %mul3A_639 = arith.constant 8.000000e+00 : f32
      %mul3A_640 = vector.broadcast %mul3A_639 : f32 to vector<16xf32>
      %mul3A_641 = arith.mulf %get3A_638, %mul3A_640 : vector<16xf32>
      %swap3A = arith.constant 0 : i32
      %swap3A_642 = arith.constant 0 : i32
      %swap3A_643 = tpu.memref_slice %arg9[%scan3A_580, %swap3A, %swap3A_642] : memref<3x512x64xf32, #tpu.memory_space<vmem>> -> memref<1x512x64xf32, #tpu.memory_space<vmem>>
      %swap3A_644 = tpu.memref_squeeze %swap3A_643 : memref<1x512x64xf32, #tpu.memory_space<vmem>> -> memref<512x64xf32, #tpu.memory_space<vmem>>
      %swap3A_645 = arith.index_cast %scan3A_631 : i32 to index
      %swap3A_646 = arith.constant 0 : index
      %swap3A_647 = tpu.vector_load %swap3A_644[%swap3A_645, %swap3A_646] {strides = array<i32>} : memref<512x64xf32, #tpu.memory_space<vmem>>, vector<1x16xf32>,
      %swap3A_648 = vector.shape_cast %swap3A_647 : vector<1x16xf32> to vector<16xf32>
      %swap3A_649 = vector.shape_cast %mul3A_641 : vector<16xf32> to vector<1x16xf32>
      tpu.vector_store %swap3A_644[%swap3A_645, %swap3A_646], %swap3A_649 {strides = array<i32>} : memref<512x64xf32, #tpu.memory_space<vmem>>, vector<1x16xf32>,
      %get3A_650 = arith.constant 0 : i32
      %get3A_651 = arith.constant 0 : i32
      %get3A_652 = tpu.memref_slice %arg9[%scan3A_580, %get3A_650, %get3A_651] : memref<3x512x64xf32, #tpu.memory_space<vmem>> -> memref<1x512x64xf32, #tpu.memory_space<vmem>>
      %get3A_653 = tpu.memref_squeeze %get3A_652 : memref<1x512x64xf32, #tpu.memory_space<vmem>> -> memref<512x64xf32, #tpu.memory_space<vmem>>
      %get3A_654 = arith.index_cast %scan3A_631 : i32 to index
      %get3A_655 = arith.constant 16 : index
      %get3A_656 = tpu.vector_load %get3A_653[%get3A_654, %get3A_655] {strides = array<i32>} : memref<512x64xf32, #tpu.memory_space<vmem>>, vector<1x16xf32>,
      %get3A_657 = vector.shape_cast %get3A_656 : vector<1x16xf32> to vector<16xf32>
      %mul3A_658 = arith.constant 8.000000e+00 : f32
      %mul3A_659 = vector.broadcast %mul3A_658 : f32 to vector<16xf32>
      %mul3A_660 = arith.mulf %get3A_657, %mul3A_659 : vector<16xf32>
      %swap3A_661 = arith.constant 0 : i32
      %swap3A_662 = arith.constant 0 : i32
      %swap3A_663 = tpu.memref_slice %arg9[%scan3A_580, %swap3A_661, %swap3A_662] : memref<3x512x64xf32, #tpu.memory_space<vmem>> -> memref<1x512x64xf32, #tpu.memory_space<vmem>>
      %swap3A_664 = tpu.memref_squeeze %swap3A_663 : memref<1x512x64xf32, #tpu.memory_space<vmem>> -> memref<512x64xf32, #tpu.memory_space<vmem>>
      %swap3A_665 = arith.index_cast %scan3A_631 : i32 to index
      %swap3A_666 = arith.constant 16 : index
      %swap3A_667 = tpu.vector_load %swap3A_664[%swap3A_665, %swap3A_666] {strides = array<i32>} : memref<512x64xf32, #tpu.memory_space<vmem>>, vector<1x16xf32>,
      %swap3A_668 = vector.shape_cast %swap3A_667 : vector<1x16xf32> to vector<16xf32>
      %swap3A_669 = vector.shape_cast %mul3A_660 : vector<16xf32> to vector<1x16xf32>
      tpu.vector_store %swap3A_664[%swap3A_665, %swap3A_666], %swap3A_669 {strides = array<i32>} : memref<512x64xf32, #tpu.memory_space<vmem>>, vector<1x16xf32>,
      %get3A_670 = arith.constant 0 : i32
      %get3A_671 = arith.constant 0 : i32
      %get3A_672 = tpu.memref_slice %arg9[%scan3A_580, %get3A_670, %get3A_671] : memref<3x512x64xf32, #tpu.memory_space<vmem>> -> memref<1x512x64xf32, #tpu.memory_space<vmem>>
      %get3A_673 = tpu.memref_squeeze %get3A_672 : memref<1x512x64xf32, #tpu.memory_space<vmem>> -> memref<512x64xf32, #tpu.memory_space<vmem>>
      %get3A_674 = arith.index_cast %scan3A_631 : i32 to index
      %get3A_675 = arith.constant 32 : index
      %get3A_676 = tpu.vector_load %get3A_673[%get3A_674, %get3A_675] {strides = array<i32>} : memref<512x64xf32, #tpu.memory_space<vmem>>, vector<1x16xf32>,
      %get3A_677 = vector.shape_cast %get3A_676 : vector<1x16xf32> to vector<16xf32>
      %mul3A_678 = arith.constant 8.000000e+00 : f32
      %mul3A_679 = vector.broadcast %mul3A_678 : f32 to vector<16xf32>
      %mul3A_680 = arith.mulf %get3A_677, %mul3A_679 : vector<16xf32>
      %swap3A_681 = arith.constant 0 : i32
      %swap3A_682 = arith.constant 0 : i32
      %swap3A_683 = tpu.memref_slice %arg9[%scan3A_580, %swap3A_681, %swap3A_682] : memref<3x512x64xf32, #tpu.memory_space<vmem>> -> memref<1x512x64xf32, #tpu.memory_space<vmem>>
      %swap3A_684 = tpu.memref_squeeze %swap3A_683 : memref<1x512x64xf32, #tpu.memory_space<vmem>> -> memref<512x64xf32, #tpu.memory_space<vmem>>
      %swap3A_685 = arith.index_cast %scan3A_631 : i32 to index
      %swap3A_686 = arith.constant 32 : index
      %swap3A_687 = tpu.vector_load %swap3A_684[%swap3A_685, %swap3A_686] {strides = array<i32>} : memref<512x64xf32, #tpu.memory_space<vmem>>, vector<1x16xf32>,
      %swap3A_688 = vector.shape_cast %swap3A_687 : vector<1x16xf32> to vector<16xf32>
      %swap3A_689 = vector.shape_cast %mul3A_680 : vector<16xf32> to vector<1x16xf32>
      tpu.vector_store %swap3A_684[%swap3A_685, %swap3A_686], %swap3A_689 {strides = array<i32>} : memref<512x64xf32, #tpu.memory_space<vmem>>, vector<1x16xf32>,
      %get3A_690 = arith.constant 0 : i32
      %get3A_691 = arith.constant 0 : i32
      %get3A_692 = tpu.memref_slice %arg9[%scan3A_580, %get3A_690, %get3A_691] : memref<3x512x64xf32, #tpu.memory_space<vmem>> -> memref<1x512x64xf32, #tpu.memory_space<vmem>>
      %get3A_693 = tpu.memref_squeeze %get3A_692 : memref<1x512x64xf32, #tpu.memory_space<vmem>> -> memref<512x64xf32, #tpu.memory_space<vmem>>
      %get3A_694 = arith.index_cast %scan3A_631 : i32 to index
      %get3A_695 = arith.constant 48 : index
      %get3A_696 = tpu.vector_load %get3A_693[%get3A_694, %get3A_695] {strides = array<i32>} : memref<512x64xf32, #tpu.memory_space<vmem>>, vector<1x16xf32>,
      %get3A_697 = vector.shape_cast %get3A_696 : vector<1x16xf32> to vector<16xf32>
      %mul3A_698 = arith.constant 8.000000e+00 : f32
      %mul3A_699 = vector.broadcast %mul3A_698 : f32 to vector<16xf32>
      %mul3A_700 = arith.mulf %get3A_697, %mul3A_699 : vector<16xf32>
      %swap3A_701 = arith.constant 0 : i32
      %swap3A_702 = arith.constant 0 : i32
      %swap3A_703 = tpu.memref_slice %arg9[%scan3A_580, %swap3A_701, %swap3A_702] : memref<3x512x64xf32, #tpu.memory_space<vmem>> -> memref<1x512x64xf32, #tpu.memory_space<vmem>>
      %swap3A_704 = tpu.memref_squeeze %swap3A_703 : memref<1x512x64xf32, #tpu.memory_space<vmem>> -> memref<512x64xf32, #tpu.memory_space<vmem>>
      %swap3A_705 = arith.index_cast %scan3A_631 : i32 to index
      %swap3A_706 = arith.constant 48 : index
      %swap3A_707 = tpu.vector_load %swap3A_704[%swap3A_705, %swap3A_706] {strides = array<i32>} : memref<512x64xf32, #tpu.memory_space<vmem>>, vector<1x16xf32>,
      %swap3A_708 = vector.shape_cast %swap3A_707 : vector<1x16xf32> to vector<16xf32>
      %swap3A_709 = vector.shape_cast %mul3A_700 : vector<16xf32> to vector<1x16xf32>
      tpu.vector_store %swap3A_704[%swap3A_705, %swap3A_706], %swap3A_709 {strides = array<i32>} : memref<512x64xf32, #tpu.memory_space<vmem>>, vector<1x16xf32>,
      %scan3A_710 = arith.constant 1 : i32
      %scan3A_711 = arith.addi %scan3A_631, %scan3A_710 : i32
      %get3A_712 = arith.constant 0 : i32
      %get3A_713 = arith.constant 0 : i32
      %get3A_714 = tpu.memref_slice %arg9[%scan3A_580, %get3A_712, %get3A_713] : memref<3x512x64xf32, #tpu.memory_space<vmem>> -> memref<1x512x64xf32, #tpu.memory_space<vmem>>
      %get3A_715 = tpu.memref_squeeze %get3A_714 : memref<1x512x64xf32, #tpu.memory_space<vmem>> -> memref<512x64xf32, #tpu.memory_space<vmem>>
      %get3A_716 = arith.index_cast %scan3A_711 : i32 to index
      %get3A_717 = arith.constant 0 : index
      %get3A_718 = tpu.vector_load %get3A_715[%get3A_716, %get3A_717] {strides = array<i32>} : memref<512x64xf32, #tpu.memory_space<vmem>>, vector<1x16xf32>,
      %get3A_719 = vector.shape_cast %get3A_718 : vector<1x16xf32> to vector<16xf32>
      %mul3A_720 = arith.constant 8.000000e+00 : f32
      %mul3A_721 = vector.broadcast %mul3A_720 : f32 to vector<16xf32>
      %mul3A_722 = arith.mulf %get3A_719, %mul3A_721 : vector<16xf32>
      %swap3A_723 = arith.constant 0 : i32
      %swap3A_724 = arith.constant 0 : i32
      %swap3A_725 = tpu.memref_slice %arg9[%scan3A_580, %swap3A_723, %swap3A_724] : memref<3x512x64xf32, #tpu.memory_space<vmem>> -> memref<1x512x64xf32, #tpu.memory_space<vmem>>
      %swap3A_726 = tpu.memref_squeeze %swap3A_725 : memref<1x512x64xf32, #tpu.memory_space<vmem>> -> memref<512x64xf32, #tpu.memory_space<vmem>>
      %swap3A_727 = arith.index_cast %scan3A_711 : i32 to index
      %swap3A_728 = arith.constant 0 : index
      %swap3A_729 = tpu.vector_load %swap3A_726[%swap3A_727, %swap3A_728] {strides = array<i32>} : memref<512x64xf32, #tpu.memory_space<vmem>>, vector<1x16xf32>,
      %swap3A_730 = vector.shape_cast %swap3A_729 : vector<1x16xf32> to vector<16xf32>
      %swap3A_731 = vector.shape_cast %mul3A_722 : vector<16xf32> to vector<1x16xf32>
      tpu.vector_store %swap3A_726[%swap3A_727, %swap3A_728], %swap3A_731 {strides = array<i32>} : memref<512x64xf32, #tpu.memory_space<vmem>>, vector<1x16xf32>,
      %get3A_732 = arith.constant 0 : i32
      %get3A_733 = arith.constant 0 : i32
      %get3A_734 = tpu.memref_slice %arg9[%scan3A_580, %get3A_732, %get3A_733] : memref<3x512x64xf32, #tpu.memory_space<vmem>> -> memref<1x512x64xf32, #tpu.memory_space<vmem>>
      %get3A_735 = tpu.memref_squeeze %get3A_734 : memref<1x512x64xf32, #tpu.memory_space<vmem>> -> memref<512x64xf32, #tpu.memory_space<vmem>>
      %get3A_736 = arith.index_cast %scan3A_711 : i32 to index
      %get3A_737 = arith.constant 16 : index
      %get3A_738 = tpu.vector_load %get3A_735[%get3A_736, %get3A_737] {strides = array<i32>} : memref<512x64xf32, #tpu.memory_space<vmem>>, vector<1x16xf32>,
      %get3A_739 = vector.shape_cast %get3A_738 : vector<1x16xf32> to vector<16xf32>
      %mul3A_740 = arith.constant 8.000000e+00 : f32
      %mul3A_741 = vector.broadcast %mul3A_740 : f32 to vector<16xf32>
      %mul3A_742 = arith.mulf %get3A_739, %mul3A_741 : vector<16xf32>
      %swap3A_743 = arith.constant 0 : i32
      %swap3A_744 = arith.constant 0 : i32
      %swap3A_745 = tpu.memref_slice %arg9[%scan3A_580, %swap3A_743, %swap3A_744] : memref<3x512x64xf32, #tpu.memory_space<vmem>> -> memref<1x512x64xf32, #tpu.memory_space<vmem>>
      %swap3A_746 = tpu.memref_squeeze %swap3A_745 : memref<1x512x64xf32, #tpu.memory_space<vmem>> -> memref<512x64xf32, #tpu.memory_space<vmem>>
      %swap3A_747 = arith.index_cast %scan3A_711 : i32 to index
      %swap3A_748 = arith.constant 16 : index
      %swap3A_749 = tpu.vector_load %swap3A_746[%swap3A_747, %swap3A_748] {strides = array<i32>} : memref<512x64xf32, #tpu.memory_space<vmem>>, vector<1x16xf32>,
      %swap3A_750 = vector.shape_cast %swap3A_749 : vector<1x16xf32> to vector<16xf32>
      %swap3A_751 = vector.shape_cast %mul3A_742 : vector<16xf32> to vector<1x16xf32>
      tpu.vector_store %swap3A_746[%swap3A_747, %swap3A_748], %swap3A_751 {strides = array<i32>} : memref<512x64xf32, #tpu.memory_space<vmem>>, vector<1x16xf32>,
      %get3A_752 = arith.constant 0 : i32
      %get3A_753 = arith.constant 0 : i32
      %get3A_754 = tpu.memref_slice %arg9[%scan3A_580, %get3A_752, %get3A_753] : memref<3x512x64xf32, #tpu.memory_space<vmem>> -> memref<1x512x64xf32, #tpu.memory_space<vmem>>
      %get3A_755 = tpu.memref_squeeze %get3A_754 : memref<1x512x64xf32, #tpu.memory_space<vmem>> -> memref<512x64xf32, #tpu.memory_space<vmem>>
      %get3A_756 = arith.index_cast %scan3A_711 : i32 to index
      %get3A_757 = arith.constant 32 : index
      %get3A_758 = tpu.vector_load %get3A_755[%get3A_756, %get3A_757] {strides = array<i32>} : memref<512x64xf32, #tpu.memory_space<vmem>>, vector<1x16xf32>,
      %get3A_759 = vector.shape_cast %get3A_758 : vector<1x16xf32> to vector<16xf32>
      %mul3A_760 = arith.constant 8.000000e+00 : f32
      %mul3A_761 = vector.broadcast %mul3A_760 : f32 to vector<16xf32>
      %mul3A_762 = arith.mulf %get3A_759, %mul3A_761 : vector<16xf32>
      %swap3A_763 = arith.constant 0 : i32
      %swap3A_764 = arith.constant 0 : i32
      %swap3A_765 = tpu.memref_slice %arg9[%scan3A_580, %swap3A_763, %swap3A_764] : memref<3x512x64xf32, #tpu.memory_space<vmem>> -> memref<1x512x64xf32, #tpu.memory_space<vmem>>
      %swap3A_766 = tpu.memref_squeeze %swap3A_765 : memref<1x512x64xf32, #tpu.memory_space<vmem>> -> memref<512x64xf32, #tpu.memory_space<vmem>>
      %swap3A_767 = arith.index_cast %scan3A_711 : i32 to index
      %swap3A_768 = arith.constant 32 : index
      %swap3A_769 = tpu.vector_load %swap3A_766[%swap3A_767, %swap3A_768] {strides = array<i32>} : memref<512x64xf32, #tpu.memory_space<vmem>>, vector<1x16xf32>,
      %swap3A_770 = vector.shape_cast %swap3A_769 : vector<1x16xf32> to vector<16xf32>
      %swap3A_771 = vector.shape_cast %mul3A_762 : vector<16xf32> to vector<1x16xf32>
      tpu.vector_store %swap3A_766[%swap3A_767, %swap3A_768], %swap3A_771 {strides = array<i32>} : memref<512x64xf32, #tpu.memory_space<vmem>>, vector<1x16xf32>,
      %get3A_772 = arith.constant 0 : i32
      %get3A_773 = arith.constant 0 : i32
      %get3A_774 = tpu.memref_slice %arg9[%scan3A_580, %get3A_772, %get3A_773] : memref<3x512x64xf32, #tpu.memory_space<vmem>> -> memref<1x512x64xf32, #tpu.memory_space<vmem>>
      %get3A_775 = tpu.memref_squeeze %get3A_774 : memref<1x512x64xf32, #tpu.memory_space<vmem>> -> memref<512x64xf32, #tpu.memory_space<vmem>>
      %get3A_776 = arith.index_cast %scan3A_711 : i32 to index
      %get3A_777 = arith.constant 48 : index
      %get3A_778 = tpu.vector_load %get3A_775[%get3A_776, %get3A_777] {strides = array<i32>} : memref<512x64xf32, #tpu.memory_space<vmem>>, vector<1x16xf32>,
      %get3A_779 = vector.shape_cast %get3A_778 : vector<1x16xf32> to vector<16xf32>
      %mul3A_780 = arith.constant 8.000000e+00 : f32
      %mul3A_781 = vector.broadcast %mul3A_780 : f32 to vector<16xf32>
      %mul3A_782 = arith.mulf %get3A_779, %mul3A_781 : vector<16xf32>
      %swap3A_783 = arith.constant 0 : i32
      %swap3A_784 = arith.constant 0 : i32
      %swap3A_785 = tpu.memref_slice %arg9[%scan3A_580, %swap3A_783, %swap3A_784] : memref<3x512x64xf32, #tpu.memory_space<vmem>> -> memref<1x512x64xf32, #tpu.memory_space<vmem>>
      %swap3A_786 = tpu.memref_squeeze %swap3A_785 : memref<1x512x64xf32, #tpu.memory_space<vmem>> -> memref<512x64xf32, #tpu.memory_space<vmem>>
      %swap3A_787 = arith.index_cast %scan3A_711 : i32 to index
      %swap3A_788 = arith.constant 48 : index
      %swap3A_789 = tpu.vector_load %swap3A_786[%swap3A_787, %swap3A_788] {strides = array<i32>} : memref<512x64xf32, #tpu.memory_space<vmem>>, vector<1x16xf32>,
      %swap3A_790 = vector.shape_cast %swap3A_789 : vector<1x16xf32> to vector<16xf32>
      %swap3A_791 = vector.shape_cast %mul3A_782 : vector<16xf32> to vector<1x16xf32>
      tpu.vector_store %swap3A_786[%swap3A_787, %swap3A_788], %swap3A_791 {strides = array<i32>} : memref<512x64xf32, #tpu.memory_space<vmem>>, vector<1x16xf32>,
    }
    %scan3A_585 = arith.constant 512 : i32
    %add3A_586 = arith.constant 25088 : i32
    %add3A_587 = arith.addi %mul3A_2, %add3A_586 : i32
    %dma_start3A_588 = arith.constant 1 : i32
    %dma_start3A_589 = arith.constant 0 : i32
    %dma_start3A_590 = arith.constant 0 : i32
    %dma_start3A_591 = tpu.memref_slice %arg9[%dma_start3A_588, %dma_start3A_589, %dma_start3A_590] : memref<3x512x64xf32, #tpu.memory_space<vmem>> -> memref<1x512x64xf32, #tpu.memory_space<vmem>>
    %dma_start3A_592 = tpu.memref_squeeze %dma_start3A_591 : memref<1x512x64xf32, #tpu.memory_space<vmem>> -> memref<512x64xf32, #tpu.memory_space<vmem>>
    %dma_start3A_593 = arith.constant 0 : i32
    %dma_start3A_594 = tpu.memref_slice %arg6[%add3A_587, %dma_start3A_593] : memref<819200x64xf32, #tpu.memory_space<hbm>> -> memref<512x64xf32, #tpu.memory_space<hbm>>
    %dma_start3A_595 = arith.constant 0 : i32
    %dma_start3A_596 = tpu.memref_slice %arg6[%add3A_587, %dma_start3A_595] : memref<819200x64xf32, #tpu.memory_space<hbm>> -> memref<512x64xf32, #tpu.memory_space<hbm>>
    %dma_start3A_597 = arith.constant 0 : i32
    %dma_start3A_598 = arith.constant 0 : i32
    %dma_start3A_599 = tpu.memref_slice %arg9[%dma_start3A_588, %dma_start3A_597, %dma_start3A_598] : memref<3x512x64xf32, #tpu.memory_space<vmem>> -> memref<1x512x64xf32, #tpu.memory_space<vmem>>
    %dma_start3A_600 = tpu.memref_squeeze %dma_start3A_599 : memref<1x512x64xf32, #tpu.memory_space<vmem>> -> memref<512x64xf32, #tpu.memory_space<vmem>>
    tpu.enqueue_dma source(%dma_start3A_600 : memref<512x64xf32, #tpu.memory_space<vmem>>) target(%dma_start3A_596 : memref<512x64xf32, #tpu.memory_space<hbm>>) target_semaphore(%arg17 : memref<!tpu.dma_semaphore, #tpu.memory_space<semaphore_mem>>)
    %add3A_601 = arith.constant 24576 : i32
    %add3A_602 = arith.addi %mul3A_2, %add3A_601 : i32
    %dma_wait3A_603 = arith.constant 0 : i32
    %dma_wait3A_604 = arith.constant 0 : i32
    %dma_wait3A_605 = arith.constant 0 : i32
    %dma_wait3A_606 = tpu.memref_slice %arg9[%dma_wait3A_603, %dma_wait3A_604, %dma_wait3A_605] : memref<3x512x64xf32, #tpu.memory_space<vmem>> -> memref<1x512x64xf32, #tpu.memory_space<vmem>>
    %dma_wait3A_607 = tpu.memref_squeeze %dma_wait3A_606 : memref<1x512x64xf32, #tpu.memory_space<vmem>> -> memref<512x64xf32, #tpu.memory_space<vmem>>
    %dma_wait3A_608 = arith.constant 0 : i32
    %dma_wait3A_609 = tpu.memref_slice %arg6[%add3A_602, %dma_wait3A_608] : memref<819200x64xf32, #tpu.memory_space<hbm>> -> memref<512x64xf32, #tpu.memory_space<hbm>>
    %dma_wait3A_610 = arith.constant 0 : i32
    %dma_wait3A_611 = tpu.memref_slice %arg6[%add3A_602, %dma_wait3A_610] : memref<819200x64xf32, #tpu.memory_space<hbm>> -> memref<512x64xf32, #tpu.memory_space<hbm>>
    %dma_wait3A_612 = arith.constant 0 : i32
    %dma_wait3A_613 = arith.constant 0 : i32
    %dma_wait3A_614 = tpu.memref_slice %arg9[%dma_wait3A_603, %dma_wait3A_612, %dma_wait3A_613] : memref<3x512x64xf32, #tpu.memory_space<vmem>> -> memref<1x512x64xf32, #tpu.memory_space<vmem>>
    %dma_wait3A_615 = tpu.memref_squeeze %dma_wait3A_614 : memref<1x512x64xf32, #tpu.memory_space<vmem>> -> memref<512x64xf32, #tpu.memory_space<vmem>>
    tpu.wait_dma2 semaphore(%arg16 : memref<!tpu.dma_semaphore, #tpu.memory_space<semaphore_mem>>) src(%dma_wait3A_615 : memref<512x64xf32, #tpu.memory_space<vmem>>) dst(%dma_wait3A_611 : memref<512x64xf32, #tpu.memory_space<hbm>>)
    %add3A_616 = arith.constant 25088 : i32
    %add3A_617 = arith.addi %mul3A_2, %add3A_616 : i32
    %dma_wait3A_618 = arith.constant 1 : i32
    %dma_wait3A_619 = arith.constant 0 : i32
    %dma_wait3A_620 = arith.constant 0 : i32
    %dma_wait3A_621 = tpu.memref_slice %arg9[%dma_wait3A_618, %dma_wait3A_619, %dma_wait3A_620] : memref<3x512x64xf32, #tpu.memory_space<vmem>> -> memref<1x512x64xf32, #tpu.memory_space<vmem>>
    %dma_wait3A_622 = tpu.memref_squeeze %dma_wait3A_621 : memref<1x512x64xf32, #tpu.memory_space<vmem>> -> memref<512x64xf32, #tpu.memory_space<vmem>>
    %dma_wait3A_623 = arith.constant 0 : i32
    %dma_wait3A_624 = tpu.memref_slice %arg6[%add3A_617, %dma_wait3A_623] : memref<819200x64xf32, #tpu.memory_space<hbm>> -> memref<512x64xf32, #tpu.memory_space<hbm>>
    %dma_wait3A_625 = arith.constant 0 : i32
    %dma_wait3A_626 = tpu.memref_slice %arg6[%add3A_617, %dma_wait3A_625] : memref<819200x64xf32, #tpu.memory_space<hbm>> -> memref<512x64xf32, #tpu.memory_space<hbm>>
    %dma_wait3A_627 = arith.constant 0 : i32
    %dma_wait3A_628 = arith.constant 0 : i32
    %dma_wait3A_629 = tpu.memref_slice %arg9[%dma_wait3A_618, %dma_wait3A_627, %dma_wait3A_628] : memref<3x512x64xf32, #tpu.memory_space<vmem>> -> memref<1x512x64xf32, #tpu.memory_space<vmem>>
    %dma_wait3A_630 = tpu.memref_squeeze %dma_wait3A_629 : memref<1x512x64xf32, #tpu.memory_space<vmem>> -> memref<512x64xf32, #tpu.memory_space<vmem>>
    tpu.wait_dma2 semaphore(%arg17 : memref<!tpu.dma_semaphore, #tpu.memory_space<semaphore_mem>>) src(%dma_wait3A_630 : memref<512x64xf32, #tpu.memory_space<vmem>>) dst(%dma_wait3A_626 : memref<512x64xf32, #tpu.memory_space<hbm>>)
    return
  }
}

</mosaic_0001>

<sc_bundles>
// kernel: kernel.3.cloned.1.call-start
scs
__scs_entry_jumppad:
0x0: {  	(pc) =	sbr.rel $0x88, $3  }
0x1: {  	(tag) =	ssettag $0x0;
	lr =	simm.s32 $0x1  }
0x2: {  	[smem:$0x3F9D] =	sst lr;
	_ =	strace $0xD0000000  }
0x3: {  	_ = 	snop  }
0x4: {  	_ = 	snop  }
0x5: {  	_ = 	snop  }
0x6: {  	_ = 	snop  }
0x7: {  	_ = 	snop  }
__scs_overlays_trampoline_lowered:
0x8: {  	[smem:$0x3FAC] =	sst s0  }
0x9: {  	[smem:$0x3FAD] =	sst s1  }
0xa: {  	[smem:$0x3FAE] =	sst s2  }
0xb: {  	[smem:$0x3FAF] =	sst s3  }
0xc: {  	[smem:$0x3FB0] =	sst s4  }
0xd: {  	[smem:$0x3FB1] =	sst s5  }
0xe: {  	[smem:$0x3FB2] =	sst s6  }
0xf: {  	[smem:$0x3FB3] =	sst s7  }
0x10: {  	[smem:$0x3FB4] =	sst s8  }
0x11: {  	[smem:$0x3FB5] =	sst s9;
	s0 =	simm.s32 @!p0 $0x0  }
0x12: {  	s1 =	sld [smem:$0x3F9B];
	s0 =	simm.s32 @p0 $0x1  }
0x13: {  	[smem:$0x3FB6] =	sst s0;
	s0 =	simm.s32 @!p1 $0x0  }
0x14: {  	s2 =	sld [smem:$0x3F9A];
	s0 =	simm.s32 @p1 $0x1  }
0x15: {  	[smem:$0x3FB7] =	sst s0;
	s0 =	simm.s32 @!p2 $0x0  }
0x16: {  	s3 =	sld [smem:$0x3FDB];
	s0 =	simm.s32 @p2 $0x1  }
0x17: {  	s4 =	simm.s32 $0x1BF5;
	[smem:$0x3FB9] =	sst s0  }
0x18: {  	s0 =	sld [smem:$0x3F9C];
	_ =	swait.ge [sflag:s4], $0x0  }
0x19: {  	s7 =	sld [smem:$0x3F9D]  }
0x1a: {  	s8 =	sadd.s32 $0xFFFFE003, lr  }
0x1b: {  	s9 =	sadd.s32 $0xFFFFFEF7, lr;
	s5 =	simm.s32 $0xFFFFFFFF;
	p2 =	slt.u32 s8, $0xFFFFF086  }
0x1c: {  	p1 =	slt.u32 s9, $0xF7A;
	s5 =	simm.s32 @!p2 $0x0  }
0x1d: {  	s5 =	simm.s32 @p1 $0x1;
	p0 =	seq.s32 s7, s2  }
0x1e: {  	s7 =	smul.u32 @!p0 $0xF7A, s2;
	p2 =	seq.s32 @!p0 s5, $0x0  }
0x1f: {  	s9 =	smul.u32 $0xF7A, s1;
	s8 =	simm.s32 @!p0 $0x1BF5;
	p2 =	por !p2, p0  }
0x20: {  	[sflag:s8] =	ssyncset.s32 @!p0 $0xFFFFF086;
	s6 =	sadd.s32 @!p0 s3, s7;
	s7 =	simm.s32 @!p0 $0x108  }
0x21: {  	s3 =	sadd.s32 s3, s9;
	s6 =	sadd.s32 @!p0 $0x88, s6;
	s7 =	simm.s32 @p2 $0x1082  }
0x22: {  	[simem:s7], [sflag:s8] =	dma.local @!p0 [hbm:s6], $0xF7A  }
0x23: {  	s9 =	sor.u32 $0xD0000000, s2;
	s6 =	simm.s32 $0x108;
	_ =	swait.ge @!p0 [sflag:s8], $0x0  }
0x24: {  	s3 =	sadd.s32 $0x88, s3;
	s6 =	simm.s32 @!p1 $0x1082;
	[sflag:s4] =	ssyncset.s32 $0xFFFFF086  }
0x25: {  	[simem:s6], [sflag:s4] =	dma.local [hbm:s3], $0xF7A  }
0x26: {  	[smem:$0x3F9D] =	sst s1;
	(tag) =	ssettag s2;
	_ =	strace s9  }
0x27: {  	s1 =	sld [smem:$0x3FAD]  }
0x28: {  	s2 =	sld [smem:$0x3FAE]  }
0x29: {  	s4 =	sld [smem:$0x3FB0]  }
0x2a: {  	p0 =	seq.s32 s5, $0x0;
	s5 =	sld [smem:$0x3FB1]  }
0x2b: {  	s6 =	sld [smem:$0x3FB2]  }
0x2c: {  	s7 =	sld [smem:$0x3FB3]  }
0x2d: {  	s3 =	simm.s32 $0x108;
	s8 =	sld [smem:$0x3FB4]  }
0x2e: {  	s3 =	simm.s32 @!p0 $0x1082;
	s9 =	sld [smem:$0x3FB5]  }
0x2f: {  	lr =	sadd.s32 s0, s3;
	s0 =	sld [smem:$0x3FAC]  }
0x30: {  	s3 =	sld [smem:$0x3FAF]  }
0x31: {  	[smem:$0x3FB8] =	sst s10  }
0x32: {  	s10 =	sld [smem:$0x3FB6];
	_ =	sdelay $0x3  }
0x33: {  	p0 =	seq.s32 s10, $0x1;
	s10 =	sld [smem:$0x3FB8];
	_ =	sdelay $0x3  }
0x34: {  	[smem:$0x3FB8] =	sst s10  }
0x35: {  	s10 =	sld [smem:$0x3FB7];
	_ =	sdelay $0x3  }
0x36: {  	p1 =	seq.s32 s10, $0x1;
	s10 =	sld [smem:$0x3FB8];
	_ =	sdelay $0x3  }
0x37: {  	[smem:$0x3FB8] =	sst s10  }
0x38: {  	s10 =	sld [smem:$0x3FB9]  }
0x39: {  	_ = 	snop;
	(pc) =	sbr.ind lr, $3  }
0x3a: {  	_ = 	snop  }
0x3b: {  	_ = 	snop  }
0x3c: {  	p2 =	seq.s32 s10, $0x1;
	s10 =	sld [smem:$0x3FB8]  }
0x3d: {  	_ =	shalt  }
0x3e: {  	_ =	shalt  }
0x3f: {  	_ =	shalt  }
0x40: {  	_ =	shalt  }
0x41: {  	_ =	shalt  }
0x42: {  	_ =	shalt  }
0x43: {  	_ =	shalt  }
0x44: {  	_ =	shalt  }
0x45: {  	_ =	shalt  }
0x46: {  	_ =	shalt  }
0x47: {  	_ =	shalt  }
0x48: {  	_ =	shalt  }
0x49: {  	_ =	shalt  }
0x4a: {  	_ =	shalt  }
0x4b: {  	_ =	shalt  }
0x4c: {  	_ =	shalt  }
0x4d: {  	_ =	shalt  }
0x4e: {  	_ =	shalt  }
0x4f: {  	_ =	shalt  }
0x50: {  	_ =	shalt  }
0x51: {  	_ =	shalt  }
0x52: {  	_ =	shalt  }
0x53: {  	_ =	shalt  }
0x54: {  	_ =	shalt  }
0x55: {  	_ =	shalt  }
0x56: {  	_ =	shalt  }
0x57: {  	_ =	shalt  }
0x58: {  	_ =	shalt  }
0x59: {  	_ =	shalt  }
0x5a: {  	_ =	shalt  }
0x5b: {  	_ =	shalt  }
0x5c: {  	_ =	shalt  }
0x5d: {  	_ =	shalt  }
0x5e: {  	_ =	shalt  }
0x5f: {  	_ =	shalt  }
0x60: {  	_ =	shalt  }
0x61: {  	_ =	shalt  }
0x62: {  	_ =	shalt  }
0x63: {  	_ =	shalt  }
0x64: {  	_ =	shalt  }
0x65: {  	_ =	shalt  }
0x66: {  	_ =	shalt  }
0x67: {  	_ =	shalt  }
0x68: {  	_ =	shalt  }
0x69: {  	_ =	shalt  }
0x6a: {  	_ =	shalt  }
0x6b: {  	_ =	shalt  }
0x6c: {  	_ =	shalt  }
0x6d: {  	_ =	shalt  }
0x6e: {  	_ =	shalt  }
0x6f: {  	_ =	shalt  }
0x70: {  	_ =	shalt  }
0x71: {  	_ =	shalt  }
0x72: {  	_ =	shalt  }
0x73: {  	_ =	shalt  }
0x74: {  	_ =	shalt  }
0x75: {  	_ =	shalt  }
0x76: {  	_ =	shalt  }
0x77: {  	_ =	shalt  }
0x78: {  	_ =	shalt  }
0x79: {  	_ =	shalt  }
0x7a: {  	_ =	shalt  }
0x7b: {  	_ =	shalt  }
0x7c: {  	_ =	shalt  }
0x7d: {  	_ =	shalt  }
0x7e: {  	_ =	shalt  }
0x7f: {  	_ =	shalt  }
0x80: {  	_ =	shalt  }
0x81: {  	_ =	shalt  }
0x82: {  	_ =	shalt  }
0x83: {  	_ =	shalt  }
0x84: {  	_ =	shalt  }
0x85: {  	_ =	shalt  }
0x86: {  	_ =	shalt  }
0x87: {  	_ =	shalt  }
.Lfunc_end0:
.L_simem_size_0:
called_computation.1_lowered:
.L_overlay_start_0:
0x88: {  	s2 =	sld [smem:$0x3FD9]  }
0x89: {  	s3 =	sld [smem:$0x3FFE];
	_ =	sdelay $0x1  }
0x8a: {  	s1 =	srdreg.scid  }
0x8b: {  	s0 =	sand.u32 $0x1, s1  }
0x8c: {  	s17 =	sshll.u32 s0, $0xA;
	s2 =	sadd.s32 s3, s2  }
0x8d: {  	s2 =	sadd.s32 s2, s17  }
0x8e: {  	[smem:$0x3FC4] =	sst s2  }
0x8f: {  	_ = 	snop  }
0x90: {  	s2 =	sld [smem:$0x3FD0];
	(tm) =	ssettm $0x1  }
0x91: {  	s18 =	sld [smem:$0x3FFB];
	_ =	sdelay $0x3  }
0x92: {  	_ =	strace s18  }
0x93: {  	s3 =	sld [smem:$0x3FFC];
	_ =	sdelay $0x3  }
0x94: {  	_ =	strace s3  }
0x95: {  	s3 =	sld [smem:$0x3FFD];
	_ =	sdelay $0x3  }
0x96: {  	_ =	strace s3  }
0x97: {  	_ =	strace $0x8FFFFFFF  }
0x98: {  	s19 =	sld [smem:$0x3FDB];
	_ =	sdelay $0x1  }
0x99: {  	s4 =	simm.s32 $_scs_section_size  }
0x9a: {  	s5 =	simm.s32 $_size__tile_overlayer_lowered;
	s6 =	simm.s32 $_tile_overlayer_lowered  }
0x9b: {  	s22 =	simm.s32 $0x1BFF;
	s21 =	sshll.u32 s6, $0x1;
	s3 =	sadd.s32 s4, s19  }
0x9c: {  	s7 =	simm.s32 $0x0;
	s20 =	sshll.u32 s5, $0x1;
	s5 =	sadd.s32 s21, s3  }
0x9d: {  	[timem:s7], [sflag:s22] =	dma.local [hbm:s5], s20  }
0x9e: {  	_ =	swait.ge [sflag:s22], s20  }
0x9f: {  	s4 =	ssub.s32 $0x0, s20;
	[sflag:s22] =	ssyncset.done $0x0  }
0xa0: {  	[sflag:s22] =	ssyncadd.s32 s4;
	_ =	sdelay $0x1  }
0xa1: {  	s23 =	simm.s32 $0x1B8B  }
0xa2: {  	_ =	swait.ge [sflag:s23], $0x1  }
0xa3: {  	[sflag:s23] =	ssyncset.done $0x0  }
0xa4: {  	s25 =	simm.s32 $0x1B8E;
	s24 =	sld [smem:$0x3FFE];
	[sflag:s23] =	ssyncadd.s32 $0xFFFFFFFF  }
0xa5: {  	s26 =	simm.s32 $execute0_lowered;
	[smem:$0x3FD2] =	sst s25  }
0xa6: {  	s5 =	sshll.u32 s26, $0x1;
	_ =	strace $0x80000046;
	[dreg:$0x1] =	wrdreg $0xFFFFFFFF  }
0xa7: {  	s28 =	simm.s32 $_size_execute0_lowered;
	s3 =	sadd.s32 s3, s5;
	[dreg:$0x0] =	wrdreg $0x0  }
0xa8: {  	s5 =	sshll.u32 s28, $0x1;
	[dreg:$0x2] =	wrdreg s3  }
0xa9: {  	[dreg:$0x3] =	wrdreg s5  }
0xaa: {  	[dreg:$0x4] =	wrdreg $0xC0  }
0xab: {  	_ =	task [dreg:s7], $0x5FFFF  }
0xac: {  	[dreg:$0x1] =	wrdreg $0xFFFFFFFF  }
0xad: {  	[dreg:$0x0] =	wrdreg $0x60  }
0xae: {  	[dreg:$0x2] =	wrdreg s24  }
0xaf: {  	[dreg:$0x3] =	wrdreg s2  }
0xb0: {  	[dreg:$0x4] =	wrdreg $0x9  }
0xb1: {  	_ =	task.clear_ibuf [dreg:s7], $0x5FFFF;
	_ =	strace $0x90000046  }
0xb2: {  	s29 =	simm.s32 $0x9;
	_ =	strace $0x80000048  }
0xb3: {  	_ =	swait.ge [sflag:s29], $0x1  }
0xb4: {  	[sflag:s29] =	ssyncadd.s32 $0xFFFFFFFF  }
0xb5: {  	_ =	strace $0x90000048  }
0xb6: {  	_ =	sfence  }
0xb7: {  	s30 =	sld [smem:$0x0];
	_ =	sdelay $0x2  }
0xb8: {  	s31 =	sshll.u32 s1, $0xD;
	s1 =	sshrl.u32 s1, $0x2  }
0xb9: {  	s3 =	sand.u32 $0x4000, s31;
	s1 =	sadd.s32 s1, s30  }
0xba: {  	s0 =	sor.u32 s3, s0;
	s1 =	sshll.u32 s1, $0x11  }
0xbb: {  	s0 =	sor.u32 s1, s0  }
0xbc: {  	s0 =	sadd.s32 $0x8F2B, s0  }
0xbd: {  	[sflag:s0] =	ssyncadd.remote.s32 $0x1  }
0xbe: {  	_ =	sfence.sel $0xFFFF  }
0xbf: {  	[dreg:$0x0] =	wrdreg $0xFFFFFFFF;
	(pc) =	sbr.abs _section_cstart, $3  }
0xc0: {  	[dreg:$0x1] =	wrdreg $0xFFFFFFFF  }
0xc1: {  	_ =	task.clear_ibuf [dreg:s7], $0x2FFFF;
	_ =	strace $0x9FFFFFFF  }
0xc2: {  	(tm) =	ssettm $0x7FFFFFFF  }
0xc3: {  	_ =	shalt  }
tec
execute0_lowered:
.L_overlay_start_1:
0x0: {  	(tag) =	ssettag $0x1  }
0x1: {  	s0 =	rddreg [dreg:$0x0]  }
0x2: {  	s2 =	rddreg [dreg:$0x1]  }
0x3: {  	s3 =	simm.s32 $0x0;
	s1 =	srdreg.scid;
	s4 =	stileid.u32  }
0x4: {  	s31 =	simm.s32 $0x600;
	s28 =	simm.s32 $0x9;
	[smem:$0x7FF] =	sst s3  }
0x5: {  	s1 =	sand.u32 $0x1, s1;
	s4 =	sshll.u32 s4, $0x1;
	s5 =	sadd.s32 $0x1A000, s0  }
0x6: {  	s6 =	sadd.s32 $0x1000, s0;
	s7 =	sadd.s32 $0x33000, s0;
	s8 =	sor.u32 s1, s4  }
0x7: {  	_ =	strace $0x80000047;
	s1 =	ssub.s32 $0x2, s1;
	s9 =	smul.u32 $0x6400, s8  }
0x8: {  	s4 =	sadd.s32 $0xF43400, s0;
	s26 =	sshrl.u32 s1, $0x1;
	s11 =	smul.u32 $0x32000, s8  }
0x9: {  	s19 =	smul.u32 $0x190000, s8;
	s0 =	ssub.s32 s1, s26;
	s10 =	sshrl.u32 s9, $0x3  }
0xa: {  	s13 =	sadd.s32 $0x400, s9;
	s16 =	sadd.s32 s2, s11;
	s18 =	sor.u32 $0x200, s9  }
0xb: {  	s22 =	sadd.s32 $0x800, s9;
	s21 =	sadd.s32 $0xA00, s9;
	[dreg:$0x6] =	wrdreg s13  }
0xc: {  	s23 =	sadd.s32 $0x6200, s9;
	s0 =	smax.u32 s0, $0x1;
	[dreg:$0xa] =	wrdreg s16  }
0xd: {  	s29 =	sadd.s32 s5, s10;
	s30 =	sor.u32 $0x40, s10;
	[dreg:$0xd] =	wrdreg s18  }
0xe: {  	s10 =	sadd.s32 s6, s10;
	[dreg:$0xe] =	wrdreg s22;
	s22 =	sadd.s32 $0xC00, s9  }
0xf: {  	s24 =	sshrl.u32 s23, $0x3;
	s8 =	sshll.u32 s23, $0x3;
	[dreg:$0x15] =	wrdreg s0  }
0x10: {  	s0 =	simm.s32 $0x1;
	s16 =	simm.s32 $0x8C00;
	[dreg:$0x3] =	wrdreg s29  }
0x11: {  	s18 =	simm.s32 $0x10C00;
	s23 =	simm.s32 $0x5;
	[dreg:$0x4] =	wrdreg s10  }
0x12: {  	s12 =	sadd.s32 s5, s30;
	s10 =	sshrl.u32 s13, $0x3;
	s1 =	sadd.s32 s6, s30  }
0x13: {  	s25 =	sadd.s32 s5, s24;
	s30 =	sadd.s32 s2, s8;
	[dreg:$0x5] =	wrdreg s12  }
0x14: {  	s8 =	simm.s32 $0xC00;
	s13 =	simm.s32 $0xA00;
	[dreg:$0x7] =	wrdreg s1  }
0x15: {  	s12 =	sadd.s32 $0x600, s9;
	s14 =	sadd.s32 s5, s10;
	[dreg:$0xf] =	wrdreg s25  }
0x16: {  	s10 =	sadd.s32 s6, s10;
	s9 =	sadd.s32 s6, s24;
	[dreg:$0x14] =	wrdreg s30  }
0x17: {  	s24 =	simm.s32 $0x7;
	s25 =	simm.s32 $0x6;
	[dreg:$0x8] =	wrdreg s14  }
0x18: {  	s20 =	smov.u32 s12;
	s15 =	sshrl.u32 s12, $0x3;
	[dreg:$0x9] =	wrdreg s10  }
0x19: {  	[dreg:$0x10] =	wrdreg s9;
	s9 =	simm.s32 $0x800;
	s1 =	sadd.s32 s6, s15  }
0x1a: {  	s10 =	simm.s32 $0x400;
	[dreg:$0xc] =	wrdreg s1;
	s1 =	sshrl.u32 s19, $0x3  }
0x1b: {  	s14 =	simm.s32 $0x4;
	s17 =	sadd.s32 s5, s15;
	s1 =	sadd.s32 s2, s1  }
0x1c: {  	s12 =	simm.s32 $0x0;
	[dreg:$0xb] =	wrdreg s17;
	s26 =	sadd.s32 $0x2E000, s1  }
0x1d: {  	s15 =	simm.s32 $0x2;
	s29 =	sadd.s32 $0x2F000, s1;
	[dreg:$0x11] =	wrdreg s26  }
0x1e: {  	s17 =	simm.s32 $0x3;
	s1 =	sadd.s32 $0x30000, s1;
	[dreg:$0x12] =	wrdreg s29  }
0x1f: {  	[dreg:$0x13] =	wrdreg s1;
	s1 =	simm.s32 $0x200;
	s26 =	simm.s32 $0x8  }
.LBB2_1:
0x20: {  	[dreg:$0x16] =	wrdreg s12  }
0x21: {  	s11 =	rddreg [dreg:$0x3]  }
0x22: {  	[tilespmem:s3], [sflag:$0x1] =	stream.linear.gather [hbm4b:s11+s3], $0x200, $0x38;
	[tilespmem:$0x18C00] =	vst v63  }
0x23: {  	s19 =	rddreg [dreg:$0x4]  }
0x24: {  	[tilespmem:s31], [sflag:$0x1] =	stream.linear.gather [hbm4b:s19+s3], $0x200, $0x38;
	[tilespmem:$0x18C00] =	vst v63  }
0x25: {  	_ =	swait.ge [sflag:s0], $0x200  }
0x26: {  	[sflag:s0] =	ssyncset.done $0x0  }
0x27: {  	[sflag:s0] =	ssyncadd.s32 $0xFFFFFE00  }
0x28: {  	_ =	swait.ge [sflag:s0], $0x200  }
0x29: {  	[sflag:s0] =	ssyncset.done $0x0  }
0x2a: {  	[sflag:s0] =	ssyncadd.s32 $0xFFFFFE00  }
0x2b: {  	[tilespmem:s8], [sflag:$0x4] =	stream.indirect.gather [hbm4b:s7+s1], $0x40, s31, s1, $0xb8;
	[tilespmem:$0x18C00] =	vst v63  }
0x2c: {  	s30 =	rddreg [dreg:$0x5]  }
0x2d: {  	[tilespmem:s1], [sflag:$0x2] =	stream.linear.gather [hbm4b:s30+s3], $0x200, $0x38;
	[tilespmem:$0x18C00] =	vst v63  }
0x2e: {  	s12 =	rddreg [dreg:$0x7]  }
0x2f: {  	[tilespmem:s9], [sflag:$0x2] =	stream.linear.gather [hbm4b:s12+s3], $0x200, $0x38;
	[tilespmem:$0x18C00] =	vst v63  }
0x30: {  	s19 =	rddreg [dreg:$0x8]  }
0x31: {  	[tilespmem:s10], [sflag:$0x3] =	stream.linear.gather [hbm4b:s19+s3], $0x200, $0x38;
	[tilespmem:$0x18C00] =	vst v63  }
0x32: {  	s30 =	rddreg [dreg:$0x9]  }
0x33: {  	[tilespmem:s13], [sflag:$0x3] =	stream.linear.gather [hbm4b:s30+s3], $0x200, $0x38;
	[tilespmem:$0x18C00] =	vst v63  }
0x34: {  	_ =	swait.ge [sflag:s14], $0x8000  }
0x35: {  	[sflag:s14] =	ssyncset.done $0x0  }
0x36: {  	[sflag:s14] =	ssyncadd.s32 $0xFFFF8000  }
0x37: {  	[tilespmem:s8], [sflag:$0x4] =	stream.indirect.gather.add.f32 [hbm:s4], $0x40, s3, s1, $0xb8;
	[tilespmem:$0x18C00] =	vst v63  }
0x38: {  	_ =	swait.ge [sflag:s15], $0x200  }
0x39: {  	[sflag:s15] =	ssyncset.done $0x0  }
0x3a: {  	[sflag:s15] =	ssyncadd.s32 $0xFFFFFE00  }
0x3b: {  	_ =	swait.ge [sflag:s15], $0x200  }
0x3c: {  	[sflag:s15] =	ssyncset.done $0x0  }
0x3d: {  	[sflag:s15] =	ssyncadd.s32 $0xFFFFFE00  }
0x3e: {  	[tilespmem:s16], [sflag:$0x5] =	stream.indirect.gather [hbm4b:s7+s1], $0x40, s9, s1, $0xb8;
	[tilespmem:$0x18C00] =	vst v63  }
0x3f: {  	_ =	swait.ge [sflag:s14], $0x8000  }
0x40: {  	[sflag:s14] =	ssyncset.done $0x0  }
0x41: {  	s11 =	simm.s32 $0xC40;
	[sflag:s14] =	ssyncadd.s32 $0xFFFF8000  }
0x42: {  	v1 =	vld [tilespmem:s11+$0xFFFFFFC0];
	_ =	sdelay $0x1  }
0x43: {  	v4 =	vld [tilespmem:s11+$0xFFFFFFD0]  }
0x44: {  	v6 =	vld [tilespmem:s11+$0xFFFFFFE0]  }
0x45: {  	v2 =	vld [tilespmem:s11+$0x0]  }
0x46: {  	v0 =	vld [tilespmem:s11+$0x10];
	v5 =	vmul.f32 $8.000000000e+00, v1  }
0x47: {  	v3 =	vld [tilespmem:s11+$0x20]  }
0x48: {  	v1 =	vld [tilespmem:s11+$0x30];
	[tilespmem:s11+$0xFFFFFFC0] =	vst v5;
	v5 =	vmul.f32 $8.000000000e+00, v4  }
0x49: {  	s29 =	simm.s32 $0xCC0;
	s12 =	simm.s32 $0x0;
	v6 =	vmul.f32 $8.000000000e+00, v6;
	v4 =	vld [tilespmem:s11+$0xFFFFFFF0]  }
.LBB2_2:
0x4a: {  	v7 =	vld [tilespmem:s29+$0xFFFFFFC0];
	[tilespmem:s11+$0xFFFFFFD0] =	vst v5;
	v2 =	vmul.f32 $8.000000000e+00, v2  }
0x4b: {  	s12 =	sadd.s32 $0x2, s12;
	v5 =	vld [tilespmem:s29+$0xFFFFFFD0];
	[tilespmem:s11+$0xFFFFFFE0] =	vst v6;
	v0 =	vmul.f32 $8.000000000e+00, v0  }
0x4c: {  	p0 =	slt.u32 s12, $0x1FE;
	v6 =	vld [tilespmem:s29+$0xFFFFFFE0];
	[tilespmem:s11+$0x0] =	vst v2;
	v3 =	vmul.f32 $8.000000000e+00, v3  }
.Ltmp0:
0x4d: {  	v2 =	vld [tilespmem:s29+$0x0];
	[tilespmem:s11+$0x10] =	vst v0;
	v1 =	vmul.f32 $8.000000000e+00, v1;
	(pc) =	sbr.rel @p0 .LBB2_2-.Ltmp0, $4  }
0x4e: {  	v0 =	vld [tilespmem:s29+$0x10];
	v4 =	vmul.f32 $8.000000000e+00, v4;
	[tilespmem:s11+$0x20] =	vst v3  }
0x4f: {  	v7 =	vmul.f32 $8.000000000e+00, v7;
	v3 =	vld [tilespmem:s29+$0x20];
	[tilespmem:s11+$0x30] =	vst v1  }
0x50: {  	v5 =	vmul.f32 $8.000000000e+00, v5;
	v1 =	vld [tilespmem:s29+$0x30];
	[tilespmem:s11+$0xFFFFFFF0] =	vst v4;
	s11 =	smov.u32 s29  }
0x51: {  	s29 =	sadd.s32 $0x80, s29;
	[tilespmem:s11+$0xFFFFFFC0] =	vst v7;
	v6 =	vmul.f32 $8.000000000e+00, v6;
	v4 =	vld [tilespmem:s11+$0xFFFFFFF0]  }
0x52: {  	[tilespmem:s11+$0xFFFFFFD0] =	vst v5;
	v2 =	vmul.f32 $8.000000000e+00, v2  }
0x53: {  	[tilespmem:s11+$0xFFFFFFE0] =	vst v6;
	v0 =	vmul.f32 $8.000000000e+00, v0  }
0x54: {  	[tilespmem:s11+$0x0] =	vst v2;
	v61 =	vmul.f32 $8.000000000e+00, v3  }
0x55: {  	[tilespmem:s11+$0x10] =	vst v0;
	v62 =	vmul.f32 $8.000000000e+00, v1  }
0x56: {  	v63 =	vmul.f32 $8.000000000e+00, v4;
	[tilespmem:s11+$0x20] =	vst v61  }
0x57: {  	[tilespmem:s11+$0x30] =	vst v62  }
0x58: {  	s30 =	simm.s32 $0x0;
	s12 =	rddreg [dreg:$0xa];
	[tilespmem:s11+$0xFFFFFFF0] =	vst v63  }
0x59: {  	[hbm4b:s12+s30] =	stream.linear.scatter [tilespmem:s8], [sflag:$0x7], $0x8000, $0x38;
	[tilespmem:$0x18C00] =	vst v63  }
0x5a: {  	s19 =	rddreg [dreg:$0xb]  }
0x5b: {  	[tilespmem:s30], [sflag:$0x1] =	stream.linear.gather [hbm4b:s19+s30], $0x200, $0x38;
	[tilespmem:$0x18C00] =	vst v63  }
0x5c: {  	s29 =	rddreg [dreg:$0xc]  }
0x5d: {  	[tilespmem:s31], [sflag:$0x1] =	stream.linear.gather [hbm4b:s29+s30], $0x200, $0x38;
	[tilespmem:$0x18C00] =	vst v63  }
0x5e: {  	_ =	swait.ge [sflag:s17], $0x200  }
0x5f: {  	[sflag:s17] =	ssyncset.done $0x0  }
0x60: {  	[sflag:s17] =	ssyncadd.s32 $0xFFFFFE00  }
0x61: {  	_ =	swait.ge [sflag:s17], $0x200  }
0x62: {  	[sflag:s17] =	ssyncset.done $0x0  }
0x63: {  	[sflag:s17] =	ssyncadd.s32 $0xFFFFFE00  }
0x64: {  	[tilespmem:s18], [sflag:$0x6] =	stream.indirect.gather [hbm4b:s7+s1], $0x40, s13, s1, $0xb8;
	[tilespmem:$0x18C00] =	vst v63  }
0x65: {  	_ =	swait.ge [sflag:s23], $0x8000  }
0x66: {  	[sflag:s23] =	ssyncset.done $0x0  }
0x67: {  	[sflag:s23] =	ssyncadd.s32 $0xFFFF8000  }
0x68: {  	[tilespmem:s16], [sflag:$0x5] =	stream.indirect.gather.add.f32 [hbm:s4], $0x40, s1, s1, $0xb8;
	[tilespmem:$0x18C00] =	vst v63  }
.LBB2_4:
0x69: {  	_ =	swait.ge [sflag:s23], $0x8000  }
0x6a: {  	[sflag:s23] =	ssyncset.done $0x0  }
0x6b: {  	s11 =	simm.s32 $0x8C00;
	[sflag:s23] =	ssyncadd.s32 $0xFFFF8000  }
0x6c: {  	v0 =	vld [tilespmem:s11+$0x20]  }
0x6d: {  	v5 =	vld [tilespmem:s11+$0x0]  }
0x6e: {  	v6 =	vld [tilespmem:s11+$0x70]  }
0x6f: {  	v4 =	vld [tilespmem:s11+$0x60]  }
0x70: {  	v3 =	vld [tilespmem:s11+$0x50]  }
0x71: {  	v1 =	vld [tilespmem:s11+$0x40];
	v7 =	vmul.f32 $8.000000000e+00, v0  }
0x72: {  	v2 =	vld [tilespmem:s11+$0x30];
	v5 =	vmul.f32 $8.000000000e+00, v5  }
0x73: {  	s29 =	simm.s32 $0x0;
	s12 =	simm.s32 $0x8C80;
	v0 =	vld [tilespmem:s11+$0x10];
	v6 =	vmul.f32 $8.000000000e+00, v6;
	[tilespmem:s11+$0x20] =	vst v7  }
.LBB2_5:
0x74: {  	v7 =	vld [tilespmem:s12+$0x20];
	s29 =	sadd.s32 $0x2, s29;
	[tilespmem:s11+$0x0] =	vst v5;
	v4 =	vmul.f32 $8.000000000e+00, v4  }
0x75: {  	v5 =	vld [tilespmem:s12+$0x0];
	p0 =	slt.u32 s29, $0x1FE;
	v3 =	vmul.f32 $8.000000000e+00, v3;
	[tilespmem:s11+$0x70] =	vst v6  }
0x76: {  	v6 =	vld [tilespmem:s12+$0x70];
	v1 =	vmul.f32 $8.000000000e+00, v1;
	[tilespmem:s11+$0x60] =	vst v4  }
.Ltmp1:
0x77: {  	v4 =	vld [tilespmem:s12+$0x60];
	v2 =	vmul.f32 $8.000000000e+00, v2;
	[tilespmem:s11+$0x50] =	vst v3;
	(pc) =	sbr.rel @p0 .LBB2_5-.Ltmp1, $4  }
0x78: {  	v3 =	vld [tilespmem:s12+$0x50];
	v0 =	vmul.f32 $8.000000000e+00, v0;
	[tilespmem:s11+$0x40] =	vst v1  }
0x79: {  	v7 =	vmul.f32 $8.000000000e+00, v7;
	v1 =	vld [tilespmem:s12+$0x40];
	[tilespmem:s11+$0x30] =	vst v2  }
0x7a: {  	v5 =	vmul.f32 $8.000000000e+00, v5;
	v2 =	vld [tilespmem:s12+$0x30];
	[tilespmem:s11+$0x10] =	vst v0;
	s11 =	smov.u32 s12  }
0x7b: {  	s12 =	sadd.s32 $0x80, s12;
	v0 =	vld [tilespmem:s11+$0x10];
	[tilespmem:s11+$0x20] =	vst v7;
	v6 =	vmul.f32 $8.000000000e+00, v6  }
0x7c: {  	[tilespmem:s11+$0x0] =	vst v5;
	v4 =	vmul.f32 $8.000000000e+00, v4;
	s29 =	smul.u32 $0x600, s30  }
0x7d: {  	s12 =	rddreg [dreg:$0xd];
	v3 =	vmul.f32 $8.000000000e+00, v3;
	[tilespmem:s11+$0x70] =	vst v6  }
0x7e: {  	v1 =	vmul.f32 $8.000000000e+00, v1;
	[tilespmem:s11+$0x60] =	vst v4;
	s12 =	sadd.s32 s29, s12  }
0x7f: {  	v2 =	vmul.f32 $8.000000000e+00, v2;
	[tilespmem:s11+$0x50] =	vst v3;
	s12 =	sshll.u32 s12, $0x3  }
0x80: {  	v0 =	vmul.f32 $8.000000000e+00, v0;
	[tilespmem:s11+$0x40] =	vst v1;
	s12 =	sand.u32 $0x1FFFF000, s12  }
0x81: {  	[tilespmem:s11+$0x30] =	vst v2;
	s19 =	sadd.s32 s2, s12;
	s12 =	rddreg [dreg:$0xe]  }
0x82: {  	[tilespmem:s11+$0x10] =	vst v0;
	s11 =	sadd.s32 s29, s12  }
0x83: {  	[hbm4b:s19+s3] =	stream.linear.scatter [tilespmem:s16], [sflag:$0x8], $0x8000, $0x38;
	[tilespmem:$0x18C00] =	vst v63  }
0x84: {  	s11 =	sshrl.u32 s11, $0x3  }
0x85: {  	s19 =	sadd.s32 s5, s11  }
0x86: {  	[tilespmem:s1], [sflag:$0x2] =	stream.linear.gather [hbm4b:s19+s3], $0x200, $0x38;
	[tilespmem:$0x18C00] =	vst v63  }
0x87: {  	s11 =	sadd.s32 s6, s11  }
0x88: {  	[tilespmem:s9], [sflag:$0x2] =	stream.linear.gather [hbm4b:s11+s3], $0x200, $0x38;
	[tilespmem:$0x18C00] =	vst v63  }
0x89: {  	_ =	swait.ge [sflag:s24], $0x8000  }
0x8a: {  	[sflag:s24] =	ssyncset.done $0x0  }
0x8b: {  	[sflag:s24] =	ssyncadd.s32 $0xFFFF8000  }
0x8c: {  	_ =	swait.ge [sflag:s0], $0x200  }
0x8d: {  	[sflag:s0] =	ssyncset.done $0x0  }
0x8e: {  	[sflag:s0] =	ssyncadd.s32 $0xFFFFFE00  }
0x8f: {  	_ =	swait.ge [sflag:s0], $0x200  }
0x90: {  	[sflag:s0] =	ssyncset.done $0x0  }
0x91: {  	[sflag:s0] =	ssyncadd.s32 $0xFFFFFE00  }
0x92: {  	[tilespmem:s8], [sflag:$0x4] =	stream.indirect.gather [hbm4b:s7+s1], $0x40, s31, s1, $0xb8;
	[tilespmem:$0x18C00] =	vst v63  }
0x93: {  	_ =	swait.ge [sflag:s25], $0x8000  }
0x94: {  	[sflag:s25] =	ssyncset.done $0x0  }
0x95: {  	s11 =	simm.s32 $0x10C00;
	[sflag:s25] =	ssyncadd.s32 $0xFFFF8000  }
0x96: {  	[tilespmem:s11], [sflag:$0x6] =	stream.indirect.gather.add.f32 [hbm:s4], $0x40, s10, s1, $0xb8;
	[tilespmem:$0x18C00] =	vst v63  }
0x97: {  	_ =	swait.ge [sflag:s25], $0x8000  }
0x98: {  	[sflag:s25] =	ssyncset.done $0x0  }
0x99: {  	[sflag:s25] =	ssyncadd.s32 $0xFFFF8000  }
0x9a: {  	v0 =	vld [tilespmem:s11+$0x20]  }
0x9b: {  	v5 =	vld [tilespmem:s11+$0x0]  }
0x9c: {  	v6 =	vld [tilespmem:s11+$0x70]  }
0x9d: {  	v4 =	vld [tilespmem:s11+$0x60]  }
0x9e: {  	v1 =	vld [tilespmem:s11+$0x50]  }
0x9f: {  	v2 =	vld [tilespmem:s11+$0x40];
	v7 =	vmul.f32 $8.000000000e+00, v0  }
0xa0: {  	v3 =	vld [tilespmem:s11+$0x30];
	v5 =	vmul.f32 $8.000000000e+00, v5  }
0xa1: {  	s12 =	simm.s32 $0x0;
	s19 =	simm.s32 $0x10C80;
	v0 =	vld [tilespmem:s11+$0x10];
	v6 =	vmul.f32 $8.000000000e+00, v6;
	[tilespmem:s11+$0x20] =	vst v7  }
.LBB2_7:
0xa2: {  	v7 =	vld [tilespmem:s19+$0x20];
	s12 =	sadd.s32 $0x2, s12;
	[tilespmem:s11+$0x0] =	vst v5;
	v4 =	vmul.f32 $8.000000000e+00, v4  }
0xa3: {  	v5 =	vld [tilespmem:s19+$0x0];
	p0 =	slt.u32 s12, $0x1FE;
	v1 =	vmul.f32 $8.000000000e+00, v1;
	[tilespmem:s11+$0x70] =	vst v6  }
0xa4: {  	v6 =	vld [tilespmem:s19+$0x70];
	v2 =	vmul.f32 $8.000000000e+00, v2;
	[tilespmem:s11+$0x60] =	vst v4  }
.Ltmp2:
0xa5: {  	v4 =	vld [tilespmem:s19+$0x60];
	v3 =	vmul.f32 $8.000000000e+00, v3;
	[tilespmem:s11+$0x50] =	vst v1;
	(pc) =	sbr.rel @p0 .LBB2_7-.Ltmp2, $4  }
0xa6: {  	v1 =	vld [tilespmem:s19+$0x50];
	v0 =	vmul.f32 $8.000000000e+00, v0;
	[tilespmem:s11+$0x40] =	vst v2  }
0xa7: {  	v7 =	vmul.f32 $8.000000000e+00, v7;
	v2 =	vld [tilespmem:s19+$0x40];
	[tilespmem:s11+$0x30] =	vst v3  }
0xa8: {  	v5 =	vmul.f32 $8.000000000e+00, v5;
	v3 =	vld [tilespmem:s19+$0x30];
	[tilespmem:s11+$0x10] =	vst v0;
	s11 =	smov.u32 s19  }
0xa9: {  	s19 =	sadd.s32 $0x80, s19;
	v0 =	vld [tilespmem:s11+$0x10];
	[tilespmem:s11+$0x20] =	vst v7;
	v6 =	vmul.f32 $8.000000000e+00, v6  }
0xaa: {  	[tilespmem:s11+$0x0] =	vst v5;
	v4 =	vmul.f32 $8.000000000e+00, v4  }
0xab: {  	s12 =	rddreg [dreg:$0x6];
	v1 =	vmul.f32 $8.000000000e+00, v1;
	[tilespmem:s11+$0x70] =	vst v6  }
0xac: {  	s12 =	sadd.s32 s29, s12;
	v2 =	vmul.f32 $8.000000000e+00, v2;
	[tilespmem:s11+$0x60] =	vst v4  }
0xad: {  	s12 =	sshll.u32 s12, $0x3;
	v3 =	vmul.f32 $8.000000000e+00, v3;
	[tilespmem:s11+$0x50] =	vst v1  }
0xae: {  	s12 =	sand.u32 $0x1FFFF000, s12;
	v0 =	vmul.f32 $8.000000000e+00, v0;
	[tilespmem:s11+$0x40] =	vst v2  }
0xaf: {  	s19 =	sadd.s32 s2, s12;
	s12 =	sadd.s32 s29, s21;
	[tilespmem:s11+$0x30] =	vst v3  }
0xb0: {  	[tilespmem:s11+$0x10] =	vst v0;
	s11 =	sshrl.u32 s12, $0x3  }
0xb1: {  	[hbm4b:s19+s3] =	stream.linear.scatter [tilespmem:s18], [sflag:$0x9], $0x8000, $0x38;
	[tilespmem:$0x18C00] =	vst v63  }
0xb2: {  	s19 =	sadd.s32 s5, s11  }
0xb3: {  	[tilespmem:s10], [sflag:$0x3] =	stream.linear.gather [hbm4b:s19+s3], $0x200, $0x38;
	[tilespmem:$0x18C00] =	vst v63  }
0xb4: {  	s11 =	sadd.s32 s6, s11  }
0xb5: {  	[tilespmem:s13], [sflag:$0x3] =	stream.linear.gather [hbm4b:s11+s3], $0x200, $0x38;
	[tilespmem:$0x18C00] =	vst v63  }
0xb6: {  	_ =	swait.ge [sflag:s26], $0x8000  }
0xb7: {  	[sflag:s26] =	ssyncset.done $0x0  }
0xb8: {  	[sflag:s26] =	ssyncadd.s32 $0xFFFF8000  }
0xb9: {  	_ =	swait.ge [sflag:s15], $0x200  }
0xba: {  	[sflag:s15] =	ssyncset.done $0x0  }
0xbb: {  	[sflag:s15] =	ssyncadd.s32 $0xFFFFFE00  }
0xbc: {  	_ =	swait.ge [sflag:s15], $0x200  }
0xbd: {  	[sflag:s15] =	ssyncset.done $0x0  }
0xbe: {  	[sflag:s15] =	ssyncadd.s32 $0xFFFFFE00  }
0xbf: {  	[tilespmem:s16], [sflag:$0x5] =	stream.indirect.gather [hbm4b:s7+s1], $0x40, s9, s1, $0xb8;
	[tilespmem:$0x18C00] =	vst v63  }
0xc0: {  	_ =	swait.ge [sflag:s14], $0x8000  }
0xc1: {  	[sflag:s14] =	ssyncset.done $0x0  }
0xc2: {  	[sflag:s14] =	ssyncadd.s32 $0xFFFF8000  }
0xc3: {  	[tilespmem:s8], [sflag:$0x4] =	stream.indirect.gather.add.f32 [hbm:s4], $0x40, s3, s1, $0xb8;
	[tilespmem:$0x18C00] =	vst v63  }
0xc4: {  	_ =	swait.ge [sflag:s14], $0x8000  }
0xc5: {  	[sflag:s14] =	ssyncset.done $0x0  }
0xc6: {  	s11 =	simm.s32 $0xC40;
	[sflag:s14] =	ssyncadd.s32 $0xFFFF8000  }
0xc7: {  	v1 =	vld [tilespmem:s11+$0xFFFFFFC0];
	_ =	sdelay $0x1  }
0xc8: {  	v4 =	vld [tilespmem:s11+$0xFFFFFFD0]  }
0xc9: {  	v6 =	vld [tilespmem:s11+$0xFFFFFFE0]  }
0xca: {  	v2 =	vld [tilespmem:s11+$0x0]  }
0xcb: {  	v0 =	vld [tilespmem:s11+$0x10];
	v5 =	vmul.f32 $8.000000000e+00, v1  }
0xcc: {  	v3 =	vld [tilespmem:s11+$0x20]  }
0xcd: {  	v1 =	vld [tilespmem:s11+$0x30];
	[tilespmem:s11+$0xFFFFFFC0] =	vst v5;
	v5 =	vmul.f32 $8.000000000e+00, v4  }
0xce: {  	s12 =	simm.s32 $0x0;
	s19 =	simm.s32 $0xCC0;
	v6 =	vmul.f32 $8.000000000e+00, v6;
	v4 =	vld [tilespmem:s11+$0xFFFFFFF0]  }
.LBB2_9:
0xcf: {  	v7 =	vld [tilespmem:s19+$0xFFFFFFC0];
	[tilespmem:s11+$0xFFFFFFD0] =	vst v5;
	v2 =	vmul.f32 $8.000000000e+00, v2  }
0xd0: {  	s12 =	sadd.s32 $0x2, s12;
	v5 =	vld [tilespmem:s19+$0xFFFFFFD0];
	[tilespmem:s11+$0xFFFFFFE0] =	vst v6;
	v0 =	vmul.f32 $8.000000000e+00, v0  }
0xd1: {  	p0 =	slt.u32 s12, $0x1FE;
	v6 =	vld [tilespmem:s19+$0xFFFFFFE0];
	[tilespmem:s11+$0x0] =	vst v2;
	v3 =	vmul.f32 $8.000000000e+00, v3  }
.Ltmp3:
0xd2: {  	v2 =	vld [tilespmem:s19+$0x0];
	[tilespmem:s11+$0x10] =	vst v0;
	v1 =	vmul.f32 $8.000000000e+00, v1;
	(pc) =	sbr.rel @p0 .LBB2_9-.Ltmp3, $4  }
0xd3: {  	v0 =	vld [tilespmem:s19+$0x10];
	v4 =	vmul.f32 $8.000000000e+00, v4;
	[tilespmem:s11+$0x20] =	vst v3  }
0xd4: {  	v7 =	vmul.f32 $8.000000000e+00, v7;
	v3 =	vld [tilespmem:s19+$0x20];
	[tilespmem:s11+$0x30] =	vst v1  }
0xd5: {  	v5 =	vmul.f32 $8.000000000e+00, v5;
	v1 =	vld [tilespmem:s19+$0x30];
	[tilespmem:s11+$0xFFFFFFF0] =	vst v4;
	s11 =	smov.u32 s19  }
0xd6: {  	s19 =	sadd.s32 $0x80, s19;
	[tilespmem:s11+$0xFFFFFFC0] =	vst v7;
	v6 =	vmul.f32 $8.000000000e+00, v6;
	v4 =	vld [tilespmem:s11+$0xFFFFFFF0]  }
0xd7: {  	[tilespmem:s11+$0xFFFFFFD0] =	vst v5;
	v2 =	vmul.f32 $8.000000000e+00, v2  }
0xd8: {  	[tilespmem:s11+$0xFFFFFFE0] =	vst v6;
	v0 =	vmul.f32 $8.000000000e+00, v0  }
0xd9: {  	[tilespmem:s11+$0x0] =	vst v2;
	v61 =	vmul.f32 $8.000000000e+00, v3  }
0xda: {  	s12 =	sadd.s32 s29, s20;
	[tilespmem:s11+$0x10] =	vst v0;
	v62 =	vmul.f32 $8.000000000e+00, v1  }
0xdb: {  	s12 =	sshll.u32 s12, $0x3;
	v63 =	vmul.f32 $8.000000000e+00, v4;
	[tilespmem:s11+$0x20] =	vst v61  }
0xdc: {  	s19 =	sadd.s32 s29, s22;
	s12 =	sand.u32 $0x1FFFF000, s12;
	[tilespmem:s11+$0x30] =	vst v62  }
0xdd: {  	s12 =	sadd.s32 s2, s12;
	[tilespmem:s11+$0xFFFFFFF0] =	vst v63;
	s11 =	sshrl.u32 s19, $0x3  }
0xde: {  	[hbm4b:s12+s3] =	stream.linear.scatter [tilespmem:s8], [sflag:$0x7], $0x8000, $0x38;
	[tilespmem:$0x18C00] =	vst v63  }
0xdf: {  	s29 =	sadd.s32 s5, s11  }
0xe0: {  	[tilespmem:s3], [sflag:$0x1] =	stream.linear.gather [hbm4b:s29+s3], $0x200, $0x38;
	[tilespmem:$0x18C00] =	vst v63  }
0xe1: {  	s11 =	sadd.s32 s6, s11  }
0xe2: {  	[tilespmem:s31], [sflag:$0x1] =	stream.linear.gather [hbm4b:s11+s3], $0x200, $0x38;
	[tilespmem:$0x18C00] =	vst v63  }
0xe3: {  	_ =	swait.ge [sflag:s28], $0x8000  }
0xe4: {  	[sflag:s28] =	ssyncset.done $0x0  }
0xe5: {  	[sflag:s28] =	ssyncadd.s32 $0xFFFF8000  }
0xe6: {  	_ =	swait.ge [sflag:s17], $0x200  }
0xe7: {  	[sflag:s17] =	ssyncset.done $0x0  }
0xe8: {  	[sflag:s17] =	ssyncadd.s32 $0xFFFFFE00  }
0xe9: {  	_ =	swait.ge [sflag:s17], $0x200  }
0xea: {  	s30 =	sadd.s32 $0x1, s30;
	[sflag:s17] =	ssyncset.done $0x0  }
0xeb: {  	p0 =	sne.s32 s30, $0xF;
	[sflag:s17] =	ssyncadd.s32 $0xFFFFFE00  }
0xec: {  	[tilespmem:s18], [sflag:$0x6] =	stream.indirect.gather [hbm4b:s7+s1], $0x40, s13, s1, $0xb8;
	[tilespmem:$0x18C00] =	vst v63  }
.Ltmp4:
0xed: {  	_ = 	snop;
	(pc) =	sbr.rel @p0 .LBB2_4-.Ltmp4, $4  }
0xee: {  	_ =	swait.ge [sflag:s23], $0x8000  }
0xef: {  	[sflag:s23] =	ssyncset.done $0x0  }
0xf0: {  	[sflag:s23] =	ssyncadd.s32 $0xFFFF8000  }
0xf1: {  	[tilespmem:s16], [sflag:$0x5] =	stream.indirect.gather.add.f32 [hbm:s4], $0x40, s1, s1, $0xb8;
	[tilespmem:$0x18C00] =	vst v63  }
0xf2: {  	_ =	swait.ge [sflag:s23], $0x8000  }
0xf3: {  	[sflag:s23] =	ssyncset.done $0x0  }
0xf4: {  	s11 =	simm.s32 $0x8C00;
	[sflag:s23] =	ssyncadd.s32 $0xFFFF8000  }
0xf5: {  	v0 =	vld [tilespmem:s11+$0x20]  }
0xf6: {  	v5 =	vld [tilespmem:s11+$0x0]  }
0xf7: {  	v6 =	vld [tilespmem:s11+$0x70]  }
0xf8: {  	v4 =	vld [tilespmem:s11+$0x60]  }
0xf9: {  	v1 =	vld [tilespmem:s11+$0x50]  }
0xfa: {  	v2 =	vld [tilespmem:s11+$0x40];
	v7 =	vmul.f32 $8.000000000e+00, v0  }
0xfb: {  	v3 =	vld [tilespmem:s11+$0x30];
	v5 =	vmul.f32 $8.000000000e+00, v5  }
0xfc: {  	s12 =	simm.s32 $0x0;
	s19 =	simm.s32 $0x8C80;
	v0 =	vld [tilespmem:s11+$0x10];
	v6 =	vmul.f32 $8.000000000e+00, v6;
	[tilespmem:s11+$0x20] =	vst v7  }
.LBB2_12:
0xfd: {  	v7 =	vld [tilespmem:s19+$0x20];
	s12 =	sadd.s32 $0x2, s12;
	[tilespmem:s11+$0x0] =	vst v5;
	v4 =	vmul.f32 $8.000000000e+00, v4  }
0xfe: {  	v5 =	vld [tilespmem:s19+$0x0];
	p0 =	slt.u32 s12, $0x1FE;
	v1 =	vmul.f32 $8.000000000e+00, v1;
	[tilespmem:s11+$0x70] =	vst v6  }
0xff: {  	v6 =	vld [tilespmem:s19+$0x70];
	v2 =	vmul.f32 $8.000000000e+00, v2;
	[tilespmem:s11+$0x60] =	vst v4  }
.Ltmp5:
0x100: {  	v4 =	vld [tilespmem:s19+$0x60];
	v3 =	vmul.f32 $8.000000000e+00, v3;
	[tilespmem:s11+$0x50] =	vst v1;
	(pc) =	sbr.rel @p0 .LBB2_12-.Ltmp5, $4  }
0x101: {  	v1 =	vld [tilespmem:s19+$0x50];
	v0 =	vmul.f32 $8.000000000e+00, v0;
	[tilespmem:s11+$0x40] =	vst v2  }
0x102: {  	v7 =	vmul.f32 $8.000000000e+00, v7;
	v2 =	vld [tilespmem:s19+$0x40];
	[tilespmem:s11+$0x30] =	vst v3  }
0x103: {  	v5 =	vmul.f32 $8.000000000e+00, v5;
	v3 =	vld [tilespmem:s19+$0x30];
	[tilespmem:s11+$0x10] =	vst v0;
	s11 =	smov.u32 s19  }
0x104: {  	s19 =	sadd.s32 $0x80, s19;
	v0 =	vld [tilespmem:s11+$0x10];
	[tilespmem:s11+$0x20] =	vst v7;
	v6 =	vmul.f32 $8.000000000e+00, v6  }
0x105: {  	[tilespmem:s11+$0x0] =	vst v5;
	v4 =	vmul.f32 $8.000000000e+00, v4  }
0x106: {  	v1 =	vmul.f32 $8.000000000e+00, v1;
	[tilespmem:s11+$0x70] =	vst v6  }
0x107: {  	v2 =	vmul.f32 $8.000000000e+00, v2;
	[tilespmem:s11+$0x60] =	vst v4  }
0x108: {  	v3 =	vmul.f32 $8.000000000e+00, v3;
	[tilespmem:s11+$0x50] =	vst v1  }
0x109: {  	v0 =	vmul.f32 $8.000000000e+00, v0;
	[tilespmem:s11+$0x40] =	vst v2  }
0x10a: {  	[tilespmem:s11+$0x30] =	vst v3  }
0x10b: {  	s19 =	rddreg [dreg:$0x11];
	[tilespmem:s11+$0x10] =	vst v0  }
0x10c: {  	[hbm4b:s19+s3] =	stream.linear.scatter [tilespmem:s16], [sflag:$0x8], $0x8000, $0x38;
	[tilespmem:$0x18C00] =	vst v63  }
0x10d: {  	s29 =	rddreg [dreg:$0xf]  }
0x10e: {  	[tilespmem:s1], [sflag:$0x2] =	stream.linear.gather [hbm4b:s29+s3], $0x200, $0x38;
	[tilespmem:$0x18C00] =	vst v63  }
0x10f: {  	s30 =	rddreg [dreg:$0x10]  }
0x110: {  	[tilespmem:s9], [sflag:$0x2] =	stream.linear.gather [hbm4b:s30+s3], $0x200, $0x38;
	[tilespmem:$0x18C00] =	vst v63  }
0x111: {  	_ =	swait.ge [sflag:s24], $0x8000  }
0x112: {  	[sflag:s24] =	ssyncset.done $0x0  }
0x113: {  	[sflag:s24] =	ssyncadd.s32 $0xFFFF8000  }
0x114: {  	_ =	swait.ge [sflag:s0], $0x200  }
0x115: {  	[sflag:s0] =	ssyncset.done $0x0  }
0x116: {  	[sflag:s0] =	ssyncadd.s32 $0xFFFFFE00  }
0x117: {  	_ =	swait.ge [sflag:s0], $0x200  }
0x118: {  	[sflag:s0] =	ssyncset.done $0x0  }
0x119: {  	[sflag:s0] =	ssyncadd.s32 $0xFFFFFE00  }
0x11a: {  	[tilespmem:s8], [sflag:$0x4] =	stream.indirect.gather [hbm4b:s7+s1], $0x40, s31, s1, $0xb8;
	[tilespmem:$0x18C00] =	vst v63  }
0x11b: {  	_ =	swait.ge [sflag:s25], $0x8000  }
0x11c: {  	[sflag:s25] =	ssyncset.done $0x0  }
0x11d: {  	s11 =	simm.s32 $0x10C00;
	[sflag:s25] =	ssyncadd.s32 $0xFFFF8000  }
0x11e: {  	[tilespmem:s11], [sflag:$0x6] =	stream.indirect.gather.add.f32 [hbm:s4], $0x40, s10, s1, $0xb8;
	[tilespmem:$0x18C00] =	vst v63  }
0x11f: {  	_ =	swait.ge [sflag:s25], $0x8000  }
0x120: {  	[sflag:s25] =	ssyncset.done $0x0  }
0x121: {  	[sflag:s25] =	ssyncadd.s32 $0xFFFF8000  }
0x122: {  	v0 =	vld [tilespmem:s11+$0x20]  }
0x123: {  	v5 =	vld [tilespmem:s11+$0x0]  }
0x124: {  	v6 =	vld [tilespmem:s11+$0x70]  }
0x125: {  	v4 =	vld [tilespmem:s11+$0x60]  }
0x126: {  	v1 =	vld [tilespmem:s11+$0x50]  }
0x127: {  	v2 =	vld [tilespmem:s11+$0x40];
	v7 =	vmul.f32 $8.000000000e+00, v0  }
0x128: {  	v3 =	vld [tilespmem:s11+$0x30];
	v5 =	vmul.f32 $8.000000000e+00, v5  }
0x129: {  	s12 =	simm.s32 $0x0;
	s19 =	simm.s32 $0x10C80;
	v0 =	vld [tilespmem:s11+$0x10];
	v6 =	vmul.f32 $8.000000000e+00, v6;
	[tilespmem:s11+$0x20] =	vst v7  }
.LBB2_14:
0x12a: {  	v7 =	vld [tilespmem:s19+$0x20];
	s12 =	sadd.s32 $0x2, s12;
	[tilespmem:s11+$0x0] =	vst v5;
	v4 =	vmul.f32 $8.000000000e+00, v4  }
0x12b: {  	v5 =	vld [tilespmem:s19+$0x0];
	p0 =	slt.u32 s12, $0x1FE;
	v1 =	vmul.f32 $8.000000000e+00, v1;
	[tilespmem:s11+$0x70] =	vst v6  }
0x12c: {  	v6 =	vld [tilespmem:s19+$0x70];
	v2 =	vmul.f32 $8.000000000e+00, v2;
	[tilespmem:s11+$0x60] =	vst v4  }
.Ltmp6:
0x12d: {  	v4 =	vld [tilespmem:s19+$0x60];
	v3 =	vmul.f32 $8.000000000e+00, v3;
	[tilespmem:s11+$0x50] =	vst v1;
	(pc) =	sbr.rel @p0 .LBB2_14-.Ltmp6, $4  }
0x12e: {  	v1 =	vld [tilespmem:s19+$0x50];
	v0 =	vmul.f32 $8.000000000e+00, v0;
	[tilespmem:s11+$0x40] =	vst v2  }
0x12f: {  	v7 =	vmul.f32 $8.000000000e+00, v7;
	v2 =	vld [tilespmem:s19+$0x40];
	[tilespmem:s11+$0x30] =	vst v3  }
0x130: {  	v5 =	vmul.f32 $8.000000000e+00, v5;
	v3 =	vld [tilespmem:s19+$0x30];
	[tilespmem:s11+$0x10] =	vst v0;
	s11 =	smov.u32 s19  }
0x131: {  	s19 =	sadd.s32 $0x80, s19;
	v0 =	vld [tilespmem:s11+$0x10];
	[tilespmem:s11+$0x20] =	vst v7;
	v6 =	vmul.f32 $8.000000000e+00, v6  }
0x132: {  	[tilespmem:s11+$0x0] =	vst v5;
	v4 =	vmul.f32 $8.000000000e+00, v4  }
0x133: {  	v1 =	vmul.f32 $8.000000000e+00, v1;
	[tilespmem:s11+$0x70] =	vst v6  }
0x134: {  	v2 =	vmul.f32 $8.000000000e+00, v2;
	[tilespmem:s11+$0x60] =	vst v4  }
0x135: {  	v3 =	vmul.f32 $8.000000000e+00, v3;
	[tilespmem:s11+$0x50] =	vst v1  }
0x136: {  	v0 =	vmul.f32 $8.000000000e+00, v0;
	[tilespmem:s11+$0x40] =	vst v2  }
0x137: {  	[tilespmem:s11+$0x30] =	vst v3  }
0x138: {  	s30 =	rddreg [dreg:$0x12];
	[tilespmem:s11+$0x10] =	vst v0  }
0x139: {  	[hbm4b:s30+s3] =	stream.linear.scatter [tilespmem:s18], [sflag:$0x9], $0x8000, $0x38;
	[tilespmem:$0x18C00] =	vst v63  }
0x13a: {  	_ =	swait.ge [sflag:s26], $0x8000  }
0x13b: {  	[sflag:s26] =	ssyncset.done $0x0  }
0x13c: {  	[sflag:s26] =	ssyncadd.s32 $0xFFFF8000  }
0x13d: {  	_ =	swait.ge [sflag:s15], $0x200  }
0x13e: {  	[sflag:s15] =	ssyncset.done $0x0  }
0x13f: {  	[sflag:s15] =	ssyncadd.s32 $0xFFFFFE00  }
0x140: {  	_ =	swait.ge [sflag:s15], $0x200  }
0x141: {  	[sflag:s15] =	ssyncset.done $0x0  }
0x142: {  	[sflag:s15] =	ssyncadd.s32 $0xFFFFFE00  }
0x143: {  	[tilespmem:s16], [sflag:$0x5] =	stream.indirect.gather [hbm4b:s7+s1], $0x40, s9, s1, $0xb8;
	[tilespmem:$0x18C00] =	vst v63  }
0x144: {  	_ =	swait.ge [sflag:s14], $0x8000  }
0x145: {  	[sflag:s14] =	ssyncset.done $0x0  }
0x146: {  	[sflag:s14] =	ssyncadd.s32 $0xFFFF8000  }
0x147: {  	[tilespmem:s8], [sflag:$0x4] =	stream.indirect.gather.add.f32 [hbm:s4], $0x40, s3, s1, $0xb8;
	[tilespmem:$0x18C00] =	vst v63  }
0x148: {  	_ =	swait.ge [sflag:s14], $0x8000  }
0x149: {  	[sflag:s14] =	ssyncset.done $0x0  }
0x14a: {  	s11 =	simm.s32 $0xC40;
	[sflag:s14] =	ssyncadd.s32 $0xFFFF8000  }
0x14b: {  	v1 =	vld [tilespmem:s11+$0xFFFFFFC0];
	_ =	sdelay $0x1  }
0x14c: {  	v4 =	vld [tilespmem:s11+$0xFFFFFFD0]  }
0x14d: {  	v6 =	vld [tilespmem:s11+$0xFFFFFFE0]  }
0x14e: {  	v2 =	vld [tilespmem:s11+$0x0]  }
0x14f: {  	v0 =	vld [tilespmem:s11+$0x10];
	v5 =	vmul.f32 $8.000000000e+00, v1  }
0x150: {  	v3 =	vld [tilespmem:s11+$0x20]  }
0x151: {  	v1 =	vld [tilespmem:s11+$0x30];
	[tilespmem:s11+$0xFFFFFFC0] =	vst v5;
	v5 =	vmul.f32 $8.000000000e+00, v4  }
0x152: {  	s12 =	simm.s32 $0x0;
	s19 =	simm.s32 $0xCC0;
	v6 =	vmul.f32 $8.000000000e+00, v6;
	v4 =	vld [tilespmem:s11+$0xFFFFFFF0]  }
.LBB2_16:
0x153: {  	v7 =	vld [tilespmem:s19+$0xFFFFFFC0];
	[tilespmem:s11+$0xFFFFFFD0] =	vst v5;
	v2 =	vmul.f32 $8.000000000e+00, v2  }
0x154: {  	s12 =	sadd.s32 $0x2, s12;
	v5 =	vld [tilespmem:s19+$0xFFFFFFD0];
	[tilespmem:s11+$0xFFFFFFE0] =	vst v6;
	v0 =	vmul.f32 $8.000000000e+00, v0  }
0x155: {  	p0 =	slt.u32 s12, $0x1FE;
	v6 =	vld [tilespmem:s19+$0xFFFFFFE0];
	[tilespmem:s11+$0x0] =	vst v2;
	v3 =	vmul.f32 $8.000000000e+00, v3  }
.Ltmp7:
0x156: {  	v2 =	vld [tilespmem:s19+$0x0];
	[tilespmem:s11+$0x10] =	vst v0;
	v1 =	vmul.f32 $8.000000000e+00, v1;
	(pc) =	sbr.rel @p0 .LBB2_16-.Ltmp7, $4  }
0x157: {  	v0 =	vld [tilespmem:s19+$0x10];
	v4 =	vmul.f32 $8.000000000e+00, v4;
	[tilespmem:s11+$0x20] =	vst v3  }
0x158: {  	v7 =	vmul.f32 $8.000000000e+00, v7;
	v3 =	vld [tilespmem:s19+$0x20];
	[tilespmem:s11+$0x30] =	vst v1  }
0x159: {  	v5 =	vmul.f32 $8.000000000e+00, v5;
	v1 =	vld [tilespmem:s19+$0x30];
	[tilespmem:s11+$0xFFFFFFF0] =	vst v4;
	s11 =	smov.u32 s19  }
0x15a: {  	s19 =	sadd.s32 $0x80, s19;
	[tilespmem:s11+$0xFFFFFFC0] =	vst v7;
	v6 =	vmul.f32 $8.000000000e+00, v6;
	v4 =	vld [tilespmem:s11+$0xFFFFFFF0]  }
0x15b: {  	[tilespmem:s11+$0xFFFFFFD0] =	vst v5;
	v2 =	vmul.f32 $8.000000000e+00, v2  }
0x15c: {  	[tilespmem:s11+$0xFFFFFFE0] =	vst v6;
	v0 =	vmul.f32 $8.000000000e+00, v0  }
0x15d: {  	[tilespmem:s11+$0x0] =	vst v2;
	v2 =	vmul.f32 $8.000000000e+00, v3  }
0x15e: {  	[tilespmem:s11+$0x10] =	vst v0;
	v0 =	vmul.f32 $8.000000000e+00, v1  }
0x15f: {  	v1 =	vmul.f32 $8.000000000e+00, v4;
	[tilespmem:s11+$0x20] =	vst v2  }
0x160: {  	[tilespmem:s11+$0x30] =	vst v0  }
0x161: {  	s30 =	rddreg [dreg:$0x13];
	[tilespmem:s11+$0xFFFFFFF0] =	vst v1  }
0x162: {  	[hbm4b:s30+s3] =	stream.linear.scatter [tilespmem:s8], [sflag:$0x7], $0x8000, $0x38;
	[tilespmem:$0x18C00] =	vst v63  }
0x163: {  	_ =	swait.ge [sflag:s28], $0x8000  }
0x164: {  	[sflag:s28] =	ssyncset.done $0x0  }
0x165: {  	[sflag:s28] =	ssyncadd.s32 $0xFFFF8000  }
0x166: {  	_ =	swait.ge [sflag:s23], $0x8000  }
0x167: {  	[sflag:s23] =	ssyncset.done $0x0  }
0x168: {  	s11 =	simm.s32 $0x8C00;
	[sflag:s23] =	ssyncadd.s32 $0xFFFF8000  }
0x169: {  	[tilespmem:s11], [sflag:$0x5] =	stream.indirect.gather.add.f32 [hbm:s4], $0x40, s1, s1, $0xb8;
	[tilespmem:$0x18C00] =	vst v63  }
0x16a: {  	_ =	swait.ge [sflag:s23], $0x8000  }
0x16b: {  	[sflag:s23] =	ssyncset.done $0x0  }
0x16c: {  	[sflag:s23] =	ssyncadd.s32 $0xFFFF8000  }
0x16d: {  	v0 =	vld [tilespmem:s11+$0x20]  }
0x16e: {  	v5 =	vld [tilespmem:s11+$0x0]  }
0x16f: {  	v6 =	vld [tilespmem:s11+$0x70]  }
0x170: {  	v4 =	vld [tilespmem:s11+$0x60]  }
0x171: {  	v1 =	vld [tilespmem:s11+$0x50]  }
0x172: {  	v2 =	vld [tilespmem:s11+$0x40];
	v7 =	vmul.f32 $8.000000000e+00, v0  }
0x173: {  	v3 =	vld [tilespmem:s11+$0x30];
	v5 =	vmul.f32 $8.000000000e+00, v5  }
0x174: {  	s12 =	simm.s32 $0x0;
	s19 =	simm.s32 $0x8C80;
	v0 =	vld [tilespmem:s11+$0x10];
	v6 =	vmul.f32 $8.000000000e+00, v6;
	[tilespmem:s11+$0x20] =	vst v7  }
.LBB2_18:
0x175: {  	v7 =	vld [tilespmem:s19+$0x20];
	s12 =	sadd.s32 $0x2, s12;
	[tilespmem:s11+$0x0] =	vst v5;
	v4 =	vmul.f32 $8.000000000e+00, v4  }
0x176: {  	v5 =	vld [tilespmem:s19+$0x0];
	p0 =	slt.u32 s12, $0x1FE;
	v1 =	vmul.f32 $8.000000000e+00, v1;
	[tilespmem:s11+$0x70] =	vst v6  }
0x177: {  	v6 =	vld [tilespmem:s19+$0x70];
	v2 =	vmul.f32 $8.000000000e+00, v2;
	[tilespmem:s11+$0x60] =	vst v4  }
.Ltmp8:
0x178: {  	v4 =	vld [tilespmem:s19+$0x60];
	v3 =	vmul.f32 $8.000000000e+00, v3;
	[tilespmem:s11+$0x50] =	vst v1;
	(pc) =	sbr.rel @p0 .LBB2_18-.Ltmp8, $4  }
0x179: {  	v1 =	vld [tilespmem:s19+$0x50];
	v0 =	vmul.f32 $8.000000000e+00, v0;
	[tilespmem:s11+$0x40] =	vst v2  }
0x17a: {  	v7 =	vmul.f32 $8.000000000e+00, v7;
	v2 =	vld [tilespmem:s19+$0x40];
	[tilespmem:s11+$0x30] =	vst v3  }
0x17b: {  	v5 =	vmul.f32 $8.000000000e+00, v5;
	v3 =	vld [tilespmem:s19+$0x30];
	[tilespmem:s11+$0x10] =	vst v0;
	s11 =	smov.u32 s19  }
0x17c: {  	s19 =	sadd.s32 $0x80, s19;
	v0 =	vld [tilespmem:s11+$0x10];
	[tilespmem:s11+$0x20] =	vst v7;
	v6 =	vmul.f32 $8.000000000e+00, v6  }
0x17d: {  	[tilespmem:s11+$0x0] =	vst v5;
	v4 =	vmul.f32 $8.000000000e+00, v4  }
0x17e: {  	v1 =	vmul.f32 $8.000000000e+00, v1;
	[tilespmem:s11+$0x70] =	vst v6  }
0x17f: {  	v2 =	vmul.f32 $8.000000000e+00, v2;
	[tilespmem:s11+$0x60] =	vst v4  }
0x180: {  	v3 =	vmul.f32 $8.000000000e+00, v3;
	[tilespmem:s11+$0x50] =	vst v1  }
0x181: {  	v0 =	vmul.f32 $8.000000000e+00, v0;
	[tilespmem:s11+$0x40] =	vst v2  }
0x182: {  	[tilespmem:s11+$0x30] =	vst v3  }
0x183: {  	s29 =	rddreg [dreg:$0x14];
	[tilespmem:s11+$0x10] =	vst v0  }
0x184: {  	[hbm4b:s29+s3] =	stream.linear.scatter [tilespmem:s16], [sflag:$0x8], $0x8000, $0x38;
	[tilespmem:$0x18C00] =	vst v63  }
0x185: {  	_ =	swait.ge [sflag:s24], $0x8000  }
0x186: {  	[sflag:s24] =	ssyncset.done $0x0  }
0x187: {  	[sflag:s24] =	ssyncadd.s32 $0xFFFF8000  }
0x188: {  	_ =	swait.ge [sflag:s26], $0x8000  }
0x189: {  	s12 =	rddreg [dreg:$0x16]  }
0x18a: {  	s30 =	rddreg [dreg:$0x15];
	s12 =	sadd.s32 $0x1, s12  }
0x18b: {  	p0 =	sne.s32 s12, s30  }
.Ltmp9:
0x18c: {  	_ = 	snop;
	(pc) =	sbr.rel @p0 .LBB2_1-.Ltmp9, $3  }
0x18d: {  	_ =	sdelay $0x1  }
0x18e: {  	[sflag:s26] =	ssyncset.done $0x0  }
0x18f: {  	[sflag:s26] =	ssyncadd.s32 $0xFFFF8000  }
0x190: {  	_ =	sfence.sel $0x180000  }
0x191: {  	[bflag:$0x0] =	sbarrier.arrive $0xFFFF  }
0x192: {  	_ =	strace $0x90000047  }
0x193: {  	s0 =	stileid.u32;
	[bflag:$0x2] =	sbarrier.arrive $0xFFFF  }
0x194: {  	p0 =	sne.s32 s0, $0x0;
	s0 =	rddreg [dreg:$0x2]  }
0x195: {  	s0 =	sadd.s32 @!p0 $0x100000, s0  }
0x196: {  	[sflag:s0] =	ssyncadd.tile.s32 @!p0 $0x1;
	_ =	shalt  }
.Lfunc_end2:
_tile_overlayer_lowered:
.L_overlay_start_2:
0x197: {  	(tag) =	ssettag $0x2  }
0x198: {  	s0 =	rddreg [dreg:$0x0];
	s2 =	stileid.u32  }
0x199: {  	s1 =	rddreg [dreg:$0x1];
	p0 =	sne.s32 s2, $0x0  }
0x19a: {  	s3 =	rddreg [dreg:$0x2];
	[bflag:$0x3] =	sbarrier.arrive $0xFFFF;
	s2 =	simm.s32 @!p0 $0x1C0A  }
0x19b: {  	[timem:s3], [sflag:s2] =	dma.local @!p0 [hbm:s0], s1  }
0x19c: {  	s0 =	simm.s32 @!p0 $0xA  }
0x19d: {  	_ =	swait.ge @!p0 [sflag:s0], s1  }
0x19e: {  	s1 =	ssub.s32 @!p0 $0x0, s1;
	[sflag:s0] =	ssyncset.done @!p0 $0x0  }
0x19f: {  	[sflag:s0] =	ssyncadd.s32 @!p0 s1  }
0x1a0: {  	[bflag:$0x3] =	sbarrier.arrive $0xFFFF  }
0x1a1: {  	_ =	shalt  }

// kernel: sparse-core-data-format-call.cloned.1.call-start
scs
called_computation_lowered:
.L_overlay_start_0:
0x0: {  	s2 =	sld [smem:$0x3FD9]  }
0x1: {  	s3 =	sld [smem:$0x3FFE];
	_ =	sdelay $0x1  }
0x2: {  	s1 =	srdreg.scid  }
0x3: {  	s0 =	sand.u32 $0x1, s1  }
0x4: {  	s18 =	sshll.u32 s0, $0xA;
	s2 =	sadd.s32 s3, s2  }
0x5: {  	s2 =	sadd.s32 s2, s18  }
0x6: {  	[smem:$0x3FC4] =	sst s2  }
0x7: {  	_ = 	snop  }
0x8: {  	s2 =	sld [smem:$0x3FD0];
	(tm) =	ssettm $0x1  }
0x9: {  	s19 =	sld [smem:$0x3FFB];
	_ =	sdelay $0x3  }
0xa: {  	_ =	strace s19  }
0xb: {  	s3 =	sld [smem:$0x3FFC];
	_ =	sdelay $0x3  }
0xc: {  	_ =	strace s3  }
0xd: {  	s3 =	sld [smem:$0x3FFD];
	_ =	sdelay $0x3  }
0xe: {  	_ =	strace s3  }
0xf: {  	_ =	strace $0x8FFFFFFF  }
0x10: {  	s20 =	sld [smem:$0x3FDB];
	_ =	sdelay $0x1  }
0x11: {  	s4 =	simm.s32 $_scs_section_size  }
0x12: {  	s5 =	simm.s32 $_size__tile_overlayer_lowered;
	s6 =	simm.s32 $_tile_overlayer_lowered  }
0x13: {  	s23 =	simm.s32 $0x1BFF;
	s22 =	sshll.u32 s6, $0x1;
	s3 =	sadd.s32 s4, s20  }
0x14: {  	s7 =	simm.s32 $0x0;
	s21 =	sshll.u32 s5, $0x1;
	s5 =	sadd.s32 s22, s3  }
0x15: {  	[timem:s7], [sflag:s23] =	dma.local [hbm:s5], s21  }
0x16: {  	_ =	swait.ge [sflag:s23], s21  }
0x17: {  	s4 =	ssub.s32 $0x0, s21;
	[sflag:s23] =	ssyncset.done $0x0  }
0x18: {  	[sflag:s23] =	ssyncadd.s32 s4;
	_ =	sdelay $0x1  }
0x19: {  	s24 =	simm.s32 $0x1B8B  }
0x1a: {  	_ =	swait.ge [sflag:s24], $0x1  }
0x1b: {  	[sflag:s24] =	ssyncset.done $0x0  }
0x1c: {  	s26 =	simm.s32 $0x1B8E;
	s25 =	sld [smem:$0x3FFE];
	[sflag:s24] =	ssyncadd.s32 $0xFFFFFFFF  }
0x1d: {  	s27 =	simm.s32 $execute0_lowered;
	[smem:$0x3FD2] =	sst s26  }
0x1e: {  	s5 =	sshll.u32 s27, $0x1;
	_ =	strace $0x80000049;
	[dreg:$0x1] =	wrdreg $0xFFFFFFFF  }
0x1f: {  	s28 =	simm.s32 $_size_execute0_lowered;
	s3 =	sadd.s32 s3, s5;
	[dreg:$0x0] =	wrdreg $0x0  }
0x20: {  	s5 =	sshll.u32 s28, $0x1;
	[dreg:$0x2] =	wrdreg s3  }
0x21: {  	[dreg:$0x3] =	wrdreg s5  }
0x22: {  	[dreg:$0x4] =	wrdreg $0xC0  }
0x23: {  	_ =	task [dreg:s7], $0x5FFFF  }
0x24: {  	[dreg:$0x1] =	wrdreg $0xFFFFFFFF  }
0x25: {  	[dreg:$0x0] =	wrdreg $0x60  }
0x26: {  	[dreg:$0x2] =	wrdreg s25  }
0x27: {  	[dreg:$0x3] =	wrdreg s2  }
0x28: {  	[dreg:$0x4] =	wrdreg $0x9  }
0x29: {  	_ =	task.clear_ibuf [dreg:s7], $0x5FFFF;
	_ =	strace $0x90000049  }
0x2a: {  	s29 =	simm.s32 $0x9;
	_ =	strace $0x8000004B  }
0x2b: {  	_ =	swait.ge [sflag:s29], $0x1  }
0x2c: {  	[sflag:s29] =	ssyncadd.s32 $0xFFFFFFFF  }
0x2d: {  	_ =	strace $0x9000004B  }
0x2e: {  	_ =	sfence  }
0x2f: {  	s30 =	sld [smem:$0x0];
	_ =	sdelay $0x2  }
0x30: {  	s31 =	sshll.u32 s1, $0xD;
	s1 =	sshrl.u32 s1, $0x2  }
0x31: {  	s3 =	sand.u32 $0x4000, s31;
	s1 =	sadd.s32 s1, s30  }
0x32: {  	s0 =	sor.u32 s3, s0;
	s1 =	sshll.u32 s1, $0x11  }
0x33: {  	s0 =	sor.u32 s1, s0  }
0x34: {  	s0 =	sadd.s32 $0x8F2B, s0  }
0x35: {  	[sflag:s0] =	ssyncadd.remote.s32 $0x1  }
0x36: {  	_ =	sfence.sel $0xFFFF  }
0x37: {  	[dreg:$0x0] =	wrdreg $0xFFFFFFFF;
	(pc) =	sbr.abs _section_cstart, $3  }
0x38: {  	[dreg:$0x1] =	wrdreg $0xFFFFFFFF  }
0x39: {  	_ =	task.clear_ibuf [dreg:s7], $0x2FFFF;
	_ =	strace $0x9FFFFFFF  }
0x3a: {  	(tm) =	ssettm $0x7FFFFFFF  }
0x3b: {  	_ =	shalt  }
tec
execute0_lowered:
.L_overlay_start_1:
0x0: {  	(tag) =	ssettag $0x1  }
0x1: {  	s0 =	srdreg.scid  }
0x2: {  	s1 =	sshll.u32 s0, $0x4  }
0x3: {  	s0 =	stileid.u32;
	s1 =	sand.u32 $0x10, s1  }
0x4: {  	s1 =	sor.u32 s0, s1  }
0x5: {  	s6 =	rddreg [dreg:$0x0];
	s4 =	simm.s32 $0x1;
	s2 =	sshll.u32 s1, $0x7  }
0x6: {  	s7 =	simm.s32 $0x2;
	s12 =	simm.s32 $0x0;
	s1 =	ssub.s32 $0x1000, s2  }
0x7: {  	s8 =	simm.s32 $0x8000;
	s13 =	simm.s32 $0x0;
	s3 =	sand.u32 $0xF80, s1  }
0x8: {  	s9 =	simm.s32 $0x0;
	s5 =	sshrl.u32 s1, $0xC;
	p0 =	sne.s32 s3, $0x0  }
.Ltmp0:
0x9: {  	s1 =	rddreg [dreg:$0x2];
	s4 =	simm.s32 @!p0 $0x0;
	(pc) =	sbr.rel .LBB1_1-.Ltmp0, $4  }
0xa: {  	s11 =	simm.s32 $0x0;
	s3 =	rddreg [dreg:$0x1];
	s5 =	sadd.s32 s4, s5  }
0xb: {  	_ =	strace $0x8000004A;
	s4 =	simm.s32 $0x1;
	s5 =	smul.u32 $0xC8, s5  }
0xc: {  	s6 =	sadd.s32 $0x1000, s6;
	s10 =	smov.u32 s2;
	[sflag:s4] =	ssyncpa.u1 $0x0  }
0xd: {  	p0 =	por $0x0, $0x0;
	[sflag:s7] =	ssyncpa.u1 $0x0;
	s7 =	sor.u32 $0x1, s5  }
.LBB1_4:
0xe: {  	s16 =	sshll.u32 s13, $0x3;
	s17 =	sand.u32 $0x78, s13  }
0xf: {  	s30 =	sand.u32 $0x7E00, s13;
	s12 =	sshll.u32 s12, $0xF;
	s16 =	sand.u32 $0xC00, s16  }
0x10: {  	[tilespmem:s15+$0x810 ss:$0x81] =	vst.msk $0xffff, v2;
	s31 =	sand.u32 $0x7, s13;
	s16 =	sor.u32 s17, s16;
	s17 =	sadd.s32 s3, s30  }
0x11: {  	[tilespmem:s15+$0x1020 ss:$0x81] =	vst.msk $0xffff, v0;
	s13 =	sshll.u32 s31, $0x12;
	s12 =	sadd.s32 s12, s17;
	s16 =	sshrl.u32 s16, $0x3  }
0x12: {  	[tilespmem:s15+$0x0 ss:$0x81] =	vst.msk $0xffff, v1;
	s13 =	sor.u32 $0x400, s13;
	s12 =	sadd.s32 s16, s12  }
0x13: {  	[hbm4b:s12+s13] =	stream.strided.scatter [tilespmem:s14], [sflag:$0x2], $0x2000, s8, s13, $0x20;
	[tilespmem:$0x8080] =	vst v63  }
.LBB1_5:
0x14: {  	s14 =	sadd.s32 $0x1, s9  }
0x15: {  	s12 =	sadd.s32 $0x1000, s10;
	s16 =	smov.u32 s10;
	p2 =	sgt.s32 s14, $0xC7  }
0x16: {  	s16 =	smov.u32 @p2 s12  }
0x17: {  	s14 =	simm.s32 @p2 $0x0;
	p2 =	sgt.s32 s16, $0xFFF  }
0x18: {  	s16 =	smov.u32 @p2 s2;
	p2 =	sne.s32 s11, s7  }
.Ltmp1:
0x19: {  	p1 =	slt.u32 s11, $0x2;
	(pc) =	sbr.rel @!p2 .LBB1_6-.Ltmp1, $4  }
0x1a: {  	s15 =	simm.s32 @!p1 $0x2  }
0x1b: {  	s13 =	smov.u32 s10;
	p0 =	por !p0, !p0;
	_ =	swait.ge @!p1 [sflag:s15], $0x2000  }
0x1c: {  	s12 =	smov.u32 s9;
	[sflag:s15] =	ssyncset.done @!p1 $0x0;
	s9 =	smov.u32 s14  }
0x1d: {  	s11 =	sadd.s32 $0x1, s11;
	[sflag:s15] =	ssyncadd.s32 @!p1 $0xFFFFE000;
	s10 =	smov.u32 s16  }
.LBB1_1:
0x1e: {  	p1 =	sge.u32 s11, s5  }
0x1f: {  	s14 =	sand.u32 @!p1 $0x1FFFFFF, s9  }
0x20: {  	s15 =	smulhi.u32 @!p1 $0x147AE15, s14;
	_ =	sdelay $0x1  }
0x21: {  	s15 =	smul.u32 @!p1 $0xC8, s15  }
0x22: {  	s16 =	sxor.u32 @!p1 $0xFFFFFFFF, s11;
	s17 =	smul.u32 @!p1 $0xC80, s10  }
0x23: {  	s31 =	sadd.s32 $0xFFFFFFFF, s11;
	s16 =	sshll.u32 @!p1 s16, $0xD;
	s14 =	ssub.s32 @!p1 s14, s15  }
0x24: {  	s15 =	sand.u32 @!p1 $0x2000, s16;
	s16 =	sadd.s32 @!p1 s6, s17;
	s14 =	sshll.u32 @!p1 s14, $0x4  }
0x25: {  	s17 =	simm.s32 @!p1 $0x6400;
	s14 =	sadd.s32 @!p1 s14, s16;
	s16 =	simm.s32 @!p1 $0x40  }
0x26: {  	[tilespmem:s15], [sflag:$0x1] =	stream.strided.gather @!p1 [hbm4b:s14+s16], $0x2000, s17, s16, $0x38;
	[tilespmem:$0x8080] =	vst v63  }
0x27: {  	p1 =	sge.u32 s31, s5  }
.Ltmp2:
0x28: {  	_ = 	snop;
	(pc) =	sbr.rel @p1 .LBB1_5-.Ltmp2, $1  }
0x29: {  	_ =	sdelay $0x3  }
0x2a: {  	s14 =	simm.s32 $0x1  }
0x2b: {  	_ =	swait.ge [sflag:s4], $0x2000;
	s14 =	simm.s32 @!p0 $0x0  }
0x2c: {  	[sflag:s4] =	ssyncset.done $0x0;
	s15 =	sshll.u32 s14, $0xD  }
0x2d: {  	[sflag:s4] =	ssyncadd.s32 $0xFFFFE000;
	s18 =	sor.u32 $0x20, s15  }
0x2e: {  	s14 =	smul.u32 $0x8100, s14;
	v3 =	vld [tilespmem:s18+$0x10]  }
0x2f: {  	s30 =	sand.u32 $0x1, s11;
	v2 =	vld [tilespmem:s18+$0xFFFFFFF0]  }
0x30: {  	s15 =	smul.u32 $0x8100, s30;
	s14 =	sshrl.u32 s14, $0x2;
	v0 =	vld [tilespmem:s18+$0x0]  }
0x31: {  	v1 =	vld [tilespmem:s18+$0xFFFFFFE0];
	s16 =	sor.u32 $0x4000, s14  }
0x32: {  	s31 =	sshrl.u32 s15, $0x2;
	s15 =	sadd.s32 $0x0, s16  }
0x33: {  	s17 =	simm.s32 $0x4;
	s18 =	sadd.s32 $0x40, s18;
	s14 =	sor.u32 $0x4000, s31;
	[tilespmem:s15+$0x1830 ss:$0x81] =	vst.msk $0xffff, v3  }
.LBB1_3:
0x34: {  	v3 =	vld [tilespmem:s18+$0x10];
	p1 =	sne.s32 s17, $0x1FC;
	[tilespmem:s15+$0x810 ss:$0x81] =	vst.msk $0xffff, v2;
	s19 =	smov.u32 s17;
	s17 =	sadd.s32 $0x4, s17  }
.Ltmp3:
0x35: {  	v2 =	vld [tilespmem:s18+$0xFFFFFFF0];
	[tilespmem:s15+$0x1020 ss:$0x81] =	vst.msk $0xffff, v0;
	(pc) =	sbr.rel @p1 .LBB1_3-.Ltmp3, $4  }
0x36: {  	v0 =	vld [tilespmem:s18+$0x0];
	[tilespmem:s15+$0x0 ss:$0x81] =	vst.msk $0xffff, v1  }
0x37: {  	s15 =	sshra.s32 s19, $0x2;
	v1 =	vld [tilespmem:s18+$0xFFFFFFE0]  }
0x38: {  	s15 =	sadd.s32 s15, s16  }
0x39: {  	s18 =	sadd.s32 $0x40, s18;
	[tilespmem:s15+$0x1830 ss:$0x81] =	vst.msk $0xffff, v3  }
.Ltmp4:
0x3a: {  	_ = 	snop;
	(pc) =	sbr.rel .LBB1_4-.Ltmp4, $1  }
0x3b: {  	_ =	sdelay $0x3  }
.LBB1_6:
0x3c: {  	_ =	sfence.sel $0x180000  }
0x3d: {  	s2 =	simm.s32 $0x1;
	[bflag:$0x0] =	sbarrier.arrive $0xFFFF  }
0x3e: {  	s31 =	simm.s32 $0x2;
	[sflag:s2] =	ssyncpa.u1 $0x1  }
0x3f: {  	[sflag:s31] =	ssyncpa.u1 $0x1  }
0x40: {  	p0 =	sne.s32 s0, $0x0;
	_ =	strace $0x9000004A  }
0x41: {  	s0 =	sadd.s32 @!p0 $0x100000, s1;
	[bflag:$0x2] =	sbarrier.arrive $0xFFFF  }
0x42: {  	[sflag:s0] =	ssyncadd.tile.s32 @!p0 $0x1;
	_ =	shalt  }
.Lfunc_end1:
_tile_overlayer_lowered:
.L_overlay_start_2:
0x43: {  	(tag) =	ssettag $0x2  }
0x44: {  	s0 =	rddreg [dreg:$0x0];
	s2 =	stileid.u32  }
0x45: {  	s1 =	rddreg [dreg:$0x1];
	p0 =	sne.s32 s2, $0x0  }
0x46: {  	s3 =	rddreg [dreg:$0x2];
	[bflag:$0x3] =	sbarrier.arrive $0xFFFF;
	s2 =	simm.s32 @!p0 $0x1C01  }
0x47: {  	[timem:s3], [sflag:s2] =	dma.local @!p0 [hbm:s0], s1  }
0x48: {  	s0 =	simm.s32 @!p0 $0x1  }
0x49: {  	_ =	swait.ge @!p0 [sflag:s0], s1  }
0x4a: {  	s1 =	ssub.s32 @!p0 $0x0, s1;
	[sflag:s0] =	ssyncset.done @!p0 $0x0  }
0x4b: {  	[sflag:s0] =	ssyncadd.s32 @!p0 s1  }
0x4c: {  	[bflag:$0x3] =	sbarrier.arrive $0xFFFF  }
0x4d: {  	_ =	shalt  }

</sc_bundles>
